<compile_context>
chip_gen: v7x
topology: tpu7x:2x2x1
jax: 0.10.2.dev20260603
libtpu: 0.0.44.dev20260713+nightly
codegen_flags: <defaults>
</compile_context>

<pallas_src>
import jax
import jax.numpy as jnp
from jax import lax
from jax.experimental import pallas as pl
from jax.experimental.pallas import tpu as pltpu
from jax.experimental.pallas import tpu_sc as plsc

NN = 50000
NE = 800000
DH = 32
CHUNK = 128
NROWS = NE // CHUNK
NCORES = 2
NSUB = 16
GG = 25
NGRP = NROWS // GG
NACC = 51200
SLICE = NACC // NSUB
DCHUNK = 160
NHOPS = SLICE // DCHUNK

_mesh = plsc.VectorSubcoreMesh(core_axis_name="c", subcore_axis_name="s")
_f32 = jnp.float32
_bf16 = jnp.bfloat16
_sc_params = pltpu.CompilerParams(use_tc_tiling_on_sc=False)



def _init_acc(acc, zeros_hbm, stage, s):
    pltpu.sync_copy(zeros_hbm, stage)

    def init(h, carry):
        pltpu.sync_copy(stage, acc.at[pl.ds(s * SLICE + h * DCHUNK, DCHUNK)])
        return carry

    lax.fori_loop(0, NHOPS, init, 0)


def _dump_acc(acc, out, stage, s):
    def dump(h, carry):
        pltpu.sync_copy(acc.at[pl.ds(s * SLICE + h * DCHUNK, DCHUNK)], stage)
        pltpu.sync_copy(stage, out.at[pl.ds(s * SLICE + h * DCHUNK, DCHUNK)])
        return carry

    lax.fori_loop(0, NHOPS, dump, 0)


def _gs_loop(table, gidx, sidx, acc, gv, sv, r0, r1, sg0, sg1, ss0, ss1,
             w, stride, kmax):

    def group(k, carry):
        g = w + stride * k

        @pl.when(g < NGRP)
        def _():
            pltpu.sync_copy(gidx.at[pl.ds(g * GG, GG)], gv)
            pltpu.sync_copy(sidx.at[pl.ds(g * GG, GG)], sv)
            pltpu.async_copy(table.at[gv.at[0]], r0, sg0)

            def body(j, carry2):
                @pl.when(j % 2 == 0)
                def _():
                    @pl.when(j + 1 < GG)
                    def _():
                        @pl.when(j > 0)
                        def _():
                            pltpu.make_async_copy(r1, acc.at[sv.at[j]], ss1).wait()
                        pltpu.async_copy(table.at[gv.at[j + 1]], r1, sg1)
                    pltpu.make_async_copy(table.at[gv.at[j]], r0, sg0).wait()
                    pltpu.async_copy(r0, acc.at[sv.at[j]], ss0, add=True)

                @pl.when(j % 2 == 1)
                def _():
                    @pl.when(j + 1 < GG)
                    def _():
                        pltpu.make_async_copy(r0, acc.at[sv.at[j]], ss0).wait()
                        pltpu.async_copy(table.at[gv.at[j + 1]], r0, sg0)
                    pltpu.make_async_copy(table.at[gv.at[j]], r1, sg1).wait()
                    pltpu.async_copy(r1, acc.at[sv.at[j]], ss1, add=True)

                return carry2

            lax.fori_loop(0, GG, body, 0)
            pltpu.make_async_copy(r0, acc.at[sv.at[0]], ss0).wait()
            pltpu.make_async_copy(r1, acc.at[sv.at[0]], ss1).wait()

        return carry

    lax.fori_loop(0, kmax, group, 0)


def _fwd_body(az, ax, sz, dz, sx, dx, zeros_hbm, out_z, out_x,
              acc, gv, sv, r0, r1, stage, sg0, sg1, ss0, ss1):
    c = lax.axis_index("c")
    s = lax.axis_index("s")
    _init_acc(acc, zeros_hbm, stage, s)
    plsc.subcore_barrier()

    @pl.when(c == 0)
    def _():
        _gs_loop(az, sz, dz, acc, gv, sv, r0, r1, sg0, sg1, ss0, ss1,
                 s, NSUB, NGRP // NSUB + 1)

    @pl.when(c == 1)
    def _():
        _gs_loop(ax, sx, dx, acc, gv, sv, r0, r1, sg0, sg1, ss0, ss1,
                 s, NSUB, NGRP // NSUB + 1)

    plsc.subcore_barrier()

    @pl.when(c == 0)
    def _():
        _dump_acc(acc, out_z, stage, s)

    @pl.when(c == 1)
    def _():
        _dump_acc(acc, out_x, stage, s)


def _bwd_body(cm, dz, sz, zeros_hbm, out0, out1,
              acc, gv, sv, r0, r1, stage, sg0, sg1, ss0, ss1):
    c = lax.axis_index("c")
    s = lax.axis_index("s")
    _init_acc(acc, zeros_hbm, stage, s)
    plsc.subcore_barrier()
    _gs_loop(cm, dz, sz, acc, gv, sv, r0, r1, sg0, sg1, ss0, ss1,
             c * NSUB + s, NCORES * NSUB, NGRP // (NCORES * NSUB) + 1)
    plsc.subcore_barrier()

    @pl.when(c == 0)
    def _():
        _dump_acc(acc, out0, stage, s)

    @pl.when(c == 1)
    def _():
        _dump_acc(acc, out1, stage, s)


_gs_scratch = [
    pltpu.VMEM_SHARED((NACC, DH), _bf16),
    pltpu.VMEM((GG, CHUNK), jnp.int32),
    pltpu.VMEM((GG, CHUNK), jnp.int32),
    pltpu.VMEM((CHUNK, DH), _bf16),
    pltpu.VMEM((CHUNK, DH), _bf16),
    pltpu.VMEM((DCHUNK, DH), _bf16),
    pltpu.SemaphoreType.DMA,
    pltpu.SemaphoreType.DMA,
    pltpu.SemaphoreType.DMA,
    pltpu.SemaphoreType.DMA,
]

_acc_out = jax.ShapeDtypeStruct((NACC, DH), _bf16)

_fwd_kernel = pl.kernel(
    _fwd_body,
    out_type=(_acc_out, _acc_out),
    mesh=_mesh,
    scratch_types=_gs_scratch,
    compiler_params=_sc_params,
)

_bwd_kernel = pl.kernel(
    _bwd_body,
    out_type=(_acc_out, _acc_out),
    mesh=_mesh,
    scratch_types=_gs_scratch,
    compiler_params=_sc_params,
)


def _deg_body(sz, dz, sx, dx, ones_hbm, zeros_hbm, degz, degcz, degx, degcx,
              acc_a, acc_b, idx_a, idx_b, ones_v, stage, sem):
    c = lax.axis_index("c")
    s = lax.axis_index("s")

    pltpu.sync_copy(zeros_hbm, stage)
    pltpu.sync_copy(stage, acc_a.at[pl.ds(s * SLICE, SLICE)])
    pltpu.sync_copy(stage, acc_b.at[pl.ds(s * SLICE, SLICE)])
    pltpu.sync_copy(ones_hbm, ones_v)
    plsc.subcore_barrier()

    def run(gi, si):
        def group(k, carry):
            g = s + NSUB * k

            @pl.when(g < NGRP)
            def _():
                pltpu.sync_copy(gi.at[pl.ds(g * GG, GG)], idx_a)
                pltpu.sync_copy(si.at[pl.ds(g * GG, GG)], idx_b)

                def fire(j, carry2):
                    pltpu.async_copy(ones_v, acc_a.at[idx_a.at[j]], sem, add=True)
                    pltpu.async_copy(ones_v, acc_b.at[idx_b.at[j]], sem, add=True)
                    return carry2

                lax.fori_loop(0, GG, fire, 0)

                def drain(j, carry2):
                    pltpu.make_async_copy(ones_v, acc_a.at[idx_a.at[0]], sem).wait()
                    pltpu.make_async_copy(ones_v, acc_b.at[idx_b.at[0]], sem).wait()
                    return carry2

                lax.fori_loop(0, GG, drain, 0)

            return carry

        lax.fori_loop(0, NGRP // NSUB + 1, group, 0)

    @pl.when(c == 0)
    def _():
        run(sz, dz)

    @pl.when(c == 1)
    def _():
        run(sx, dx)

    plsc.subcore_barrier()

    def dump(acc, out):
        pltpu.sync_copy(acc.at[pl.ds(s * SLICE, SLICE)], stage)
        pltpu.sync_copy(stage, out.at[pl.ds(s * SLICE, SLICE)])

    @pl.when(c == 0)
    def _():
        dump(acc_a, degz)
        dump(acc_b, degcz)

    @pl.when(c == 1)
    def _():
        dump(acc_a, degx)
        dump(acc_b, degcx)


_deg_kernel = pl.kernel(
    _deg_body,
    out_type=tuple(jax.ShapeDtypeStruct((NACC,), _f32) for _ in range(4)),
    mesh=_mesh,
    scratch_types=[
        pltpu.VMEM_SHARED((NACC,), _f32),
        pltpu.VMEM_SHARED((NACC,), _f32),
        pltpu.VMEM((GG, CHUNK), jnp.int32),
        pltpu.VMEM((GG, CHUNK), jnp.int32),
        pltpu.VMEM((CHUNK,), _f32),
        pltpu.VMEM((SLICE,), _f32),
        pltpu.SemaphoreType.DMA,
    ],
    compiler_params=_sc_params,
)



EBLK = 1000
EGRID = NN // EBLK
BLK = 2048
GRID = NACC // BLK


def _norm(d):
    return jnp.where(d > 0.0, lax.rsqrt(jnp.maximum(d, 1.0)), 0.0)


def _enc0_body(z, Wz, bz, W2, az0):
    hz = jnp.maximum(jnp.dot(z[...], Wz[...], preferred_element_type=_f32) + bz[...], 0.0)
    az0[...] = jnp.dot(hz, W2[...], preferred_element_type=_f32).astype(_bf16)


def _scale_body(az0, x, dgz, dgx, wx, bx, W2, az, ax):
    nz = _norm(dgz[...]).reshape(BLK, 1)
    nx = _norm(dgx[...]).reshape(BLK, 1)
    az[...] = (az0[...].astype(_f32) * nz).astype(_bf16)
    hx = jnp.maximum(x[...].reshape(BLK, 1) * wx[...] + bx[...], 0.0)
    ax[...] = jnp.dot(hx * nx, W2[...], preferred_element_type=_f32).astype(_bf16)


def _hc_body(a0, a1, dcz, dcx, b2, W2, cm):
    ncz = _norm(dcz[...]).reshape(BLK, 1)
    ncx = _norm(dcx[...]).reshape(BLK, 1)
    hc = jnp.maximum(a0[...].astype(_f32) * ncz + a1[...].astype(_f32) * ncx
                     + 2.0 * b2[...], 0.0)
    cm[...] = jnp.dot(hc * ncz, W2[...], preferred_element_type=_f32).astype(_bf16)


def _out_body(p0, p1, dgz, b2, Wo1, bo1, Wo2, bo2, acc):
    nz = _norm(dgz[...]).reshape(BLK, 1)
    hzo = jnp.maximum((p0[...].astype(_f32) + p1[...].astype(_f32)) * nz + b2[...], 0.0)
    h1 = jnp.maximum(jnp.dot(hzo, Wo1[...], preferred_element_type=_f32) + bo1[...], 0.0)
    h2 = jnp.maximum(jnp.dot(h1, Wo2[...], preferred_element_type=_f32) + bo2[...], 0.0)
    rid = pl.program_id(0) * BLK + lax.broadcasted_iota(jnp.int32, (BLK, 1), 0)
    h2 = jnp.where(rid < NN, h2, 0.0)
    bs = jnp.sum(h2, axis=0, keepdims=True)

    @pl.when(pl.program_id(0) == 0)
    def _():
        acc[...] = jnp.zeros_like(acc)

    acc[...] += bs


def _t_spec():
    return pl.BlockSpec((BLK, DH), lambda i: (i, 0))


def _v_spec():
    return pl.BlockSpec((BLK,), lambda i: (i,))


def _full_spec(shape):
    ndim = len(shape)
    return pl.BlockSpec(shape, lambda i: (0,) * ndim)


_table = jax.ShapeDtypeStruct((NACC, DH), _bf16)

_enc0_call = pl.pallas_call(
    _enc0_body,
    grid=(EGRID,),
    in_specs=[
        pl.BlockSpec((EBLK, 128), lambda i: (i, 0)),
        _full_spec((128, DH)), _full_spec((1, DH)), _full_spec((DH, DH)),
    ],
    out_specs=pl.BlockSpec((EBLK, DH), lambda i: (i, 0)),
    out_shape=_table,
)

_scale_call = pl.pallas_call(
    _scale_body,
    grid=(GRID,),
    in_specs=[
        _t_spec(), _v_spec(), _v_spec(), _v_spec(),
        _full_spec((1, DH)), _full_spec((1, DH)), _full_spec((DH, DH)),
    ],
    out_specs=[_t_spec(), _t_spec()],
    out_shape=[_table] * 2,
)

_hc_call = pl.pallas_call(
    _hc_body,
    grid=(GRID,),
    in_specs=[
        _t_spec(), _t_spec(), _v_spec(), _v_spec(),
        _full_spec((1, DH)), _full_spec((DH, DH)),
    ],
    out_specs=_t_spec(),
    out_shape=_table,
)

_out_call = pl.pallas_call(
    _out_body,
    grid=(GRID,),
    in_specs=[
        _t_spec(), _t_spec(), _v_spec(),
        _full_spec((1, DH)), _full_spec((DH, DH)), _full_spec((1, DH)),
        _full_spec((DH, DH)), _full_spec((1, DH)),
    ],
    out_specs=pl.BlockSpec((1, DH), lambda i: (0, 0)),
    out_shape=jax.ShapeDtypeStruct((1, DH), _f32),
)



def _rows(idx):
    return idx.astype(jnp.int32).reshape(NROWS, CHUNK)


def kernel(z_feats, x_feats, c_feats, edge_index_z2c, edge_index_x2c,
           eweights_z2c, eweights_x2c, Wz, bz, Wx, bx, Wc, bc,
           W1, b1, W2, b2, Wo1, bo1, Wo2, bo2, Wo3, bo3):
    sz = _rows(edge_index_z2c[0])
    dz = _rows(edge_index_z2c[1])
    sx = _rows(edge_index_x2c[0])
    dx = _rows(edge_index_x2c[1])

    ones_hbm = jnp.ones((CHUNK,), _f32)
    zeros1 = jnp.zeros((SLICE,), _f32)
    zeros2 = jnp.zeros((DCHUNK, DH), _bf16)
    x_pad = jnp.pad(x_feats.reshape(NN), (0, NACC - NN))

    degz, degcz, degx, degcx = _deg_kernel(sz, dz, sx, dx, ones_hbm, zeros1)

    row = lambda v: v.reshape(1, DH)

    az0 = _enc0_call(z_feats, Wz, row(bz), W2)
    az, ax = _scale_call(az0, x_pad, degz, degx,
                         Wx.reshape(1, DH), row(bx), W2)

    agg_cz, agg_cx = _fwd_kernel(az, ax, sz, dz, sx, dx, zeros2)

    cm = _hc_call(agg_cz, agg_cx, degcz, degcx, row(b2), W2)

    p0, p1 = _bwd_kernel(cm, dz, sz, zeros2)

    acc = _out_call(p0, p1, degz, row(b2), Wo1, row(bo1), Wo2, row(bo2))

    return acc @ Wo3 * (1.0 / NN) + bo3[None, :]

# --- scband reference (transcript-rebuilt; emitter-appended) ---
"""Pipeline reference for scband-instance-gcn-30013231464488 (READ-ONLY COPY).

The authoritative reference and input builder live on the scoring server;
editing this copy changes nothing except your own understanding.
"""

import jax, jax.numpy as jnp
import numpy as np

NZ = 50000
NX = 50000
NC = 50000
EZ = 800000
EX = 800000
DZ = 128
DH = 32


def _lin_params(k, fi, fo):
    k1, k2 = jax.random.split(k)
    bound = 1.0 / np.sqrt(fi)
    W = jax.random.uniform(k1, (fi, fo), minval=-bound, maxval=bound, dtype=jnp.float32) / 10.0
    b = jax.random.uniform(k2, (fo,), minval=-bound, maxval=bound, dtype=jnp.float32)
    return W, b


def _glorot(k, fi, fo):
    lim = np.sqrt(6.0 / (fi + fo))
    return jax.random.uniform(k, (fi, fo), minval=-lim, maxval=lim, dtype=jnp.float32)


def setup_inputs(seed: int = 0):
    key = jax.random.key(seed)
    ks = jax.random.split(key, 16)
    inp = {}
    inp["z_feats"] = jax.random.normal(ks[0], (NZ, DZ), dtype=jnp.float32)
    inp["x_feats"] = jax.random.normal(ks[1], (NX, 1), dtype=jnp.float32)
    inp["c_feats"] = jax.random.normal(ks[2], (NC, 1), dtype=jnp.float32)
    inp["edge_index_z2c"] = jax.random.randint(ks[3], (2, EZ), 0, NZ)
    inp["edge_index_x2c"] = jax.random.randint(ks[4], (2, EX), 0, NX)
    inp["eweights_z2c"] = jax.random.uniform(ks[5], (EZ,), dtype=jnp.float32)
    inp["eweights_x2c"] = jax.random.uniform(ks[6], (EX,), dtype=jnp.float32)
    inp["Wz"], inp["bz"] = _lin_params(ks[7], DZ, DH)
    inp["Wx"], inp["bx"] = _lin_params(ks[8], 1, DH)
    inp["Wc"], inp["bc"] = _lin_params(ks[9], 1, DH)
    inp["W1"] = _glorot(ks[10], DH, DH)
    inp["b1"] = jnp.zeros((DH,), jnp.float32)
    inp["W2"] = _glorot(ks[11], DH, DH)
    inp["b2"] = jnp.zeros((DH,), jnp.float32)
    inp["Wo1"], inp["bo1"] = _lin_params(ks[12], DH, DH)
    inp["Wo2"], inp["bo2"] = _lin_params(ks[13], DH, DH)
    inp["Wo3"], inp["bo3"] = _lin_params(ks[14], DH, 1)
    return inp


def _graph_conv(h_src, src, dst, n_dst, W, b):
    # DGL GraphConv, norm='both': h_dst = norm_dst * sum_edges(norm_src * (h_src @ W)) + b
    n_src = h_src.shape[0]
    out_deg = jnp.zeros((n_src,), jnp.float32).at[src].add(1.0)
    in_deg = jnp.zeros((n_dst,), jnp.float32).at[dst].add(1.0)
    norm_src = jnp.where(out_deg > 0, 1.0 / jnp.sqrt(jnp.maximum(out_deg, 1.0)), 0.0)
    norm_dst = jnp.where(in_deg > 0, 1.0 / jnp.sqrt(jnp.maximum(in_deg, 1.0)), 0.0)
    h = (h_src * norm_src[:, None]) @ W
    agg = jnp.zeros((n_dst, h.shape[1]), h.dtype).at[dst].add(h[src])
    return agg * norm_dst[:, None] + b


def _forward(z_feats, x_feats, c_feats, eiz, eix, Wz, bz, Wx, bx, Wc, bc,
             W1, b1, W2, b2, Wo1, bo1, Wo2, bo2, Wo3, bo3):
    h_z = jax.nn.relu(z_feats @ Wz + bz)
    h_x = jax.nn.relu(x_feats @ Wx + bx)
    h_c = jax.nn.relu(c_feats @ Wc + bc)
    src_z, dst_zc = eiz[0], eiz[1]
    src_x, dst_xc = eix[0], eix[1]
    convs = [(W1, b1), (W2, b2)]
    # n_passes = 1
    # forward pass: variable/integer nodes -> constraint nodes (HeteroGraphConv sum aggregate)
    for (W, b) in convs:
        out_c = _graph_conv(h_z, src_z, dst_zc, NC, W, b) + _graph_conv(h_x, src_x, dst_xc, NC, W, b)
        h_c = jax.nn.relu(out_c)
    # backward pass on reversed graph: constraint nodes -> z and x nodes
    for (W, b) in convs:
        out_z = _graph_conv(h_c, dst_zc, src_z, NZ, W, b)
        out_x = _graph_conv(h_c, dst_xc, src_x, NX, W, b)
        h_z = jax.nn.relu(out_z)
        h_x = jax.nn.relu(out_x)
    h = jax.nn.relu(h_z @ Wo1 + bo1)
    h = jax.nn.relu(h @ Wo2 + bo2)
    logit = h @ Wo3 + bo3
    # dgl.readout_nodes(op='mean', ntype='z') on a single batched graph
    return jnp.mean(logit, axis=0, keepdims=True)


def reference(z_feats, x_feats, c_feats, edge_index_z2c, edge_index_x2c,
              eweights_z2c, eweights_x2c, Wz, bz, Wx, bx, Wc, bc,
              W1, b1, W2, b2, Wo1, bo1, Wo2, bo2, Wo3, bo3):
    # eweights are accepted per the torch forward signature, but HeteroGraphConv
    # mod_kwargs keys ('edge_weights', 'efeats') are not etype names, so DGL drops
    # them and the convs run unweighted; they are therefore unused here too.
    del eweights_z2c, eweights_x2c
    return _forward(z_feats, x_feats, c_feats, edge_index_z2c, edge_index_x2c,
                    Wz, bz, Wx, bx, Wc, bc, W1, b1, W2, b2,
                    Wo1, bo1, Wo2, bo2, Wo3, bo3)

if __name__ == "__main__":
    import jax
    _d = setup_inputs()
    print(jax.jit(kernel)(*tuple(_d.values())))

</pallas_src>

<mosaic_0001>
#map = affine_map<(d0, d1) -> (0, 0)>
module attributes {stable_mosaic.version = 14 : i64} {
  func.func @_fwd_body(%arg0: i32, %arg1: i32, %arg2: memref<51200x32xbf16, #tpu.memory_space<hbm>>, %arg3: memref<51200x32xbf16, #tpu.memory_space<hbm>>, %arg4: memref<6250x128xi32, #tpu.memory_space<hbm>>, %arg5: memref<6250x128xi32, #tpu.memory_space<hbm>>, %arg6: memref<6250x128xi32, #tpu.memory_space<hbm>>, %arg7: memref<6250x128xi32, #tpu.memory_space<hbm>>, %arg8: memref<160x32xbf16, #tpu.memory_space<hbm>>, %arg9: memref<51200x32xbf16, #tpu.memory_space<hbm>>, %arg10: memref<51200x32xbf16, #tpu.memory_space<hbm>>, %arg11: memref<51200x32xbf16, #tpu.memory_space<vmem_shared>>, %arg12: memref<25x128xi32, #tpu.memory_space<vmem>>, %arg13: memref<25x128xi32, #tpu.memory_space<vmem>>, %arg14: memref<128x32xbf16, #tpu.memory_space<vmem>>, %arg15: memref<128x32xbf16, #tpu.memory_space<vmem>>, %arg16: memref<160x32xbf16, #tpu.memory_space<vmem>>, %arg17: memref<!tpu.dma_semaphore, #tpu.memory_space<semaphore_mem>>, %arg18: memref<!tpu.dma_semaphore, #tpu.memory_space<semaphore_mem>>, %arg19: memref<!tpu.dma_semaphore, #tpu.memory_space<semaphore_mem>>, %arg20: memref<!tpu.dma_semaphore, #tpu.memory_space<semaphore_mem>>) attributes {dimension_semantics = [#tpu.dimension_semantics<core_parallel>, #tpu.dimension_semantics<subcore_parallel>], iteration_bounds = array<i64: 2, 16>, scalar_prefetch = 0 : i64, scratch_operands = 10 : i64, tpu.core_type = #tpu.core_type<sc_vector_subcore>, window_params = [{transform_indices = #map}, {transform_indices = #map}, {transform_indices = #map}, {transform_indices = #map}, {transform_indices = #map}, {transform_indices = #map}, {transform_indices = #map}, {transform_indices = #map}, {transform_indices = #map}]} {
    "tpu.region"() ({
      %run_scoped3A = tpu.sem_alloc : memref<!tpu.dma_semaphore, #tpu.memory_space<semaphore_mem>>
      tpu.enqueue_dma source(%arg8 : memref<160x32xbf16, #tpu.memory_space<hbm>>) target(%arg16 : memref<160x32xbf16, #tpu.memory_space<vmem>>) target_semaphore(%run_scoped3A : memref<!tpu.dma_semaphore, #tpu.memory_space<semaphore_mem>>)
      tpu.wait_dma2 semaphore(%run_scoped3A : memref<!tpu.dma_semaphore, #tpu.memory_space<semaphore_mem>>) src(%arg8 : memref<160x32xbf16, #tpu.memory_space<hbm>>) dst(%arg16 : memref<160x32xbf16, #tpu.memory_space<vmem>>)
      tpu.yield
    }) : () -> ()
    %scan3A = arith.constant 0 : i32
    %scan3A_0 = arith.constant 0 : i32
    %scan3A_1 = arith.constant 20 : i32
    %scan3A_2 = arith.addi %scan3A_0, %scan3A_1 : i32
    %scan3A_3 = arith.constant 1 : i32
    scf.for %scan3A_23 = %scan3A_0 to %scan3A_2 step %scan3A_3  : i32 {
      %mul3A = arith.constant 3200 : i32
      %mul3A_24 = arith.muli %arg1, %mul3A : i32
      %mul3A_25 = arith.constant 160 : i32
      %mul3A_26 = arith.muli %scan3A_23, %mul3A_25 : i32
      %add3A = arith.addi %mul3A_24, %mul3A_26 : i32
      "tpu.region"() ({
        %run_scoped3A = tpu.sem_alloc : memref<!tpu.dma_semaphore, #tpu.memory_space<semaphore_mem>>
        %dma_start3A = arith.constant 0 : i32
        %dma_start3A_27 = tpu.memref_slice %arg11[%add3A, %dma_start3A] : memref<51200x32xbf16, #tpu.memory_space<vmem_shared>> -> memref<160x32xbf16, #tpu.memory_space<vmem_shared>>
        %dma_start3A_28 = arith.constant 0 : i32
        %dma_start3A_29 = tpu.memref_slice %arg11[%add3A, %dma_start3A_28] : memref<51200x32xbf16, #tpu.memory_space<vmem_shared>> -> memref<160x32xbf16, #tpu.memory_space<vmem_shared>>
        tpu.enqueue_dma source(%arg16 : memref<160x32xbf16, #tpu.memory_space<vmem>>) target(%dma_start3A_29 : memref<160x32xbf16, #tpu.memory_space<vmem_shared>>) target_semaphore(%run_scoped3A : memref<!tpu.dma_semaphore, #tpu.memory_space<semaphore_mem>>)
        %dma_wait3A = arith.constant 0 : i32
        %dma_wait3A_30 = tpu.memref_slice %arg11[%add3A, %dma_wait3A] : memref<51200x32xbf16, #tpu.memory_space<vmem_shared>> -> memref<160x32xbf16, #tpu.memory_space<vmem_shared>>
        %dma_wait3A_31 = arith.constant 0 : i32
        %dma_wait3A_32 = tpu.memref_slice %arg11[%add3A, %dma_wait3A_31] : memref<51200x32xbf16, #tpu.memory_space<vmem_shared>> -> memref<160x32xbf16, #tpu.memory_space<vmem_shared>>
        tpu.wait_dma2 semaphore(%run_scoped3A : memref<!tpu.dma_semaphore, #tpu.memory_space<semaphore_mem>>) src(%arg16 : memref<160x32xbf16, #tpu.memory_space<vmem>>) dst(%dma_wait3A_32 : memref<160x32xbf16, #tpu.memory_space<vmem_shared>>)
        tpu.yield
      }) : () -> ()
    }
    %scan3A_4 = arith.constant 20 : i32
    %barrier3A = arith.constant 0 : index
    tpu.barrier barrier_id(%barrier3A)
    %eq3A = arith.constant 0 : i32
    %eq3A_5 = arith.cmpi eq, %arg0, %eq3A : i32
    %convert_element_type3A = arith.extui %eq3A_5 : i1 to i32
    %cond3A = arith.constant 0 : i32
    %cond3A_6 = arith.cmpi ne, %convert_element_type3A, %cond3A : i32
    scf.if %cond3A_6 {
      %scan3A_23 = arith.constant 0 : i32
      %scan3A_24 = arith.constant 0 : i32
      %scan3A_25 = arith.constant 16 : i32
      %scan3A_26 = arith.addi %scan3A_24, %scan3A_25 : i32
      %scan3A_27 = arith.constant 1 : i32
      scf.for %scan3A_29 = %scan3A_24 to %scan3A_26 step %scan3A_27  : i32 {
        %mul3A = arith.constant 16 : i32
        %mul3A_30 = arith.muli %mul3A, %scan3A_29 : i32
        %add3A = arith.addi %arg1, %mul3A_30 : i32
        %lt3A = arith.constant 250 : i32
        %lt3A_31 = arith.cmpi slt, %add3A, %lt3A : i32
        %convert_element_type3A_32 = arith.extui %lt3A_31 : i1 to i32
        %cond3A_33 = arith.constant 0 : i32
        %cond3A_34 = arith.cmpi ne, %convert_element_type3A_32, %cond3A_33 : i32
        scf.if %cond3A_34 {
          %mul3A_35 = arith.constant 25 : i32
          %mul3A_36 = arith.muli %add3A, %mul3A_35 : i32
          "tpu.region"() ({
            %run_scoped3A = tpu.sem_alloc : memref<!tpu.dma_semaphore, #tpu.memory_space<semaphore_mem>>
            %dma_start3A_64 = arith.constant 0 : i32
            %dma_start3A_65 = tpu.memref_slice %arg4[%mul3A_36, %dma_start3A_64] : memref<6250x128xi32, #tpu.memory_space<hbm>> -> memref<25x128xi32, #tpu.memory_space<hbm>>
            %dma_start3A_66 = arith.constant 0 : i32
            %dma_start3A_67 = tpu.memref_slice %arg4[%mul3A_36, %dma_start3A_66] : memref<6250x128xi32, #tpu.memory_space<hbm>> -> memref<25x128xi32, #tpu.memory_space<hbm>>
            tpu.enqueue_dma source(%dma_start3A_67 : memref<25x128xi32, #tpu.memory_space<hbm>>) target(%arg12 : memref<25x128xi32, #tpu.memory_space<vmem>>) target_semaphore(%run_scoped3A : memref<!tpu.dma_semaphore, #tpu.memory_space<semaphore_mem>>)
            %dma_wait3A_68 = arith.constant 0 : i32
            %dma_wait3A_69 = tpu.memref_slice %arg4[%mul3A_36, %dma_wait3A_68] : memref<6250x128xi32, #tpu.memory_space<hbm>> -> memref<25x128xi32, #tpu.memory_space<hbm>>
            %dma_wait3A_70 = arith.constant 0 : i32
            %dma_wait3A_71 = tpu.memref_slice %arg4[%mul3A_36, %dma_wait3A_70] : memref<6250x128xi32, #tpu.memory_space<hbm>> -> memref<25x128xi32, #tpu.memory_space<hbm>>
            tpu.wait_dma2 semaphore(%run_scoped3A : memref<!tpu.dma_semaphore, #tpu.memory_space<semaphore_mem>>) src(%dma_wait3A_71 : memref<25x128xi32, #tpu.memory_space<hbm>>) dst(%arg12 : memref<25x128xi32, #tpu.memory_space<vmem>>)
            tpu.yield
          }) : () -> ()
          %mul3A_37 = arith.constant 25 : i32
          %mul3A_38 = arith.muli %add3A, %mul3A_37 : i32
          "tpu.region"() ({
            %run_scoped3A = tpu.sem_alloc : memref<!tpu.dma_semaphore, #tpu.memory_space<semaphore_mem>>
            %dma_start3A_64 = arith.constant 0 : i32
            %dma_start3A_65 = tpu.memref_slice %arg5[%mul3A_38, %dma_start3A_64] : memref<6250x128xi32, #tpu.memory_space<hbm>> -> memref<25x128xi32, #tpu.memory_space<hbm>>
            %dma_start3A_66 = arith.constant 0 : i32
            %dma_start3A_67 = tpu.memref_slice %arg5[%mul3A_38, %dma_start3A_66] : memref<6250x128xi32, #tpu.memory_space<hbm>> -> memref<25x128xi32, #tpu.memory_space<hbm>>
            tpu.enqueue_dma source(%dma_start3A_67 : memref<25x128xi32, #tpu.memory_space<hbm>>) target(%arg13 : memref<25x128xi32, #tpu.memory_space<vmem>>) target_semaphore(%run_scoped3A : memref<!tpu.dma_semaphore, #tpu.memory_space<semaphore_mem>>)
            %dma_wait3A_68 = arith.constant 0 : i32
            %dma_wait3A_69 = tpu.memref_slice %arg5[%mul3A_38, %dma_wait3A_68] : memref<6250x128xi32, #tpu.memory_space<hbm>> -> memref<25x128xi32, #tpu.memory_space<hbm>>
            %dma_wait3A_70 = arith.constant 0 : i32
            %dma_wait3A_71 = tpu.memref_slice %arg5[%mul3A_38, %dma_wait3A_70] : memref<6250x128xi32, #tpu.memory_space<hbm>> -> memref<25x128xi32, #tpu.memory_space<hbm>>
            tpu.wait_dma2 semaphore(%run_scoped3A : memref<!tpu.dma_semaphore, #tpu.memory_space<semaphore_mem>>) src(%dma_wait3A_71 : memref<25x128xi32, #tpu.memory_space<hbm>>) dst(%arg13 : memref<25x128xi32, #tpu.memory_space<vmem>>)
            tpu.yield
          }) : () -> ()
          %dma_start3A = arith.constant 0 : i32
          %dma_start3A_39 = arith.constant 0 : i32
          %dma_start3A_40 = tpu.memref_slice %arg12[%dma_start3A, %dma_start3A_39] : memref<25x128xi32, #tpu.memory_space<vmem>> -> memref<1x128xi32, #tpu.memory_space<vmem>>
          %dma_start3A_41 = tpu.memref_squeeze %dma_start3A_40 : memref<1x128xi32, #tpu.memory_space<vmem>> -> memref<128xi32, #tpu.memory_space<vmem>>
          %dma_start3A_42 = arith.constant 0 : i32
          %dma_start3A_43 = arith.constant 0 : i32
          %dma_start3A_44 = tpu.memref_slice %arg2[%dma_start3A_42, %dma_start3A_43] : memref<51200x32xbf16, #tpu.memory_space<hbm>> -> memref<51200x32xbf16, #tpu.memory_space<hbm>>
          tpu.enqueue_indirect_dma source(%dma_start3A_44 : memref<51200x32xbf16, #tpu.memory_space<hbm>>) target(%arg14 : memref<128x32xbf16, #tpu.memory_space<vmem>>) offsets(%dma_start3A_41 : memref<128xi32, #tpu.memory_space<vmem>>) semaphore(%arg17 : memref<!tpu.dma_semaphore, #tpu.memory_space<semaphore_mem>>)
          %scan3A_45 = arith.constant 0 : i32
          %scan3A_46 = arith.constant 0 : i32
          %scan3A_47 = arith.constant 25 : i32
          %scan3A_48 = arith.addi %scan3A_46, %scan3A_47 : i32
          %scan3A_49 = arith.constant 1 : i32
          scf.for %scan3A_64 = %scan3A_46 to %scan3A_48 step %scan3A_49  : i32 {
            %jit3A = arith.constant 2 : i32
            %eq3A_65 = arith.constant 0 : i32
            %eq3A_66 = arith.cmpi eq, %jit3A, %eq3A_65 : i32
            %jit3A_67 = arith.constant 1 : i32
            %select_n3A = arith.select %eq3A_66, %jit3A_67, %jit3A : i32
            %rem3A = arith.remsi %scan3A_64, %select_n3A : i32
            %ne3A = arith.constant 0 : i32
            %ne3A_68 = arith.cmpi ne, %rem3A, %ne3A : i32
            %lt3A_69 = arith.constant 0 : i32
            %lt3A_70 = arith.cmpi slt, %rem3A, %lt3A_69 : i32
            %lt3A_71 = arith.constant 0 : i32
            %lt3A_72 = arith.cmpi slt, %select_n3A, %lt3A_71 : i32
            %ne3A_73 = arith.xori %lt3A_70, %lt3A_72 : i1
            %and3A = arith.andi %ne3A_73, %ne3A_68 : i1
            %add3A_74 = arith.addi %rem3A, %select_n3A : i32
            %select_n3A_75 = arith.select %and3A, %add3A_74, %rem3A : i32
            %eq3A_76 = arith.constant 0 : i32
            %eq3A_77 = arith.cmpi eq, %select_n3A_75, %eq3A_76 : i32
            %convert_element_type3A_78 = arith.extui %eq3A_77 : i1 to i32
            %cond3A_79 = arith.constant 0 : i32
            %cond3A_80 = arith.cmpi ne, %convert_element_type3A_78, %cond3A_79 : i32
            scf.if %cond3A_80 {
              %add3A_102 = arith.constant 1 : i32
              %add3A_103 = arith.addi %scan3A_64, %add3A_102 : i32
              %lt3A_104 = arith.constant 25 : i32
              %lt3A_105 = arith.cmpi slt, %add3A_103, %lt3A_104 : i32
              %convert_element_type3A_106 = arith.extui %lt3A_105 : i1 to i32
              %cond3A_107 = arith.constant 0 : i32
              %cond3A_108 = arith.cmpi ne, %convert_element_type3A_106, %cond3A_107 : i32
              scf.if %cond3A_108 {
                %gt3A = arith.constant 0 : i32
                %gt3A_121 = arith.cmpi sgt, %scan3A_64, %gt3A : i32
                %convert_element_type3A_122 = arith.extui %gt3A_121 : i1 to i32
                %cond3A_123 = arith.constant 0 : i32
                %cond3A_124 = arith.cmpi ne, %convert_element_type3A_122, %cond3A_123 : i32
                scf.if %cond3A_124 {
                  %dma_wait3A_133 = arith.constant 0 : i32
                  %dma_wait3A_134 = tpu.memref_slice %arg13[%scan3A_64, %dma_wait3A_133] : memref<25x128xi32, #tpu.memory_space<vmem>> -> memref<1x128xi32, #tpu.memory_space<vmem>>
                  %dma_wait3A_135 = tpu.memref_squeeze %dma_wait3A_134 : memref<1x128xi32, #tpu.memory_space<vmem>> -> memref<128xi32, #tpu.memory_space<vmem>>
                  %dma_wait3A_136 = arith.constant 0 : i32
                  %dma_wait3A_137 = arith.constant 0 : i32
                  %dma_wait3A_138 = tpu.memref_slice %arg11[%dma_wait3A_136, %dma_wait3A_137] : memref<51200x32xbf16, #tpu.memory_space<vmem_shared>> -> memref<51200x32xbf16, #tpu.memory_space<vmem_shared>>
                  tpu.wait_indirect_dma semaphore(%arg20 : memref<!tpu.dma_semaphore, #tpu.memory_space<semaphore_mem>>) src(%arg15 : memref<128x32xbf16, #tpu.memory_space<vmem>>) dst(%dma_wait3A_138 : memref<51200x32xbf16, #tpu.memory_space<vmem_shared>>)
                } else {
                }
                %add3A_125 = arith.constant 1 : i32
                %add3A_126 = arith.addi %scan3A_64, %add3A_125 : i32
                %dma_start3A_127 = arith.constant 0 : i32
                %dma_start3A_128 = tpu.memref_slice %arg12[%add3A_126, %dma_start3A_127] : memref<25x128xi32, #tpu.memory_space<vmem>> -> memref<1x128xi32, #tpu.memory_space<vmem>>
                %dma_start3A_129 = tpu.memref_squeeze %dma_start3A_128 : memref<1x128xi32, #tpu.memory_space<vmem>> -> memref<128xi32, #tpu.memory_space<vmem>>
                %dma_start3A_130 = arith.constant 0 : i32
                %dma_start3A_131 = arith.constant 0 : i32
                %dma_start3A_132 = tpu.memref_slice %arg2[%dma_start3A_130, %dma_start3A_131] : memref<51200x32xbf16, #tpu.memory_space<hbm>> -> memref<51200x32xbf16, #tpu.memory_space<hbm>>
                tpu.enqueue_indirect_dma source(%dma_start3A_132 : memref<51200x32xbf16, #tpu.memory_space<hbm>>) target(%arg15 : memref<128x32xbf16, #tpu.memory_space<vmem>>) offsets(%dma_start3A_129 : memref<128xi32, #tpu.memory_space<vmem>>) semaphore(%arg18 : memref<!tpu.dma_semaphore, #tpu.memory_space<semaphore_mem>>)
              } else {
              }
              %dma_wait3A_109 = arith.constant 0 : i32
              %dma_wait3A_110 = tpu.memref_slice %arg12[%scan3A_64, %dma_wait3A_109] : memref<25x128xi32, #tpu.memory_space<vmem>> -> memref<1x128xi32, #tpu.memory_space<vmem>>
              %dma_wait3A_111 = tpu.memref_squeeze %dma_wait3A_110 : memref<1x128xi32, #tpu.memory_space<vmem>> -> memref<128xi32, #tpu.memory_space<vmem>>
              %dma_wait3A_112 = arith.constant 0 : i32
              %dma_wait3A_113 = arith.constant 0 : i32
              %dma_wait3A_114 = tpu.memref_slice %arg2[%dma_wait3A_112, %dma_wait3A_113] : memref<51200x32xbf16, #tpu.memory_space<hbm>> -> memref<51200x32xbf16, #tpu.memory_space<hbm>>
              tpu.wait_indirect_dma semaphore(%arg17 : memref<!tpu.dma_semaphore, #tpu.memory_space<semaphore_mem>>) src(%dma_wait3A_114 : memref<51200x32xbf16, #tpu.memory_space<hbm>>) dst(%arg14 : memref<128x32xbf16, #tpu.memory_space<vmem>>)
              %dma_start3A_115 = arith.constant 0 : i32
              %dma_start3A_116 = tpu.memref_slice %arg13[%scan3A_64, %dma_start3A_115] : memref<25x128xi32, #tpu.memory_space<vmem>> -> memref<1x128xi32, #tpu.memory_space<vmem>>
              %dma_start3A_117 = tpu.memref_squeeze %dma_start3A_116 : memref<1x128xi32, #tpu.memory_space<vmem>> -> memref<128xi32, #tpu.memory_space<vmem>>
              %dma_start3A_118 = arith.constant 0 : i32
              %dma_start3A_119 = arith.constant 0 : i32
              %dma_start3A_120 = tpu.memref_slice %arg11[%dma_start3A_118, %dma_start3A_119] : memref<51200x32xbf16, #tpu.memory_space<vmem_shared>> -> memref<51200x32xbf16, #tpu.memory_space<vmem_shared>>
              tpu.enqueue_indirect_dma source(%arg14 : memref<128x32xbf16, #tpu.memory_space<vmem>>) target(%dma_start3A_120 : memref<51200x32xbf16, #tpu.memory_space<vmem_shared>>) offsets(%dma_start3A_117 : memref<128xi32, #tpu.memory_space<vmem>>) semaphore(%arg19 : memref<!tpu.dma_semaphore, #tpu.memory_space<semaphore_mem>>) {add = true}
            } else {
            }
            %jit3A_81 = arith.constant 2 : i32
            %eq3A_82 = arith.constant 0 : i32
            %eq3A_83 = arith.cmpi eq, %jit3A_81, %eq3A_82 : i32
            %jit3A_84 = arith.constant 1 : i32
            %select_n3A_85 = arith.select %eq3A_83, %jit3A_84, %jit3A_81 : i32
            %rem3A_86 = arith.remsi %scan3A_64, %select_n3A_85 : i32
            %ne3A_87 = arith.constant 0 : i32
            %ne3A_88 = arith.cmpi ne, %rem3A_86, %ne3A_87 : i32
            %lt3A_89 = arith.constant 0 : i32
            %lt3A_90 = arith.cmpi slt, %rem3A_86, %lt3A_89 : i32
            %lt3A_91 = arith.constant 0 : i32
            %lt3A_92 = arith.cmpi slt, %select_n3A_85, %lt3A_91 : i32
            %ne3A_93 = arith.xori %lt3A_90, %lt3A_92 : i1
            %and3A_94 = arith.andi %ne3A_93, %ne3A_88 : i1
            %add3A_95 = arith.addi %rem3A_86, %select_n3A_85 : i32
            %select_n3A_96 = arith.select %and3A_94, %add3A_95, %rem3A_86 : i32
            %eq3A_97 = arith.constant 1 : i32
            %eq3A_98 = arith.cmpi eq, %select_n3A_96, %eq3A_97 : i32
            %convert_element_type3A_99 = arith.extui %eq3A_98 : i1 to i32
            %cond3A_100 = arith.constant 0 : i32
            %cond3A_101 = arith.cmpi ne, %convert_element_type3A_99, %cond3A_100 : i32
            scf.if %cond3A_101 {
              %add3A_102 = arith.constant 1 : i32
              %add3A_103 = arith.addi %scan3A_64, %add3A_102 : i32
              %lt3A_104 = arith.constant 25 : i32
              %lt3A_105 = arith.cmpi slt, %add3A_103, %lt3A_104 : i32
              %convert_element_type3A_106 = arith.extui %lt3A_105 : i1 to i32
              %cond3A_107 = arith.constant 0 : i32
              %cond3A_108 = arith.cmpi ne, %convert_element_type3A_106, %cond3A_107 : i32
              scf.if %cond3A_108 {
                %dma_wait3A_121 = arith.constant 0 : i32
                %dma_wait3A_122 = tpu.memref_slice %arg13[%scan3A_64, %dma_wait3A_121] : memref<25x128xi32, #tpu.memory_space<vmem>> -> memref<1x128xi32, #tpu.memory_space<vmem>>
                %dma_wait3A_123 = tpu.memref_squeeze %dma_wait3A_122 : memref<1x128xi32, #tpu.memory_space<vmem>> -> memref<128xi32, #tpu.memory_space<vmem>>
                %dma_wait3A_124 = arith.constant 0 : i32
                %dma_wait3A_125 = arith.constant 0 : i32
                %dma_wait3A_126 = tpu.memref_slice %arg11[%dma_wait3A_124, %dma_wait3A_125] : memref<51200x32xbf16, #tpu.memory_space<vmem_shared>> -> memref<51200x32xbf16, #tpu.memory_space<vmem_shared>>
                tpu.wait_indirect_dma semaphore(%arg19 : memref<!tpu.dma_semaphore, #tpu.memory_space<semaphore_mem>>) src(%arg14 : memref<128x32xbf16, #tpu.memory_space<vmem>>) dst(%dma_wait3A_126 : memref<51200x32xbf16, #tpu.memory_space<vmem_shared>>)
                %add3A_127 = arith.constant 1 : i32
                %add3A_128 = arith.addi %scan3A_64, %add3A_127 : i32
                %dma_start3A_129 = arith.constant 0 : i32
                %dma_start3A_130 = tpu.memref_slice %arg12[%add3A_128, %dma_start3A_129] : memref<25x128xi32, #tpu.memory_space<vmem>> -> memref<1x128xi32, #tpu.memory_space<vmem>>
                %dma_start3A_131 = tpu.memref_squeeze %dma_start3A_130 : memref<1x128xi32, #tpu.memory_space<vmem>> -> memref<128xi32, #tpu.memory_space<vmem>>
                %dma_start3A_132 = arith.constant 0 : i32
                %dma_start3A_133 = arith.constant 0 : i32
                %dma_start3A_134 = tpu.memref_slice %arg2[%dma_start3A_132, %dma_start3A_133] : memref<51200x32xbf16, #tpu.memory_space<hbm>> -> memref<51200x32xbf16, #tpu.memory_space<hbm>>
                tpu.enqueue_indirect_dma source(%dma_start3A_134 : memref<51200x32xbf16, #tpu.memory_space<hbm>>) target(%arg14 : memref<128x32xbf16, #tpu.memory_space<vmem>>) offsets(%dma_start3A_131 : memref<128xi32, #tpu.memory_space<vmem>>) semaphore(%arg17 : memref<!tpu.dma_semaphore, #tpu.memory_space<semaphore_mem>>)
              } else {
              }
              %dma_wait3A_109 = arith.constant 0 : i32
              %dma_wait3A_110 = tpu.memref_slice %arg12[%scan3A_64, %dma_wait3A_109] : memref<25x128xi32, #tpu.memory_space<vmem>> -> memref<1x128xi32, #tpu.memory_space<vmem>>
              %dma_wait3A_111 = tpu.memref_squeeze %dma_wait3A_110 : memref<1x128xi32, #tpu.memory_space<vmem>> -> memref<128xi32, #tpu.memory_space<vmem>>
              %dma_wait3A_112 = arith.constant 0 : i32
              %dma_wait3A_113 = arith.constant 0 : i32
              %dma_wait3A_114 = tpu.memref_slice %arg2[%dma_wait3A_112, %dma_wait3A_113] : memref<51200x32xbf16, #tpu.memory_space<hbm>> -> memref<51200x32xbf16, #tpu.memory_space<hbm>>
              tpu.wait_indirect_dma semaphore(%arg18 : memref<!tpu.dma_semaphore, #tpu.memory_space<semaphore_mem>>) src(%dma_wait3A_114 : memref<51200x32xbf16, #tpu.memory_space<hbm>>) dst(%arg15 : memref<128x32xbf16, #tpu.memory_space<vmem>>)
              %dma_start3A_115 = arith.constant 0 : i32
              %dma_start3A_116 = tpu.memref_slice %arg13[%scan3A_64, %dma_start3A_115] : memref<25x128xi32, #tpu.memory_space<vmem>> -> memref<1x128xi32, #tpu.memory_space<vmem>>
              %dma_start3A_117 = tpu.memref_squeeze %dma_start3A_116 : memref<1x128xi32, #tpu.memory_space<vmem>> -> memref<128xi32, #tpu.memory_space<vmem>>
              %dma_start3A_118 = arith.constant 0 : i32
              %dma_start3A_119 = arith.constant 0 : i32
              %dma_start3A_120 = tpu.memref_slice %arg11[%dma_start3A_118, %dma_start3A_119] : memref<51200x32xbf16, #tpu.memory_space<vmem_shared>> -> memref<51200x32xbf16, #tpu.memory_space<vmem_shared>>
              tpu.enqueue_indirect_dma source(%arg15 : memref<128x32xbf16, #tpu.memory_space<vmem>>) target(%dma_start3A_120 : memref<51200x32xbf16, #tpu.memory_space<vmem_shared>>) offsets(%dma_start3A_117 : memref<128xi32, #tpu.memory_space<vmem>>) semaphore(%arg20 : memref<!tpu.dma_semaphore, #tpu.memory_space<semaphore_mem>>) {add = true}
            } else {
            }
          }
          %scan3A_50 = arith.constant 25 : i32
          %dma_wait3A = arith.constant 0 : i32
          %dma_wait3A_51 = arith.constant 0 : i32
          %dma_wait3A_52 = tpu.memref_slice %arg13[%dma_wait3A, %dma_wait3A_51] : memref<25x128xi32, #tpu.memory_space<vmem>> -> memref<1x128xi32, #tpu.memory_space<vmem>>
          %dma_wait3A_53 = tpu.memref_squeeze %dma_wait3A_52 : memref<1x128xi32, #tpu.memory_space<vmem>> -> memref<128xi32, #tpu.memory_space<vmem>>
          %dma_wait3A_54 = arith.constant 0 : i32
          %dma_wait3A_55 = arith.constant 0 : i32
          %dma_wait3A_56 = tpu.memref_slice %arg11[%dma_wait3A_54, %dma_wait3A_55] : memref<51200x32xbf16, #tpu.memory_space<vmem_shared>> -> memref<51200x32xbf16, #tpu.memory_space<vmem_shared>>
          tpu.wait_indirect_dma semaphore(%arg19 : memref<!tpu.dma_semaphore, #tpu.memory_space<semaphore_mem>>) src(%arg14 : memref<128x32xbf16, #tpu.memory_space<vmem>>) dst(%dma_wait3A_56 : memref<51200x32xbf16, #tpu.memory_space<vmem_shared>>)
          %dma_wait3A_57 = arith.constant 0 : i32
          %dma_wait3A_58 = arith.constant 0 : i32
          %dma_wait3A_59 = tpu.memref_slice %arg13[%dma_wait3A_57, %dma_wait3A_58] : memref<25x128xi32, #tpu.memory_space<vmem>> -> memref<1x128xi32, #tpu.memory_space<vmem>>
          %dma_wait3A_60 = tpu.memref_squeeze %dma_wait3A_59 : memref<1x128xi32, #tpu.memory_space<vmem>> -> memref<128xi32, #tpu.memory_space<vmem>>
          %dma_wait3A_61 = arith.constant 0 : i32
          %dma_wait3A_62 = arith.constant 0 : i32
          %dma_wait3A_63 = tpu.memref_slice %arg11[%dma_wait3A_61, %dma_wait3A_62] : memref<51200x32xbf16, #tpu.memory_space<vmem_shared>> -> memref<51200x32xbf16, #tpu.memory_space<vmem_shared>>
          tpu.wait_indirect_dma semaphore(%arg20 : memref<!tpu.dma_semaphore, #tpu.memory_space<semaphore_mem>>) src(%arg15 : memref<128x32xbf16, #tpu.memory_space<vmem>>) dst(%dma_wait3A_63 : memref<51200x32xbf16, #tpu.memory_space<vmem_shared>>)
        } else {
        }
      }
      %scan3A_28 = arith.constant 16 : i32
    } else {
    }
    %eq3A_7 = arith.constant 1 : i32
    %eq3A_8 = arith.cmpi eq, %arg0, %eq3A_7 : i32
    %convert_element_type3A_9 = arith.extui %eq3A_8 : i1 to i32
    %cond3A_10 = arith.constant 0 : i32
    %cond3A_11 = arith.cmpi ne, %convert_element_type3A_9, %cond3A_10 : i32
    scf.if %cond3A_11 {
      %scan3A_23 = arith.constant 0 : i32
      %scan3A_24 = arith.constant 0 : i32
      %scan3A_25 = arith.constant 16 : i32
      %scan3A_26 = arith.addi %scan3A_24, %scan3A_25 : i32
      %scan3A_27 = arith.constant 1 : i32
      scf.for %scan3A_29 = %scan3A_24 to %scan3A_26 step %scan3A_27  : i32 {
        %mul3A = arith.constant 16 : i32
        %mul3A_30 = arith.muli %mul3A, %scan3A_29 : i32
        %add3A = arith.addi %arg1, %mul3A_30 : i32
        %lt3A = arith.constant 250 : i32
        %lt3A_31 = arith.cmpi slt, %add3A, %lt3A : i32
        %convert_element_type3A_32 = arith.extui %lt3A_31 : i1 to i32
        %cond3A_33 = arith.constant 0 : i32
        %cond3A_34 = arith.cmpi ne, %convert_element_type3A_32, %cond3A_33 : i32
        scf.if %cond3A_34 {
          %mul3A_35 = arith.constant 25 : i32
          %mul3A_36 = arith.muli %add3A, %mul3A_35 : i32
          "tpu.region"() ({
            %run_scoped3A = tpu.sem_alloc : memref<!tpu.dma_semaphore, #tpu.memory_space<semaphore_mem>>
            %dma_start3A_64 = arith.constant 0 : i32
            %dma_start3A_65 = tpu.memref_slice %arg6[%mul3A_36, %dma_start3A_64] : memref<6250x128xi32, #tpu.memory_space<hbm>> -> memref<25x128xi32, #tpu.memory_space<hbm>>
            %dma_start3A_66 = arith.constant 0 : i32
            %dma_start3A_67 = tpu.memref_slice %arg6[%mul3A_36, %dma_start3A_66] : memref<6250x128xi32, #tpu.memory_space<hbm>> -> memref<25x128xi32, #tpu.memory_space<hbm>>
            tpu.enqueue_dma source(%dma_start3A_67 : memref<25x128xi32, #tpu.memory_space<hbm>>) target(%arg12 : memref<25x128xi32, #tpu.memory_space<vmem>>) target_semaphore(%run_scoped3A : memref<!tpu.dma_semaphore, #tpu.memory_space<semaphore_mem>>)
            %dma_wait3A_68 = arith.constant 0 : i32
            %dma_wait3A_69 = tpu.memref_slice %arg6[%mul3A_36, %dma_wait3A_68] : memref<6250x128xi32, #tpu.memory_space<hbm>> -> memref<25x128xi32, #tpu.memory_space<hbm>>
            %dma_wait3A_70 = arith.constant 0 : i32
            %dma_wait3A_71 = tpu.memref_slice %arg6[%mul3A_36, %dma_wait3A_70] : memref<6250x128xi32, #tpu.memory_space<hbm>> -> memref<25x128xi32, #tpu.memory_space<hbm>>
            tpu.wait_dma2 semaphore(%run_scoped3A : memref<!tpu.dma_semaphore, #tpu.memory_space<semaphore_mem>>) src(%dma_wait3A_71 : memref<25x128xi32, #tpu.memory_space<hbm>>) dst(%arg12 : memref<25x128xi32, #tpu.memory_space<vmem>>)
            tpu.yield
          }) : () -> ()
          %mul3A_37 = arith.constant 25 : i32
          %mul3A_38 = arith.muli %add3A, %mul3A_37 : i32
          "tpu.region"() ({
            %run_scoped3A = tpu.sem_alloc : memref<!tpu.dma_semaphore, #tpu.memory_space<semaphore_mem>>
            %dma_start3A_64 = arith.constant 0 : i32
            %dma_start3A_65 = tpu.memref_slice %arg7[%mul3A_38, %dma_start3A_64] : memref<6250x128xi32, #tpu.memory_space<hbm>> -> memref<25x128xi32, #tpu.memory_space<hbm>>
            %dma_start3A_66 = arith.constant 0 : i32
            %dma_start3A_67 = tpu.memref_slice %arg7[%mul3A_38, %dma_start3A_66] : memref<6250x128xi32, #tpu.memory_space<hbm>> -> memref<25x128xi32, #tpu.memory_space<hbm>>
            tpu.enqueue_dma source(%dma_start3A_67 : memref<25x128xi32, #tpu.memory_space<hbm>>) target(%arg13 : memref<25x128xi32, #tpu.memory_space<vmem>>) target_semaphore(%run_scoped3A : memref<!tpu.dma_semaphore, #tpu.memory_space<semaphore_mem>>)
            %dma_wait3A_68 = arith.constant 0 : i32
            %dma_wait3A_69 = tpu.memref_slice %arg7[%mul3A_38, %dma_wait3A_68] : memref<6250x128xi32, #tpu.memory_space<hbm>> -> memref<25x128xi32, #tpu.memory_space<hbm>>
            %dma_wait3A_70 = arith.constant 0 : i32
            %dma_wait3A_71 = tpu.memref_slice %arg7[%mul3A_38, %dma_wait3A_70] : memref<6250x128xi32, #tpu.memory_space<hbm>> -> memref<25x128xi32, #tpu.memory_space<hbm>>
            tpu.wait_dma2 semaphore(%run_scoped3A : memref<!tpu.dma_semaphore, #tpu.memory_space<semaphore_mem>>) src(%dma_wait3A_71 : memref<25x128xi32, #tpu.memory_space<hbm>>) dst(%arg13 : memref<25x128xi32, #tpu.memory_space<vmem>>)
            tpu.yield
          }) : () -> ()
          %dma_start3A = arith.constant 0 : i32
          %dma_start3A_39 = arith.constant 0 : i32
          %dma_start3A_40 = tpu.memref_slice %arg12[%dma_start3A, %dma_start3A_39] : memref<25x128xi32, #tpu.memory_space<vmem>> -> memref<1x128xi32, #tpu.memory_space<vmem>>
          %dma_start3A_41 = tpu.memref_squeeze %dma_start3A_40 : memref<1x128xi32, #tpu.memory_space<vmem>> -> memref<128xi32, #tpu.memory_space<vmem>>
          %dma_start3A_42 = arith.constant 0 : i32
          %dma_start3A_43 = arith.constant 0 : i32
          %dma_start3A_44 = tpu.memref_slice %arg3[%dma_start3A_42, %dma_start3A_43] : memref<51200x32xbf16, #tpu.memory_space<hbm>> -> memref<51200x32xbf16, #tpu.memory_space<hbm>>
          tpu.enqueue_indirect_dma source(%dma_start3A_44 : memref<51200x32xbf16, #tpu.memory_space<hbm>>) target(%arg14 : memref<128x32xbf16, #tpu.memory_space<vmem>>) offsets(%dma_start3A_41 : memref<128xi32, #tpu.memory_space<vmem>>) semaphore(%arg17 : memref<!tpu.dma_semaphore, #tpu.memory_space<semaphore_mem>>)
          %scan3A_45 = arith.constant 0 : i32
          %scan3A_46 = arith.constant 0 : i32
          %scan3A_47 = arith.constant 25 : i32
          %scan3A_48 = arith.addi %scan3A_46, %scan3A_47 : i32
          %scan3A_49 = arith.constant 1 : i32
          scf.for %scan3A_64 = %scan3A_46 to %scan3A_48 step %scan3A_49  : i32 {
            %jit3A = arith.constant 2 : i32
            %eq3A_65 = arith.constant 0 : i32
            %eq3A_66 = arith.cmpi eq, %jit3A, %eq3A_65 : i32
            %jit3A_67 = arith.constant 1 : i32
            %select_n3A = arith.select %eq3A_66, %jit3A_67, %jit3A : i32
            %rem3A = arith.remsi %scan3A_64, %select_n3A : i32
            %ne3A = arith.constant 0 : i32
            %ne3A_68 = arith.cmpi ne, %rem3A, %ne3A : i32
            %lt3A_69 = arith.constant 0 : i32
            %lt3A_70 = arith.cmpi slt, %rem3A, %lt3A_69 : i32
            %lt3A_71 = arith.constant 0 : i32
            %lt3A_72 = arith.cmpi slt, %select_n3A, %lt3A_71 : i32
            %ne3A_73 = arith.xori %lt3A_70, %lt3A_72 : i1
            %and3A = arith.andi %ne3A_73, %ne3A_68 : i1
            %add3A_74 = arith.addi %rem3A, %select_n3A : i32
            %select_n3A_75 = arith.select %and3A, %add3A_74, %rem3A : i32
            %eq3A_76 = arith.constant 0 : i32
            %eq3A_77 = arith.cmpi eq, %select_n3A_75, %eq3A_76 : i32
            %convert_element_type3A_78 = arith.extui %eq3A_77 : i1 to i32
            %cond3A_79 = arith.constant 0 : i32
            %cond3A_80 = arith.cmpi ne, %convert_element_type3A_78, %cond3A_79 : i32
            scf.if %cond3A_80 {
              %add3A_102 = arith.constant 1 : i32
              %add3A_103 = arith.addi %scan3A_64, %add3A_102 : i32
              %lt3A_104 = arith.constant 25 : i32
              %lt3A_105 = arith.cmpi slt, %add3A_103, %lt3A_104 : i32
              %convert_element_type3A_106 = arith.extui %lt3A_105 : i1 to i32
              %cond3A_107 = arith.constant 0 : i32
              %cond3A_108 = arith.cmpi ne, %convert_element_type3A_106, %cond3A_107 : i32
              scf.if %cond3A_108 {
                %gt3A = arith.constant 0 : i32
                %gt3A_121 = arith.cmpi sgt, %scan3A_64, %gt3A : i32
                %convert_element_type3A_122 = arith.extui %gt3A_121 : i1 to i32
                %cond3A_123 = arith.constant 0 : i32
                %cond3A_124 = arith.cmpi ne, %convert_element_type3A_122, %cond3A_123 : i32
                scf.if %cond3A_124 {
                  %dma_wait3A_133 = arith.constant 0 : i32
                  %dma_wait3A_134 = tpu.memref_slice %arg13[%scan3A_64, %dma_wait3A_133] : memref<25x128xi32, #tpu.memory_space<vmem>> -> memref<1x128xi32, #tpu.memory_space<vmem>>
                  %dma_wait3A_135 = tpu.memref_squeeze %dma_wait3A_134 : memref<1x128xi32, #tpu.memory_space<vmem>> -> memref<128xi32, #tpu.memory_space<vmem>>
                  %dma_wait3A_136 = arith.constant 0 : i32
                  %dma_wait3A_137 = arith.constant 0 : i32
                  %dma_wait3A_138 = tpu.memref_slice %arg11[%dma_wait3A_136, %dma_wait3A_137] : memref<51200x32xbf16, #tpu.memory_space<vmem_shared>> -> memref<51200x32xbf16, #tpu.memory_space<vmem_shared>>
                  tpu.wait_indirect_dma semaphore(%arg20 : memref<!tpu.dma_semaphore, #tpu.memory_space<semaphore_mem>>) src(%arg15 : memref<128x32xbf16, #tpu.memory_space<vmem>>) dst(%dma_wait3A_138 : memref<51200x32xbf16, #tpu.memory_space<vmem_shared>>)
                } else {
                }
                %add3A_125 = arith.constant 1 : i32
                %add3A_126 = arith.addi %scan3A_64, %add3A_125 : i32
                %dma_start3A_127 = arith.constant 0 : i32
                %dma_start3A_128 = tpu.memref_slice %arg12[%add3A_126, %dma_start3A_127] : memref<25x128xi32, #tpu.memory_space<vmem>> -> memref<1x128xi32, #tpu.memory_space<vmem>>
                %dma_start3A_129 = tpu.memref_squeeze %dma_start3A_128 : memref<1x128xi32, #tpu.memory_space<vmem>> -> memref<128xi32, #tpu.memory_space<vmem>>
                %dma_start3A_130 = arith.constant 0 : i32
                %dma_start3A_131 = arith.constant 0 : i32
                %dma_start3A_132 = tpu.memref_slice %arg3[%dma_start3A_130, %dma_start3A_131] : memref<51200x32xbf16, #tpu.memory_space<hbm>> -> memref<51200x32xbf16, #tpu.memory_space<hbm>>
                tpu.enqueue_indirect_dma source(%dma_start3A_132 : memref<51200x32xbf16, #tpu.memory_space<hbm>>) target(%arg15 : memref<128x32xbf16, #tpu.memory_space<vmem>>) offsets(%dma_start3A_129 : memref<128xi32, #tpu.memory_space<vmem>>) semaphore(%arg18 : memref<!tpu.dma_semaphore, #tpu.memory_space<semaphore_mem>>)
              } else {
              }
              %dma_wait3A_109 = arith.constant 0 : i32
              %dma_wait3A_110 = tpu.memref_slice %arg12[%scan3A_64, %dma_wait3A_109] : memref<25x128xi32, #tpu.memory_space<vmem>> -> memref<1x128xi32, #tpu.memory_space<vmem>>
              %dma_wait3A_111 = tpu.memref_squeeze %dma_wait3A_110 : memref<1x128xi32, #tpu.memory_space<vmem>> -> memref<128xi32, #tpu.memory_space<vmem>>
              %dma_wait3A_112 = arith.constant 0 : i32
              %dma_wait3A_113 = arith.constant 0 : i32
              %dma_wait3A_114 = tpu.memref_slice %arg3[%dma_wait3A_112, %dma_wait3A_113] : memref<51200x32xbf16, #tpu.memory_space<hbm>> -> memref<51200x32xbf16, #tpu.memory_space<hbm>>
              tpu.wait_indirect_dma semaphore(%arg17 : memref<!tpu.dma_semaphore, #tpu.memory_space<semaphore_mem>>) src(%dma_wait3A_114 : memref<51200x32xbf16, #tpu.memory_space<hbm>>) dst(%arg14 : memref<128x32xbf16, #tpu.memory_space<vmem>>)
              %dma_start3A_115 = arith.constant 0 : i32
              %dma_start3A_116 = tpu.memref_slice %arg13[%scan3A_64, %dma_start3A_115] : memref<25x128xi32, #tpu.memory_space<vmem>> -> memref<1x128xi32, #tpu.memory_space<vmem>>
              %dma_start3A_117 = tpu.memref_squeeze %dma_start3A_116 : memref<1x128xi32, #tpu.memory_space<vmem>> -> memref<128xi32, #tpu.memory_space<vmem>>
              %dma_start3A_118 = arith.constant 0 : i32
              %dma_start3A_119 = arith.constant 0 : i32
              %dma_start3A_120 = tpu.memref_slice %arg11[%dma_start3A_118, %dma_start3A_119] : memref<51200x32xbf16, #tpu.memory_space<vmem_shared>> -> memref<51200x32xbf16, #tpu.memory_space<vmem_shared>>
              tpu.enqueue_indirect_dma source(%arg14 : memref<128x32xbf16, #tpu.memory_space<vmem>>) target(%dma_start3A_120 : memref<51200x32xbf16, #tpu.memory_space<vmem_shared>>) offsets(%dma_start3A_117 : memref<128xi32, #tpu.memory_space<vmem>>) semaphore(%arg19 : memref<!tpu.dma_semaphore, #tpu.memory_space<semaphore_mem>>) {add = true}
            } else {
            }
            %jit3A_81 = arith.constant 2 : i32
            %eq3A_82 = arith.constant 0 : i32
            %eq3A_83 = arith.cmpi eq, %jit3A_81, %eq3A_82 : i32
            %jit3A_84 = arith.constant 1 : i32
            %select_n3A_85 = arith.select %eq3A_83, %jit3A_84, %jit3A_81 : i32
            %rem3A_86 = arith.remsi %scan3A_64, %select_n3A_85 : i32
            %ne3A_87 = arith.constant 0 : i32
            %ne3A_88 = arith.cmpi ne, %rem3A_86, %ne3A_87 : i32
            %lt3A_89 = arith.constant 0 : i32
            %lt3A_90 = arith.cmpi slt, %rem3A_86, %lt3A_89 : i32
            %lt3A_91 = arith.constant 0 : i32
            %lt3A_92 = arith.cmpi slt, %select_n3A_85, %lt3A_91 : i32
            %ne3A_93 = arith.xori %lt3A_90, %lt3A_92 : i1
            %and3A_94 = arith.andi %ne3A_93, %ne3A_88 : i1
            %add3A_95 = arith.addi %rem3A_86, %select_n3A_85 : i32
            %select_n3A_96 = arith.select %and3A_94, %add3A_95, %rem3A_86 : i32
            %eq3A_97 = arith.constant 1 : i32
            %eq3A_98 = arith.cmpi eq, %select_n3A_96, %eq3A_97 : i32
            %convert_element_type3A_99 = arith.extui %eq3A_98 : i1 to i32
            %cond3A_100 = arith.constant 0 : i32
            %cond3A_101 = arith.cmpi ne, %convert_element_type3A_99, %cond3A_100 : i32
            scf.if %cond3A_101 {
              %add3A_102 = arith.constant 1 : i32
              %add3A_103 = arith.addi %scan3A_64, %add3A_102 : i32
              %lt3A_104 = arith.constant 25 : i32
              %lt3A_105 = arith.cmpi slt, %add3A_103, %lt3A_104 : i32
              %convert_element_type3A_106 = arith.extui %lt3A_105 : i1 to i32
              %cond3A_107 = arith.constant 0 : i32
              %cond3A_108 = arith.cmpi ne, %convert_element_type3A_106, %cond3A_107 : i32
              scf.if %cond3A_108 {
                %dma_wait3A_121 = arith.constant 0 : i32
                %dma_wait3A_122 = tpu.memref_slice %arg13[%scan3A_64, %dma_wait3A_121] : memref<25x128xi32, #tpu.memory_space<vmem>> -> memref<1x128xi32, #tpu.memory_space<vmem>>
                %dma_wait3A_123 = tpu.memref_squeeze %dma_wait3A_122 : memref<1x128xi32, #tpu.memory_space<vmem>> -> memref<128xi32, #tpu.memory_space<vmem>>
                %dma_wait3A_124 = arith.constant 0 : i32
                %dma_wait3A_125 = arith.constant 0 : i32
                %dma_wait3A_126 = tpu.memref_slice %arg11[%dma_wait3A_124, %dma_wait3A_125] : memref<51200x32xbf16, #tpu.memory_space<vmem_shared>> -> memref<51200x32xbf16, #tpu.memory_space<vmem_shared>>
                tpu.wait_indirect_dma semaphore(%arg19 : memref<!tpu.dma_semaphore, #tpu.memory_space<semaphore_mem>>) src(%arg14 : memref<128x32xbf16, #tpu.memory_space<vmem>>) dst(%dma_wait3A_126 : memref<51200x32xbf16, #tpu.memory_space<vmem_shared>>)
                %add3A_127 = arith.constant 1 : i32
                %add3A_128 = arith.addi %scan3A_64, %add3A_127 : i32
                %dma_start3A_129 = arith.constant 0 : i32
                %dma_start3A_130 = tpu.memref_slice %arg12[%add3A_128, %dma_start3A_129] : memref<25x128xi32, #tpu.memory_space<vmem>> -> memref<1x128xi32, #tpu.memory_space<vmem>>
                %dma_start3A_131 = tpu.memref_squeeze %dma_start3A_130 : memref<1x128xi32, #tpu.memory_space<vmem>> -> memref<128xi32, #tpu.memory_space<vmem>>
                %dma_start3A_132 = arith.constant 0 : i32
                %dma_start3A_133 = arith.constant 0 : i32
                %dma_start3A_134 = tpu.memref_slice %arg3[%dma_start3A_132, %dma_start3A_133] : memref<51200x32xbf16, #tpu.memory_space<hbm>> -> memref<51200x32xbf16, #tpu.memory_space<hbm>>
                tpu.enqueue_indirect_dma source(%dma_start3A_134 : memref<51200x32xbf16, #tpu.memory_space<hbm>>) target(%arg14 : memref<128x32xbf16, #tpu.memory_space<vmem>>) offsets(%dma_start3A_131 : memref<128xi32, #tpu.memory_space<vmem>>) semaphore(%arg17 : memref<!tpu.dma_semaphore, #tpu.memory_space<semaphore_mem>>)
              } else {
              }
              %dma_wait3A_109 = arith.constant 0 : i32
              %dma_wait3A_110 = tpu.memref_slice %arg12[%scan3A_64, %dma_wait3A_109] : memref<25x128xi32, #tpu.memory_space<vmem>> -> memref<1x128xi32, #tpu.memory_space<vmem>>
              %dma_wait3A_111 = tpu.memref_squeeze %dma_wait3A_110 : memref<1x128xi32, #tpu.memory_space<vmem>> -> memref<128xi32, #tpu.memory_space<vmem>>
              %dma_wait3A_112 = arith.constant 0 : i32
              %dma_wait3A_113 = arith.constant 0 : i32
              %dma_wait3A_114 = tpu.memref_slice %arg3[%dma_wait3A_112, %dma_wait3A_113] : memref<51200x32xbf16, #tpu.memory_space<hbm>> -> memref<51200x32xbf16, #tpu.memory_space<hbm>>
              tpu.wait_indirect_dma semaphore(%arg18 : memref<!tpu.dma_semaphore, #tpu.memory_space<semaphore_mem>>) src(%dma_wait3A_114 : memref<51200x32xbf16, #tpu.memory_space<hbm>>) dst(%arg15 : memref<128x32xbf16, #tpu.memory_space<vmem>>)
              %dma_start3A_115 = arith.constant 0 : i32
              %dma_start3A_116 = tpu.memref_slice %arg13[%scan3A_64, %dma_start3A_115] : memref<25x128xi32, #tpu.memory_space<vmem>> -> memref<1x128xi32, #tpu.memory_space<vmem>>
              %dma_start3A_117 = tpu.memref_squeeze %dma_start3A_116 : memref<1x128xi32, #tpu.memory_space<vmem>> -> memref<128xi32, #tpu.memory_space<vmem>>
              %dma_start3A_118 = arith.constant 0 : i32
              %dma_start3A_119 = arith.constant 0 : i32
              %dma_start3A_120 = tpu.memref_slice %arg11[%dma_start3A_118, %dma_start3A_119] : memref<51200x32xbf16, #tpu.memory_space<vmem_shared>> -> memref<51200x32xbf16, #tpu.memory_space<vmem_shared>>
              tpu.enqueue_indirect_dma source(%arg15 : memref<128x32xbf16, #tpu.memory_space<vmem>>) target(%dma_start3A_120 : memref<51200x32xbf16, #tpu.memory_space<vmem_shared>>) offsets(%dma_start3A_117 : memref<128xi32, #tpu.memory_space<vmem>>) semaphore(%arg20 : memref<!tpu.dma_semaphore, #tpu.memory_space<semaphore_mem>>) {add = true}
            } else {
            }
          }
          %scan3A_50 = arith.constant 25 : i32
          %dma_wait3A = arith.constant 0 : i32
          %dma_wait3A_51 = arith.constant 0 : i32
          %dma_wait3A_52 = tpu.memref_slice %arg13[%dma_wait3A, %dma_wait3A_51] : memref<25x128xi32, #tpu.memory_space<vmem>> -> memref<1x128xi32, #tpu.memory_space<vmem>>
          %dma_wait3A_53 = tpu.memref_squeeze %dma_wait3A_52 : memref<1x128xi32, #tpu.memory_space<vmem>> -> memref<128xi32, #tpu.memory_space<vmem>>
          %dma_wait3A_54 = arith.constant 0 : i32
          %dma_wait3A_55 = arith.constant 0 : i32
          %dma_wait3A_56 = tpu.memref_slice %arg11[%dma_wait3A_54, %dma_wait3A_55] : memref<51200x32xbf16, #tpu.memory_space<vmem_shared>> -> memref<51200x32xbf16, #tpu.memory_space<vmem_shared>>
          tpu.wait_indirect_dma semaphore(%arg19 : memref<!tpu.dma_semaphore, #tpu.memory_space<semaphore_mem>>) src(%arg14 : memref<128x32xbf16, #tpu.memory_space<vmem>>) dst(%dma_wait3A_56 : memref<51200x32xbf16, #tpu.memory_space<vmem_shared>>)
          %dma_wait3A_57 = arith.constant 0 : i32
          %dma_wait3A_58 = arith.constant 0 : i32
          %dma_wait3A_59 = tpu.memref_slice %arg13[%dma_wait3A_57, %dma_wait3A_58] : memref<25x128xi32, #tpu.memory_space<vmem>> -> memref<1x128xi32, #tpu.memory_space<vmem>>
          %dma_wait3A_60 = tpu.memref_squeeze %dma_wait3A_59 : memref<1x128xi32, #tpu.memory_space<vmem>> -> memref<128xi32, #tpu.memory_space<vmem>>
          %dma_wait3A_61 = arith.constant 0 : i32
          %dma_wait3A_62 = arith.constant 0 : i32
          %dma_wait3A_63 = tpu.memref_slice %arg11[%dma_wait3A_61, %dma_wait3A_62] : memref<51200x32xbf16, #tpu.memory_space<vmem_shared>> -> memref<51200x32xbf16, #tpu.memory_space<vmem_shared>>
          tpu.wait_indirect_dma semaphore(%arg20 : memref<!tpu.dma_semaphore, #tpu.memory_space<semaphore_mem>>) src(%arg15 : memref<128x32xbf16, #tpu.memory_space<vmem>>) dst(%dma_wait3A_63 : memref<51200x32xbf16, #tpu.memory_space<vmem_shared>>)
        } else {
        }
      }
      %scan3A_28 = arith.constant 16 : i32
    } else {
    }
    %barrier3A_12 = arith.constant 0 : index
    tpu.barrier barrier_id(%barrier3A_12)
    %eq3A_13 = arith.constant 0 : i32
    %eq3A_14 = arith.cmpi eq, %arg0, %eq3A_13 : i32
    %convert_element_type3A_15 = arith.extui %eq3A_14 : i1 to i32
    %cond3A_16 = arith.constant 0 : i32
    %cond3A_17 = arith.cmpi ne, %convert_element_type3A_15, %cond3A_16 : i32
    scf.if %cond3A_17 {
      %scan3A_23 = arith.constant 0 : i32
      %scan3A_24 = arith.constant 0 : i32
      %scan3A_25 = arith.constant 20 : i32
      %scan3A_26 = arith.addi %scan3A_24, %scan3A_25 : i32
      %scan3A_27 = arith.constant 1 : i32
      scf.for %scan3A_29 = %scan3A_24 to %scan3A_26 step %scan3A_27  : i32 {
        %mul3A = arith.constant 3200 : i32
        %mul3A_30 = arith.muli %arg1, %mul3A : i32
        %mul3A_31 = arith.constant 160 : i32
        %mul3A_32 = arith.muli %scan3A_29, %mul3A_31 : i32
        %add3A = arith.addi %mul3A_30, %mul3A_32 : i32
        "tpu.region"() ({
          %run_scoped3A = tpu.sem_alloc : memref<!tpu.dma_semaphore, #tpu.memory_space<semaphore_mem>>
          %dma_start3A = arith.constant 0 : i32
          %dma_start3A_38 = tpu.memref_slice %arg11[%add3A, %dma_start3A] : memref<51200x32xbf16, #tpu.memory_space<vmem_shared>> -> memref<160x32xbf16, #tpu.memory_space<vmem_shared>>
          %dma_start3A_39 = arith.constant 0 : i32
          %dma_start3A_40 = tpu.memref_slice %arg11[%add3A, %dma_start3A_39] : memref<51200x32xbf16, #tpu.memory_space<vmem_shared>> -> memref<160x32xbf16, #tpu.memory_space<vmem_shared>>
          tpu.enqueue_dma source(%dma_start3A_40 : memref<160x32xbf16, #tpu.memory_space<vmem_shared>>) target(%arg16 : memref<160x32xbf16, #tpu.memory_space<vmem>>) target_semaphore(%run_scoped3A : memref<!tpu.dma_semaphore, #tpu.memory_space<semaphore_mem>>)
          %dma_wait3A = arith.constant 0 : i32
          %dma_wait3A_41 = tpu.memref_slice %arg11[%add3A, %dma_wait3A] : memref<51200x32xbf16, #tpu.memory_space<vmem_shared>> -> memref<160x32xbf16, #tpu.memory_space<vmem_shared>>
          %dma_wait3A_42 = arith.constant 0 : i32
          %dma_wait3A_43 = tpu.memref_slice %arg11[%add3A, %dma_wait3A_42] : memref<51200x32xbf16, #tpu.memory_space<vmem_shared>> -> memref<160x32xbf16, #tpu.memory_space<vmem_shared>>
          tpu.wait_dma2 semaphore(%run_scoped3A : memref<!tpu.dma_semaphore, #tpu.memory_space<semaphore_mem>>) src(%dma_wait3A_43 : memref<160x32xbf16, #tpu.memory_space<vmem_shared>>) dst(%arg16 : memref<160x32xbf16, #tpu.memory_space<vmem>>)
          tpu.yield
        }) : () -> ()
        %mul3A_33 = arith.constant 3200 : i32
        %mul3A_34 = arith.muli %arg1, %mul3A_33 : i32
        %mul3A_35 = arith.constant 160 : i32
        %mul3A_36 = arith.muli %scan3A_29, %mul3A_35 : i32
        %add3A_37 = arith.addi %mul3A_34, %mul3A_36 : i32
        "tpu.region"() ({
          %run_scoped3A = tpu.sem_alloc : memref<!tpu.dma_semaphore, #tpu.memory_space<semaphore_mem>>
          %dma_start3A = arith.constant 0 : i32
          %dma_start3A_38 = tpu.memref_slice %arg9[%add3A_37, %dma_start3A] : memref<51200x32xbf16, #tpu.memory_space<hbm>> -> memref<160x32xbf16, #tpu.memory_space<hbm>>
          %dma_start3A_39 = arith.constant 0 : i32
          %dma_start3A_40 = tpu.memref_slice %arg9[%add3A_37, %dma_start3A_39] : memref<51200x32xbf16, #tpu.memory_space<hbm>> -> memref<160x32xbf16, #tpu.memory_space<hbm>>
          tpu.enqueue_dma source(%arg16 : memref<160x32xbf16, #tpu.memory_space<vmem>>) target(%dma_start3A_40 : memref<160x32xbf16, #tpu.memory_space<hbm>>) target_semaphore(%run_scoped3A : memref<!tpu.dma_semaphore, #tpu.memory_space<semaphore_mem>>)
          %dma_wait3A = arith.constant 0 : i32
          %dma_wait3A_41 = tpu.memref_slice %arg9[%add3A_37, %dma_wait3A] : memref<51200x32xbf16, #tpu.memory_space<hbm>> -> memref<160x32xbf16, #tpu.memory_space<hbm>>
          %dma_wait3A_42 = arith.constant 0 : i32
          %dma_wait3A_43 = tpu.memref_slice %arg9[%add3A_37, %dma_wait3A_42] : memref<51200x32xbf16, #tpu.memory_space<hbm>> -> memref<160x32xbf16, #tpu.memory_space<hbm>>
          tpu.wait_dma2 semaphore(%run_scoped3A : memref<!tpu.dma_semaphore, #tpu.memory_space<semaphore_mem>>) src(%arg16 : memref<160x32xbf16, #tpu.memory_space<vmem>>) dst(%dma_wait3A_43 : memref<160x32xbf16, #tpu.memory_space<hbm>>)
          tpu.yield
        }) : () -> ()
      }
      %scan3A_28 = arith.constant 20 : i32
    } else {
    }
    %eq3A_18 = arith.constant 1 : i32
    %eq3A_19 = arith.cmpi eq, %arg0, %eq3A_18 : i32
    %convert_element_type3A_20 = arith.extui %eq3A_19 : i1 to i32
    %cond3A_21 = arith.constant 0 : i32
    %cond3A_22 = arith.cmpi ne, %convert_element_type3A_20, %cond3A_21 : i32
    scf.if %cond3A_22 {
      %scan3A_23 = arith.constant 0 : i32
      %scan3A_24 = arith.constant 0 : i32
      %scan3A_25 = arith.constant 20 : i32
      %scan3A_26 = arith.addi %scan3A_24, %scan3A_25 : i32
      %scan3A_27 = arith.constant 1 : i32
      scf.for %scan3A_29 = %scan3A_24 to %scan3A_26 step %scan3A_27  : i32 {
        %mul3A = arith.constant 3200 : i32
        %mul3A_30 = arith.muli %arg1, %mul3A : i32
        %mul3A_31 = arith.constant 160 : i32
        %mul3A_32 = arith.muli %scan3A_29, %mul3A_31 : i32
        %add3A = arith.addi %mul3A_30, %mul3A_32 : i32
        "tpu.region"() ({
          %run_scoped3A = tpu.sem_alloc : memref<!tpu.dma_semaphore, #tpu.memory_space<semaphore_mem>>
          %dma_start3A = arith.constant 0 : i32
          %dma_start3A_38 = tpu.memref_slice %arg11[%add3A, %dma_start3A] : memref<51200x32xbf16, #tpu.memory_space<vmem_shared>> -> memref<160x32xbf16, #tpu.memory_space<vmem_shared>>
          %dma_start3A_39 = arith.constant 0 : i32
          %dma_start3A_40 = tpu.memref_slice %arg11[%add3A, %dma_start3A_39] : memref<51200x32xbf16, #tpu.memory_space<vmem_shared>> -> memref<160x32xbf16, #tpu.memory_space<vmem_shared>>
          tpu.enqueue_dma source(%dma_start3A_40 : memref<160x32xbf16, #tpu.memory_space<vmem_shared>>) target(%arg16 : memref<160x32xbf16, #tpu.memory_space<vmem>>) target_semaphore(%run_scoped3A : memref<!tpu.dma_semaphore, #tpu.memory_space<semaphore_mem>>)
          %dma_wait3A = arith.constant 0 : i32
          %dma_wait3A_41 = tpu.memref_slice %arg11[%add3A, %dma_wait3A] : memref<51200x32xbf16, #tpu.memory_space<vmem_shared>> -> memref<160x32xbf16, #tpu.memory_space<vmem_shared>>
          %dma_wait3A_42 = arith.constant 0 : i32
          %dma_wait3A_43 = tpu.memref_slice %arg11[%add3A, %dma_wait3A_42] : memref<51200x32xbf16, #tpu.memory_space<vmem_shared>> -> memref<160x32xbf16, #tpu.memory_space<vmem_shared>>
          tpu.wait_dma2 semaphore(%run_scoped3A : memref<!tpu.dma_semaphore, #tpu.memory_space<semaphore_mem>>) src(%dma_wait3A_43 : memref<160x32xbf16, #tpu.memory_space<vmem_shared>>) dst(%arg16 : memref<160x32xbf16, #tpu.memory_space<vmem>>)
          tpu.yield
        }) : () -> ()
        %mul3A_33 = arith.constant 3200 : i32
        %mul3A_34 = arith.muli %arg1, %mul3A_33 : i32
        %mul3A_35 = arith.constant 160 : i32
        %mul3A_36 = arith.muli %scan3A_29, %mul3A_35 : i32
        %add3A_37 = arith.addi %mul3A_34, %mul3A_36 : i32
        "tpu.region"() ({
          %run_scoped3A = tpu.sem_alloc : memref<!tpu.dma_semaphore, #tpu.memory_space<semaphore_mem>>
          %dma_start3A = arith.constant 0 : i32
          %dma_start3A_38 = tpu.memref_slice %arg10[%add3A_37, %dma_start3A] : memref<51200x32xbf16, #tpu.memory_space<hbm>> -> memref<160x32xbf16, #tpu.memory_space<hbm>>
          %dma_start3A_39 = arith.constant 0 : i32
          %dma_start3A_40 = tpu.memref_slice %arg10[%add3A_37, %dma_start3A_39] : memref<51200x32xbf16, #tpu.memory_space<hbm>> -> memref<160x32xbf16, #tpu.memory_space<hbm>>
          tpu.enqueue_dma source(%arg16 : memref<160x32xbf16, #tpu.memory_space<vmem>>) target(%dma_start3A_40 : memref<160x32xbf16, #tpu.memory_space<hbm>>) target_semaphore(%run_scoped3A : memref<!tpu.dma_semaphore, #tpu.memory_space<semaphore_mem>>)
          %dma_wait3A = arith.constant 0 : i32
          %dma_wait3A_41 = tpu.memref_slice %arg10[%add3A_37, %dma_wait3A] : memref<51200x32xbf16, #tpu.memory_space<hbm>> -> memref<160x32xbf16, #tpu.memory_space<hbm>>
          %dma_wait3A_42 = arith.constant 0 : i32
          %dma_wait3A_43 = tpu.memref_slice %arg10[%add3A_37, %dma_wait3A_42] : memref<51200x32xbf16, #tpu.memory_space<hbm>> -> memref<160x32xbf16, #tpu.memory_space<hbm>>
          tpu.wait_dma2 semaphore(%run_scoped3A : memref<!tpu.dma_semaphore, #tpu.memory_space<semaphore_mem>>) src(%arg16 : memref<160x32xbf16, #tpu.memory_space<vmem>>) dst(%dma_wait3A_43 : memref<160x32xbf16, #tpu.memory_space<hbm>>)
          tpu.yield
        }) : () -> ()
      }
      %scan3A_28 = arith.constant 20 : i32
    } else {
    }
    return
  }
}

#map = affine_map<(d0, d1) -> (0, 0)>
#map1 = affine_map<(d0, d1) -> (0)>
module attributes {stable_mosaic.version = 14 : i64} {
  func.func @_deg_body(%arg0: i32, %arg1: i32, %arg2: memref<6250x128xi32, #tpu.memory_space<hbm>>, %arg3: memref<6250x128xi32, #tpu.memory_space<hbm>>, %arg4: memref<6250x128xi32, #tpu.memory_space<hbm>>, %arg5: memref<6250x128xi32, #tpu.memory_space<hbm>>, %arg6: memref<128xf32, #tpu.memory_space<hbm>>, %arg7: memref<3200xf32, #tpu.memory_space<hbm>>, %arg8: memref<51200xf32, #tpu.memory_space<hbm>>, %arg9: memref<51200xf32, #tpu.memory_space<hbm>>, %arg10: memref<51200xf32, #tpu.memory_space<hbm>>, %arg11: memref<51200xf32, #tpu.memory_space<hbm>>, %arg12: memref<51200xf32, #tpu.memory_space<vmem_shared>>, %arg13: memref<51200xf32, #tpu.memory_space<vmem_shared>>, %arg14: memref<25x128xi32, #tpu.memory_space<vmem>>, %arg15: memref<25x128xi32, #tpu.memory_space<vmem>>, %arg16: memref<128xf32, #tpu.memory_space<vmem>>, %arg17: memref<3200xf32, #tpu.memory_space<vmem>>, %arg18: memref<!tpu.dma_semaphore, #tpu.memory_space<semaphore_mem>>) attributes {dimension_semantics = [#tpu.dimension_semantics<core_parallel>, #tpu.dimension_semantics<subcore_parallel>], iteration_bounds = array<i64: 2, 16>, scalar_prefetch = 0 : i64, scratch_operands = 7 : i64, tpu.core_type = #tpu.core_type<sc_vector_subcore>, window_params = [{transform_indices = #map}, {transform_indices = #map}, {transform_indices = #map}, {transform_indices = #map}, {transform_indices = #map1}, {transform_indices = #map1}, {transform_indices = #map1}, {transform_indices = #map1}, {transform_indices = #map1}, {transform_indices = #map1}]} {
    "tpu.region"() ({
      %run_scoped3A = tpu.sem_alloc : memref<!tpu.dma_semaphore, #tpu.memory_space<semaphore_mem>>
      tpu.enqueue_dma source(%arg7 : memref<3200xf32, #tpu.memory_space<hbm>>) target(%arg17 : memref<3200xf32, #tpu.memory_space<vmem>>) target_semaphore(%run_scoped3A : memref<!tpu.dma_semaphore, #tpu.memory_space<semaphore_mem>>)
      tpu.wait_dma2 semaphore(%run_scoped3A : memref<!tpu.dma_semaphore, #tpu.memory_space<semaphore_mem>>) src(%arg7 : memref<3200xf32, #tpu.memory_space<hbm>>) dst(%arg17 : memref<3200xf32, #tpu.memory_space<vmem>>)
      tpu.yield
    }) : () -> ()
    %mul3A = arith.constant 3200 : i32
    %mul3A_0 = arith.muli %arg1, %mul3A : i32
    "tpu.region"() ({
      %run_scoped3A = tpu.sem_alloc : memref<!tpu.dma_semaphore, #tpu.memory_space<semaphore_mem>>
      %dma_start3A = tpu.memref_slice %arg12[%mul3A_0] : memref<51200xf32, #tpu.memory_space<vmem_shared>> -> memref<3200xf32, #tpu.memory_space<vmem_shared>>
      %dma_start3A_21 = tpu.memref_slice %arg12[%mul3A_0] : memref<51200xf32, #tpu.memory_space<vmem_shared>> -> memref<3200xf32, #tpu.memory_space<vmem_shared>>
      tpu.enqueue_dma source(%arg17 : memref<3200xf32, #tpu.memory_space<vmem>>) target(%dma_start3A_21 : memref<3200xf32, #tpu.memory_space<vmem_shared>>) target_semaphore(%run_scoped3A : memref<!tpu.dma_semaphore, #tpu.memory_space<semaphore_mem>>)
      %dma_wait3A = tpu.memref_slice %arg12[%mul3A_0] : memref<51200xf32, #tpu.memory_space<vmem_shared>> -> memref<3200xf32, #tpu.memory_space<vmem_shared>>
      %dma_wait3A_22 = tpu.memref_slice %arg12[%mul3A_0] : memref<51200xf32, #tpu.memory_space<vmem_shared>> -> memref<3200xf32, #tpu.memory_space<vmem_shared>>
      tpu.wait_dma2 semaphore(%run_scoped3A : memref<!tpu.dma_semaphore, #tpu.memory_space<semaphore_mem>>) src(%arg17 : memref<3200xf32, #tpu.memory_space<vmem>>) dst(%dma_wait3A_22 : memref<3200xf32, #tpu.memory_space<vmem_shared>>)
      tpu.yield
    }) : () -> ()
    %mul3A_1 = arith.constant 3200 : i32
    %mul3A_2 = arith.muli %arg1, %mul3A_1 : i32
    "tpu.region"() ({
      %run_scoped3A = tpu.sem_alloc : memref<!tpu.dma_semaphore, #tpu.memory_space<semaphore_mem>>
      %dma_start3A = tpu.memref_slice %arg13[%mul3A_2] : memref<51200xf32, #tpu.memory_space<vmem_shared>> -> memref<3200xf32, #tpu.memory_space<vmem_shared>>
      %dma_start3A_21 = tpu.memref_slice %arg13[%mul3A_2] : memref<51200xf32, #tpu.memory_space<vmem_shared>> -> memref<3200xf32, #tpu.memory_space<vmem_shared>>
      tpu.enqueue_dma source(%arg17 : memref<3200xf32, #tpu.memory_space<vmem>>) target(%dma_start3A_21 : memref<3200xf32, #tpu.memory_space<vmem_shared>>) target_semaphore(%run_scoped3A : memref<!tpu.dma_semaphore, #tpu.memory_space<semaphore_mem>>)
      %dma_wait3A = tpu.memref_slice %arg13[%mul3A_2] : memref<51200xf32, #tpu.memory_space<vmem_shared>> -> memref<3200xf32, #tpu.memory_space<vmem_shared>>
      %dma_wait3A_22 = tpu.memref_slice %arg13[%mul3A_2] : memref<51200xf32, #tpu.memory_space<vmem_shared>> -> memref<3200xf32, #tpu.memory_space<vmem_shared>>
      tpu.wait_dma2 semaphore(%run_scoped3A : memref<!tpu.dma_semaphore, #tpu.memory_space<semaphore_mem>>) src(%arg17 : memref<3200xf32, #tpu.memory_space<vmem>>) dst(%dma_wait3A_22 : memref<3200xf32, #tpu.memory_space<vmem_shared>>)
      tpu.yield
    }) : () -> ()
    "tpu.region"() ({
      %run_scoped3A = tpu.sem_alloc : memref<!tpu.dma_semaphore, #tpu.memory_space<semaphore_mem>>
      tpu.enqueue_dma source(%arg6 : memref<128xf32, #tpu.memory_space<hbm>>) target(%arg16 : memref<128xf32, #tpu.memory_space<vmem>>) target_semaphore(%run_scoped3A : memref<!tpu.dma_semaphore, #tpu.memory_space<semaphore_mem>>)
      tpu.wait_dma2 semaphore(%run_scoped3A : memref<!tpu.dma_semaphore, #tpu.memory_space<semaphore_mem>>) src(%arg6 : memref<128xf32, #tpu.memory_space<hbm>>) dst(%arg16 : memref<128xf32, #tpu.memory_space<vmem>>)
      tpu.yield
    }) : () -> ()
    %barrier3A = arith.constant 0 : index
    tpu.barrier barrier_id(%barrier3A)
    %eq3A = arith.constant 0 : i32
    %eq3A_3 = arith.cmpi eq, %arg0, %eq3A : i32
    %convert_element_type3A = arith.extui %eq3A_3 : i1 to i32
    %cond3A = arith.constant 0 : i32
    %cond3A_4 = arith.cmpi ne, %convert_element_type3A, %cond3A : i32
    scf.if %cond3A_4 {
      %scan3A = arith.constant 0 : i32
      %scan3A_21 = arith.constant 0 : i32
      %scan3A_22 = arith.constant 16 : i32
      %scan3A_23 = arith.addi %scan3A_21, %scan3A_22 : i32
      %scan3A_24 = arith.constant 1 : i32
      scf.for %scan3A_26 = %scan3A_21 to %scan3A_23 step %scan3A_24  : i32 {
        %mul3A_27 = arith.constant 16 : i32
        %mul3A_28 = arith.muli %mul3A_27, %scan3A_26 : i32
        %add3A = arith.addi %arg1, %mul3A_28 : i32
        %lt3A = arith.constant 250 : i32
        %lt3A_29 = arith.cmpi slt, %add3A, %lt3A : i32
        %convert_element_type3A_30 = arith.extui %lt3A_29 : i1 to i32
        %cond3A_31 = arith.constant 0 : i32
        %cond3A_32 = arith.cmpi ne, %convert_element_type3A_30, %cond3A_31 : i32
        scf.if %cond3A_32 {
          %mul3A_33 = arith.constant 25 : i32
          %mul3A_34 = arith.muli %add3A, %mul3A_33 : i32
          "tpu.region"() ({
            %run_scoped3A = tpu.sem_alloc : memref<!tpu.dma_semaphore, #tpu.memory_space<semaphore_mem>>
            %dma_start3A = arith.constant 0 : i32
            %dma_start3A_49 = tpu.memref_slice %arg2[%mul3A_34, %dma_start3A] : memref<6250x128xi32, #tpu.memory_space<hbm>> -> memref<25x128xi32, #tpu.memory_space<hbm>>
            %dma_start3A_50 = arith.constant 0 : i32
            %dma_start3A_51 = tpu.memref_slice %arg2[%mul3A_34, %dma_start3A_50] : memref<6250x128xi32, #tpu.memory_space<hbm>> -> memref<25x128xi32, #tpu.memory_space<hbm>>
            tpu.enqueue_dma source(%dma_start3A_51 : memref<25x128xi32, #tpu.memory_space<hbm>>) target(%arg14 : memref<25x128xi32, #tpu.memory_space<vmem>>) target_semaphore(%run_scoped3A : memref<!tpu.dma_semaphore, #tpu.memory_space<semaphore_mem>>)
            %dma_wait3A = arith.constant 0 : i32
            %dma_wait3A_52 = tpu.memref_slice %arg2[%mul3A_34, %dma_wait3A] : memref<6250x128xi32, #tpu.memory_space<hbm>> -> memref<25x128xi32, #tpu.memory_space<hbm>>
            %dma_wait3A_53 = arith.constant 0 : i32
            %dma_wait3A_54 = tpu.memref_slice %arg2[%mul3A_34, %dma_wait3A_53] : memref<6250x128xi32, #tpu.memory_space<hbm>> -> memref<25x128xi32, #tpu.memory_space<hbm>>
            tpu.wait_dma2 semaphore(%run_scoped3A : memref<!tpu.dma_semaphore, #tpu.memory_space<semaphore_mem>>) src(%dma_wait3A_54 : memref<25x128xi32, #tpu.memory_space<hbm>>) dst(%arg14 : memref<25x128xi32, #tpu.memory_space<vmem>>)
            tpu.yield
          }) : () -> ()
          %mul3A_35 = arith.constant 25 : i32
          %mul3A_36 = arith.muli %add3A, %mul3A_35 : i32
          "tpu.region"() ({
            %run_scoped3A = tpu.sem_alloc : memref<!tpu.dma_semaphore, #tpu.memory_space<semaphore_mem>>
            %dma_start3A = arith.constant 0 : i32
            %dma_start3A_49 = tpu.memref_slice %arg3[%mul3A_36, %dma_start3A] : memref<6250x128xi32, #tpu.memory_space<hbm>> -> memref<25x128xi32, #tpu.memory_space<hbm>>
            %dma_start3A_50 = arith.constant 0 : i32
            %dma_start3A_51 = tpu.memref_slice %arg3[%mul3A_36, %dma_start3A_50] : memref<6250x128xi32, #tpu.memory_space<hbm>> -> memref<25x128xi32, #tpu.memory_space<hbm>>
            tpu.enqueue_dma source(%dma_start3A_51 : memref<25x128xi32, #tpu.memory_space<hbm>>) target(%arg15 : memref<25x128xi32, #tpu.memory_space<vmem>>) target_semaphore(%run_scoped3A : memref<!tpu.dma_semaphore, #tpu.memory_space<semaphore_mem>>)
            %dma_wait3A = arith.constant 0 : i32
            %dma_wait3A_52 = tpu.memref_slice %arg3[%mul3A_36, %dma_wait3A] : memref<6250x128xi32, #tpu.memory_space<hbm>> -> memref<25x128xi32, #tpu.memory_space<hbm>>
            %dma_wait3A_53 = arith.constant 0 : i32
            %dma_wait3A_54 = tpu.memref_slice %arg3[%mul3A_36, %dma_wait3A_53] : memref<6250x128xi32, #tpu.memory_space<hbm>> -> memref<25x128xi32, #tpu.memory_space<hbm>>
            tpu.wait_dma2 semaphore(%run_scoped3A : memref<!tpu.dma_semaphore, #tpu.memory_space<semaphore_mem>>) src(%dma_wait3A_54 : memref<25x128xi32, #tpu.memory_space<hbm>>) dst(%arg15 : memref<25x128xi32, #tpu.memory_space<vmem>>)
            tpu.yield
          }) : () -> ()
          %scan3A_37 = arith.constant 0 : i32
          %scan3A_38 = arith.constant 0 : i32
          %scan3A_39 = arith.constant 25 : i32
          %scan3A_40 = arith.addi %scan3A_38, %scan3A_39 : i32
          %scan3A_41 = arith.constant 1 : i32
          scf.for %scan3A_49 = %scan3A_38 to %scan3A_40 step %scan3A_41  : i32 {
            %dma_start3A = arith.constant 0 : i32
            %dma_start3A_50 = tpu.memref_slice %arg14[%scan3A_49, %dma_start3A] : memref<25x128xi32, #tpu.memory_space<vmem>> -> memref<1x128xi32, #tpu.memory_space<vmem>>
            %dma_start3A_51 = tpu.memref_squeeze %dma_start3A_50 : memref<1x128xi32, #tpu.memory_space<vmem>> -> memref<128xi32, #tpu.memory_space<vmem>>
            %dma_start3A_52 = arith.constant 0 : i32
            %dma_start3A_53 = tpu.memref_slice %arg12[%dma_start3A_52] : memref<51200xf32, #tpu.memory_space<vmem_shared>> -> memref<51200xf32, #tpu.memory_space<vmem_shared>>
            tpu.enqueue_indirect_dma source(%arg16 : memref<128xf32, #tpu.memory_space<vmem>>) target(%dma_start3A_53 : memref<51200xf32, #tpu.memory_space<vmem_shared>>) offsets(%dma_start3A_51 : memref<128xi32, #tpu.memory_space<vmem>>) semaphore(%arg18 : memref<!tpu.dma_semaphore, #tpu.memory_space<semaphore_mem>>) {add = true}
            %dma_start3A_54 = arith.constant 0 : i32
            %dma_start3A_55 = tpu.memref_slice %arg15[%scan3A_49, %dma_start3A_54] : memref<25x128xi32, #tpu.memory_space<vmem>> -> memref<1x128xi32, #tpu.memory_space<vmem>>
            %dma_start3A_56 = tpu.memref_squeeze %dma_start3A_55 : memref<1x128xi32, #tpu.memory_space<vmem>> -> memref<128xi32, #tpu.memory_space<vmem>>
            %dma_start3A_57 = arith.constant 0 : i32
            %dma_start3A_58 = tpu.memref_slice %arg13[%dma_start3A_57] : memref<51200xf32, #tpu.memory_space<vmem_shared>> -> memref<51200xf32, #tpu.memory_space<vmem_shared>>
            tpu.enqueue_indirect_dma source(%arg16 : memref<128xf32, #tpu.memory_space<vmem>>) target(%dma_start3A_58 : memref<51200xf32, #tpu.memory_space<vmem_shared>>) offsets(%dma_start3A_56 : memref<128xi32, #tpu.memory_space<vmem>>) semaphore(%arg18 : memref<!tpu.dma_semaphore, #tpu.memory_space<semaphore_mem>>) {add = true}
          }
          %scan3A_42 = arith.constant 25 : i32
          %scan3A_43 = arith.constant 0 : i32
          %scan3A_44 = arith.constant 0 : i32
          %scan3A_45 = arith.constant 25 : i32
          %scan3A_46 = arith.addi %scan3A_44, %scan3A_45 : i32
          %scan3A_47 = arith.constant 1 : i32
          scf.for %scan3A_49 = %scan3A_44 to %scan3A_46 step %scan3A_47  : i32 {
            %dma_wait3A = arith.constant 0 : i32
            %dma_wait3A_50 = arith.constant 0 : i32
            %dma_wait3A_51 = tpu.memref_slice %arg14[%dma_wait3A, %dma_wait3A_50] : memref<25x128xi32, #tpu.memory_space<vmem>> -> memref<1x128xi32, #tpu.memory_space<vmem>>
            %dma_wait3A_52 = tpu.memref_squeeze %dma_wait3A_51 : memref<1x128xi32, #tpu.memory_space<vmem>> -> memref<128xi32, #tpu.memory_space<vmem>>
            %dma_wait3A_53 = arith.constant 0 : i32
            %dma_wait3A_54 = tpu.memref_slice %arg12[%dma_wait3A_53] : memref<51200xf32, #tpu.memory_space<vmem_shared>> -> memref<51200xf32, #tpu.memory_space<vmem_shared>>
            tpu.wait_indirect_dma semaphore(%arg18 : memref<!tpu.dma_semaphore, #tpu.memory_space<semaphore_mem>>) src(%arg16 : memref<128xf32, #tpu.memory_space<vmem>>) dst(%dma_wait3A_54 : memref<51200xf32, #tpu.memory_space<vmem_shared>>)
            %dma_wait3A_55 = arith.constant 0 : i32
            %dma_wait3A_56 = arith.constant 0 : i32
            %dma_wait3A_57 = tpu.memref_slice %arg15[%dma_wait3A_55, %dma_wait3A_56] : memref<25x128xi32, #tpu.memory_space<vmem>> -> memref<1x128xi32, #tpu.memory_space<vmem>>
            %dma_wait3A_58 = tpu.memref_squeeze %dma_wait3A_57 : memref<1x128xi32, #tpu.memory_space<vmem>> -> memref<128xi32, #tpu.memory_space<vmem>>
            %dma_wait3A_59 = arith.constant 0 : i32
            %dma_wait3A_60 = tpu.memref_slice %arg13[%dma_wait3A_59] : memref<51200xf32, #tpu.memory_space<vmem_shared>> -> memref<51200xf32, #tpu.memory_space<vmem_shared>>
            tpu.wait_indirect_dma semaphore(%arg18 : memref<!tpu.dma_semaphore, #tpu.memory_space<semaphore_mem>>) src(%arg16 : memref<128xf32, #tpu.memory_space<vmem>>) dst(%dma_wait3A_60 : memref<51200xf32, #tpu.memory_space<vmem_shared>>)
          }
          %scan3A_48 = arith.constant 25 : i32
        } else {
        }
      }
      %scan3A_25 = arith.constant 16 : i32
    } else {
    }
    %eq3A_5 = arith.constant 1 : i32
    %eq3A_6 = arith.cmpi eq, %arg0, %eq3A_5 : i32
    %convert_element_type3A_7 = arith.extui %eq3A_6 : i1 to i32
    %cond3A_8 = arith.constant 0 : i32
    %cond3A_9 = arith.cmpi ne, %convert_element_type3A_7, %cond3A_8 : i32
    scf.if %cond3A_9 {
      %scan3A = arith.constant 0 : i32
      %scan3A_21 = arith.constant 0 : i32
      %scan3A_22 = arith.constant 16 : i32
      %scan3A_23 = arith.addi %scan3A_21, %scan3A_22 : i32
      %scan3A_24 = arith.constant 1 : i32
      scf.for %scan3A_26 = %scan3A_21 to %scan3A_23 step %scan3A_24  : i32 {
        %mul3A_27 = arith.constant 16 : i32
        %mul3A_28 = arith.muli %mul3A_27, %scan3A_26 : i32
        %add3A = arith.addi %arg1, %mul3A_28 : i32
        %lt3A = arith.constant 250 : i32
        %lt3A_29 = arith.cmpi slt, %add3A, %lt3A : i32
        %convert_element_type3A_30 = arith.extui %lt3A_29 : i1 to i32
        %cond3A_31 = arith.constant 0 : i32
        %cond3A_32 = arith.cmpi ne, %convert_element_type3A_30, %cond3A_31 : i32
        scf.if %cond3A_32 {
          %mul3A_33 = arith.constant 25 : i32
          %mul3A_34 = arith.muli %add3A, %mul3A_33 : i32
          "tpu.region"() ({
            %run_scoped3A = tpu.sem_alloc : memref<!tpu.dma_semaphore, #tpu.memory_space<semaphore_mem>>
            %dma_start3A = arith.constant 0 : i32
            %dma_start3A_49 = tpu.memref_slice %arg4[%mul3A_34, %dma_start3A] : memref<6250x128xi32, #tpu.memory_space<hbm>> -> memref<25x128xi32, #tpu.memory_space<hbm>>
            %dma_start3A_50 = arith.constant 0 : i32
            %dma_start3A_51 = tpu.memref_slice %arg4[%mul3A_34, %dma_start3A_50] : memref<6250x128xi32, #tpu.memory_space<hbm>> -> memref<25x128xi32, #tpu.memory_space<hbm>>
            tpu.enqueue_dma source(%dma_start3A_51 : memref<25x128xi32, #tpu.memory_space<hbm>>) target(%arg14 : memref<25x128xi32, #tpu.memory_space<vmem>>) target_semaphore(%run_scoped3A : memref<!tpu.dma_semaphore, #tpu.memory_space<semaphore_mem>>)
            %dma_wait3A = arith.constant 0 : i32
            %dma_wait3A_52 = tpu.memref_slice %arg4[%mul3A_34, %dma_wait3A] : memref<6250x128xi32, #tpu.memory_space<hbm>> -> memref<25x128xi32, #tpu.memory_space<hbm>>
            %dma_wait3A_53 = arith.constant 0 : i32
            %dma_wait3A_54 = tpu.memref_slice %arg4[%mul3A_34, %dma_wait3A_53] : memref<6250x128xi32, #tpu.memory_space<hbm>> -> memref<25x128xi32, #tpu.memory_space<hbm>>
            tpu.wait_dma2 semaphore(%run_scoped3A : memref<!tpu.dma_semaphore, #tpu.memory_space<semaphore_mem>>) src(%dma_wait3A_54 : memref<25x128xi32, #tpu.memory_space<hbm>>) dst(%arg14 : memref<25x128xi32, #tpu.memory_space<vmem>>)
            tpu.yield
          }) : () -> ()
          %mul3A_35 = arith.constant 25 : i32
          %mul3A_36 = arith.muli %add3A, %mul3A_35 : i32
          "tpu.region"() ({
            %run_scoped3A = tpu.sem_alloc : memref<!tpu.dma_semaphore, #tpu.memory_space<semaphore_mem>>
            %dma_start3A = arith.constant 0 : i32
            %dma_start3A_49 = tpu.memref_slice %arg5[%mul3A_36, %dma_start3A] : memref<6250x128xi32, #tpu.memory_space<hbm>> -> memref<25x128xi32, #tpu.memory_space<hbm>>
            %dma_start3A_50 = arith.constant 0 : i32
            %dma_start3A_51 = tpu.memref_slice %arg5[%mul3A_36, %dma_start3A_50] : memref<6250x128xi32, #tpu.memory_space<hbm>> -> memref<25x128xi32, #tpu.memory_space<hbm>>
            tpu.enqueue_dma source(%dma_start3A_51 : memref<25x128xi32, #tpu.memory_space<hbm>>) target(%arg15 : memref<25x128xi32, #tpu.memory_space<vmem>>) target_semaphore(%run_scoped3A : memref<!tpu.dma_semaphore, #tpu.memory_space<semaphore_mem>>)
            %dma_wait3A = arith.constant 0 : i32
            %dma_wait3A_52 = tpu.memref_slice %arg5[%mul3A_36, %dma_wait3A] : memref<6250x128xi32, #tpu.memory_space<hbm>> -> memref<25x128xi32, #tpu.memory_space<hbm>>
            %dma_wait3A_53 = arith.constant 0 : i32
            %dma_wait3A_54 = tpu.memref_slice %arg5[%mul3A_36, %dma_wait3A_53] : memref<6250x128xi32, #tpu.memory_space<hbm>> -> memref<25x128xi32, #tpu.memory_space<hbm>>
            tpu.wait_dma2 semaphore(%run_scoped3A : memref<!tpu.dma_semaphore, #tpu.memory_space<semaphore_mem>>) src(%dma_wait3A_54 : memref<25x128xi32, #tpu.memory_space<hbm>>) dst(%arg15 : memref<25x128xi32, #tpu.memory_space<vmem>>)
            tpu.yield
          }) : () -> ()
          %scan3A_37 = arith.constant 0 : i32
          %scan3A_38 = arith.constant 0 : i32
          %scan3A_39 = arith.constant 25 : i32
          %scan3A_40 = arith.addi %scan3A_38, %scan3A_39 : i32
          %scan3A_41 = arith.constant 1 : i32
          scf.for %scan3A_49 = %scan3A_38 to %scan3A_40 step %scan3A_41  : i32 {
            %dma_start3A = arith.constant 0 : i32
            %dma_start3A_50 = tpu.memref_slice %arg14[%scan3A_49, %dma_start3A] : memref<25x128xi32, #tpu.memory_space<vmem>> -> memref<1x128xi32, #tpu.memory_space<vmem>>
            %dma_start3A_51 = tpu.memref_squeeze %dma_start3A_50 : memref<1x128xi32, #tpu.memory_space<vmem>> -> memref<128xi32, #tpu.memory_space<vmem>>
            %dma_start3A_52 = arith.constant 0 : i32
            %dma_start3A_53 = tpu.memref_slice %arg12[%dma_start3A_52] : memref<51200xf32, #tpu.memory_space<vmem_shared>> -> memref<51200xf32, #tpu.memory_space<vmem_shared>>
            tpu.enqueue_indirect_dma source(%arg16 : memref<128xf32, #tpu.memory_space<vmem>>) target(%dma_start3A_53 : memref<51200xf32, #tpu.memory_space<vmem_shared>>) offsets(%dma_start3A_51 : memref<128xi32, #tpu.memory_space<vmem>>) semaphore(%arg18 : memref<!tpu.dma_semaphore, #tpu.memory_space<semaphore_mem>>) {add = true}
            %dma_start3A_54 = arith.constant 0 : i32
            %dma_start3A_55 = tpu.memref_slice %arg15[%scan3A_49, %dma_start3A_54] : memref<25x128xi32, #tpu.memory_space<vmem>> -> memref<1x128xi32, #tpu.memory_space<vmem>>
            %dma_start3A_56 = tpu.memref_squeeze %dma_start3A_55 : memref<1x128xi32, #tpu.memory_space<vmem>> -> memref<128xi32, #tpu.memory_space<vmem>>
            %dma_start3A_57 = arith.constant 0 : i32
            %dma_start3A_58 = tpu.memref_slice %arg13[%dma_start3A_57] : memref<51200xf32, #tpu.memory_space<vmem_shared>> -> memref<51200xf32, #tpu.memory_space<vmem_shared>>
            tpu.enqueue_indirect_dma source(%arg16 : memref<128xf32, #tpu.memory_space<vmem>>) target(%dma_start3A_58 : memref<51200xf32, #tpu.memory_space<vmem_shared>>) offsets(%dma_start3A_56 : memref<128xi32, #tpu.memory_space<vmem>>) semaphore(%arg18 : memref<!tpu.dma_semaphore, #tpu.memory_space<semaphore_mem>>) {add = true}
          }
          %scan3A_42 = arith.constant 25 : i32
          %scan3A_43 = arith.constant 0 : i32
          %scan3A_44 = arith.constant 0 : i32
          %scan3A_45 = arith.constant 25 : i32
          %scan3A_46 = arith.addi %scan3A_44, %scan3A_45 : i32
          %scan3A_47 = arith.constant 1 : i32
          scf.for %scan3A_49 = %scan3A_44 to %scan3A_46 step %scan3A_47  : i32 {
            %dma_wait3A = arith.constant 0 : i32
            %dma_wait3A_50 = arith.constant 0 : i32
            %dma_wait3A_51 = tpu.memref_slice %arg14[%dma_wait3A, %dma_wait3A_50] : memref<25x128xi32, #tpu.memory_space<vmem>> -> memref<1x128xi32, #tpu.memory_space<vmem>>
            %dma_wait3A_52 = tpu.memref_squeeze %dma_wait3A_51 : memref<1x128xi32, #tpu.memory_space<vmem>> -> memref<128xi32, #tpu.memory_space<vmem>>
            %dma_wait3A_53 = arith.constant 0 : i32
            %dma_wait3A_54 = tpu.memref_slice %arg12[%dma_wait3A_53] : memref<51200xf32, #tpu.memory_space<vmem_shared>> -> memref<51200xf32, #tpu.memory_space<vmem_shared>>
            tpu.wait_indirect_dma semaphore(%arg18 : memref<!tpu.dma_semaphore, #tpu.memory_space<semaphore_mem>>) src(%arg16 : memref<128xf32, #tpu.memory_space<vmem>>) dst(%dma_wait3A_54 : memref<51200xf32, #tpu.memory_space<vmem_shared>>)
            %dma_wait3A_55 = arith.constant 0 : i32
            %dma_wait3A_56 = arith.constant 0 : i32
            %dma_wait3A_57 = tpu.memref_slice %arg15[%dma_wait3A_55, %dma_wait3A_56] : memref<25x128xi32, #tpu.memory_space<vmem>> -> memref<1x128xi32, #tpu.memory_space<vmem>>
            %dma_wait3A_58 = tpu.memref_squeeze %dma_wait3A_57 : memref<1x128xi32, #tpu.memory_space<vmem>> -> memref<128xi32, #tpu.memory_space<vmem>>
            %dma_wait3A_59 = arith.constant 0 : i32
            %dma_wait3A_60 = tpu.memref_slice %arg13[%dma_wait3A_59] : memref<51200xf32, #tpu.memory_space<vmem_shared>> -> memref<51200xf32, #tpu.memory_space<vmem_shared>>
            tpu.wait_indirect_dma semaphore(%arg18 : memref<!tpu.dma_semaphore, #tpu.memory_space<semaphore_mem>>) src(%arg16 : memref<128xf32, #tpu.memory_space<vmem>>) dst(%dma_wait3A_60 : memref<51200xf32, #tpu.memory_space<vmem_shared>>)
          }
          %scan3A_48 = arith.constant 25 : i32
        } else {
        }
      }
      %scan3A_25 = arith.constant 16 : i32
    } else {
    }
    %barrier3A_10 = arith.constant 0 : index
    tpu.barrier barrier_id(%barrier3A_10)
    %eq3A_11 = arith.constant 0 : i32
    %eq3A_12 = arith.cmpi eq, %arg0, %eq3A_11 : i32
    %convert_element_type3A_13 = arith.extui %eq3A_12 : i1 to i32
    %cond3A_14 = arith.constant 0 : i32
    %cond3A_15 = arith.cmpi ne, %convert_element_type3A_13, %cond3A_14 : i32
    scf.if %cond3A_15 {
      %mul3A_21 = arith.constant 3200 : i32
      %mul3A_22 = arith.muli %arg1, %mul3A_21 : i32
      "tpu.region"() ({
        %run_scoped3A = tpu.sem_alloc : memref<!tpu.dma_semaphore, #tpu.memory_space<semaphore_mem>>
        %dma_start3A = tpu.memref_slice %arg12[%mul3A_22] : memref<51200xf32, #tpu.memory_space<vmem_shared>> -> memref<3200xf32, #tpu.memory_space<vmem_shared>>
        %dma_start3A_29 = tpu.memref_slice %arg12[%mul3A_22] : memref<51200xf32, #tpu.memory_space<vmem_shared>> -> memref<3200xf32, #tpu.memory_space<vmem_shared>>
        tpu.enqueue_dma source(%dma_start3A_29 : memref<3200xf32, #tpu.memory_space<vmem_shared>>) target(%arg17 : memref<3200xf32, #tpu.memory_space<vmem>>) target_semaphore(%run_scoped3A : memref<!tpu.dma_semaphore, #tpu.memory_space<semaphore_mem>>)
        %dma_wait3A = tpu.memref_slice %arg12[%mul3A_22] : memref<51200xf32, #tpu.memory_space<vmem_shared>> -> memref<3200xf32, #tpu.memory_space<vmem_shared>>
        %dma_wait3A_30 = tpu.memref_slice %arg12[%mul3A_22] : memref<51200xf32, #tpu.memory_space<vmem_shared>> -> memref<3200xf32, #tpu.memory_space<vmem_shared>>
        tpu.wait_dma2 semaphore(%run_scoped3A : memref<!tpu.dma_semaphore, #tpu.memory_space<semaphore_mem>>) src(%dma_wait3A_30 : memref<3200xf32, #tpu.memory_space<vmem_shared>>) dst(%arg17 : memref<3200xf32, #tpu.memory_space<vmem>>)
        tpu.yield
      }) : () -> ()
      %mul3A_23 = arith.constant 3200 : i32
      %mul3A_24 = arith.muli %arg1, %mul3A_23 : i32
      "tpu.region"() ({
        %run_scoped3A = tpu.sem_alloc : memref<!tpu.dma_semaphore, #tpu.memory_space<semaphore_mem>>
        %dma_start3A = tpu.memref_slice %arg8[%mul3A_24] : memref<51200xf32, #tpu.memory_space<hbm>> -> memref<3200xf32, #tpu.memory_space<hbm>>
        %dma_start3A_29 = tpu.memref_slice %arg8[%mul3A_24] : memref<51200xf32, #tpu.memory_space<hbm>> -> memref<3200xf32, #tpu.memory_space<hbm>>
        tpu.enqueue_dma source(%arg17 : memref<3200xf32, #tpu.memory_space<vmem>>) target(%dma_start3A_29 : memref<3200xf32, #tpu.memory_space<hbm>>) target_semaphore(%run_scoped3A : memref<!tpu.dma_semaphore, #tpu.memory_space<semaphore_mem>>)
        %dma_wait3A = tpu.memref_slice %arg8[%mul3A_24] : memref<51200xf32, #tpu.memory_space<hbm>> -> memref<3200xf32, #tpu.memory_space<hbm>>
        %dma_wait3A_30 = tpu.memref_slice %arg8[%mul3A_24] : memref<51200xf32, #tpu.memory_space<hbm>> -> memref<3200xf32, #tpu.memory_space<hbm>>
        tpu.wait_dma2 semaphore(%run_scoped3A : memref<!tpu.dma_semaphore, #tpu.memory_space<semaphore_mem>>) src(%arg17 : memref<3200xf32, #tpu.memory_space<vmem>>) dst(%dma_wait3A_30 : memref<3200xf32, #tpu.memory_space<hbm>>)
        tpu.yield
      }) : () -> ()
      %mul3A_25 = arith.constant 3200 : i32
      %mul3A_26 = arith.muli %arg1, %mul3A_25 : i32
      "tpu.region"() ({
        %run_scoped3A = tpu.sem_alloc : memref<!tpu.dma_semaphore, #tpu.memory_space<semaphore_mem>>
        %dma_start3A = tpu.memref_slice %arg13[%mul3A_26] : memref<51200xf32, #tpu.memory_space<vmem_shared>> -> memref<3200xf32, #tpu.memory_space<vmem_shared>>
        %dma_start3A_29 = tpu.memref_slice %arg13[%mul3A_26] : memref<51200xf32, #tpu.memory_space<vmem_shared>> -> memref<3200xf32, #tpu.memory_space<vmem_shared>>
        tpu.enqueue_dma source(%dma_start3A_29 : memref<3200xf32, #tpu.memory_space<vmem_shared>>) target(%arg17 : memref<3200xf32, #tpu.memory_space<vmem>>) target_semaphore(%run_scoped3A : memref<!tpu.dma_semaphore, #tpu.memory_space<semaphore_mem>>)
        %dma_wait3A = tpu.memref_slice %arg13[%mul3A_26] : memref<51200xf32, #tpu.memory_space<vmem_shared>> -> memref<3200xf32, #tpu.memory_space<vmem_shared>>
        %dma_wait3A_30 = tpu.memref_slice %arg13[%mul3A_26] : memref<51200xf32, #tpu.memory_space<vmem_shared>> -> memref<3200xf32, #tpu.memory_space<vmem_shared>>
        tpu.wait_dma2 semaphore(%run_scoped3A : memref<!tpu.dma_semaphore, #tpu.memory_space<semaphore_mem>>) src(%dma_wait3A_30 : memref<3200xf32, #tpu.memory_space<vmem_shared>>) dst(%arg17 : memref<3200xf32, #tpu.memory_space<vmem>>)
        tpu.yield
      }) : () -> ()
      %mul3A_27 = arith.constant 3200 : i32
      %mul3A_28 = arith.muli %arg1, %mul3A_27 : i32
      "tpu.region"() ({
        %run_scoped3A = tpu.sem_alloc : memref<!tpu.dma_semaphore, #tpu.memory_space<semaphore_mem>>
        %dma_start3A = tpu.memref_slice %arg9[%mul3A_28] : memref<51200xf32, #tpu.memory_space<hbm>> -> memref<3200xf32, #tpu.memory_space<hbm>>
        %dma_start3A_29 = tpu.memref_slice %arg9[%mul3A_28] : memref<51200xf32, #tpu.memory_space<hbm>> -> memref<3200xf32, #tpu.memory_space<hbm>>
        tpu.enqueue_dma source(%arg17 : memref<3200xf32, #tpu.memory_space<vmem>>) target(%dma_start3A_29 : memref<3200xf32, #tpu.memory_space<hbm>>) target_semaphore(%run_scoped3A : memref<!tpu.dma_semaphore, #tpu.memory_space<semaphore_mem>>)
        %dma_wait3A = tpu.memref_slice %arg9[%mul3A_28] : memref<51200xf32, #tpu.memory_space<hbm>> -> memref<3200xf32, #tpu.memory_space<hbm>>
        %dma_wait3A_30 = tpu.memref_slice %arg9[%mul3A_28] : memref<51200xf32, #tpu.memory_space<hbm>> -> memref<3200xf32, #tpu.memory_space<hbm>>
        tpu.wait_dma2 semaphore(%run_scoped3A : memref<!tpu.dma_semaphore, #tpu.memory_space<semaphore_mem>>) src(%arg17 : memref<3200xf32, #tpu.memory_space<vmem>>) dst(%dma_wait3A_30 : memref<3200xf32, #tpu.memory_space<hbm>>)
        tpu.yield
      }) : () -> ()
    } else {
    }
    %eq3A_16 = arith.constant 1 : i32
    %eq3A_17 = arith.cmpi eq, %arg0, %eq3A_16 : i32
    %convert_element_type3A_18 = arith.extui %eq3A_17 : i1 to i32
    %cond3A_19 = arith.constant 0 : i32
    %cond3A_20 = arith.cmpi ne, %convert_element_type3A_18, %cond3A_19 : i32
    scf.if %cond3A_20 {
      %mul3A_21 = arith.constant 3200 : i32
      %mul3A_22 = arith.muli %arg1, %mul3A_21 : i32
      "tpu.region"() ({
        %run_scoped3A = tpu.sem_alloc : memref<!tpu.dma_semaphore, #tpu.memory_space<semaphore_mem>>
        %dma_start3A = tpu.memref_slice %arg12[%mul3A_22] : memref<51200xf32, #tpu.memory_space<vmem_shared>> -> memref<3200xf32, #tpu.memory_space<vmem_shared>>
        %dma_start3A_29 = tpu.memref_slice %arg12[%mul3A_22] : memref<51200xf32, #tpu.memory_space<vmem_shared>> -> memref<3200xf32, #tpu.memory_space<vmem_shared>>
        tpu.enqueue_dma source(%dma_start3A_29 : memref<3200xf32, #tpu.memory_space<vmem_shared>>) target(%arg17 : memref<3200xf32, #tpu.memory_space<vmem>>) target_semaphore(%run_scoped3A : memref<!tpu.dma_semaphore, #tpu.memory_space<semaphore_mem>>)
        %dma_wait3A = tpu.memref_slice %arg12[%mul3A_22] : memref<51200xf32, #tpu.memory_space<vmem_shared>> -> memref<3200xf32, #tpu.memory_space<vmem_shared>>
        %dma_wait3A_30 = tpu.memref_slice %arg12[%mul3A_22] : memref<51200xf32, #tpu.memory_space<vmem_shared>> -> memref<3200xf32, #tpu.memory_space<vmem_shared>>
        tpu.wait_dma2 semaphore(%run_scoped3A : memref<!tpu.dma_semaphore, #tpu.memory_space<semaphore_mem>>) src(%dma_wait3A_30 : memref<3200xf32, #tpu.memory_space<vmem_shared>>) dst(%arg17 : memref<3200xf32, #tpu.memory_space<vmem>>)
        tpu.yield
      }) : () -> ()
      %mul3A_23 = arith.constant 3200 : i32
      %mul3A_24 = arith.muli %arg1, %mul3A_23 : i32
      "tpu.region"() ({
        %run_scoped3A = tpu.sem_alloc : memref<!tpu.dma_semaphore, #tpu.memory_space<semaphore_mem>>
        %dma_start3A = tpu.memref_slice %arg10[%mul3A_24] : memref<51200xf32, #tpu.memory_space<hbm>> -> memref<3200xf32, #tpu.memory_space<hbm>>
        %dma_start3A_29 = tpu.memref_slice %arg10[%mul3A_24] : memref<51200xf32, #tpu.memory_space<hbm>> -> memref<3200xf32, #tpu.memory_space<hbm>>
        tpu.enqueue_dma source(%arg17 : memref<3200xf32, #tpu.memory_space<vmem>>) target(%dma_start3A_29 : memref<3200xf32, #tpu.memory_space<hbm>>) target_semaphore(%run_scoped3A : memref<!tpu.dma_semaphore, #tpu.memory_space<semaphore_mem>>)
        %dma_wait3A = tpu.memref_slice %arg10[%mul3A_24] : memref<51200xf32, #tpu.memory_space<hbm>> -> memref<3200xf32, #tpu.memory_space<hbm>>
        %dma_wait3A_30 = tpu.memref_slice %arg10[%mul3A_24] : memref<51200xf32, #tpu.memory_space<hbm>> -> memref<3200xf32, #tpu.memory_space<hbm>>
        tpu.wait_dma2 semaphore(%run_scoped3A : memref<!tpu.dma_semaphore, #tpu.memory_space<semaphore_mem>>) src(%arg17 : memref<3200xf32, #tpu.memory_space<vmem>>) dst(%dma_wait3A_30 : memref<3200xf32, #tpu.memory_space<hbm>>)
        tpu.yield
      }) : () -> ()
      %mul3A_25 = arith.constant 3200 : i32
      %mul3A_26 = arith.muli %arg1, %mul3A_25 : i32
      "tpu.region"() ({
        %run_scoped3A = tpu.sem_alloc : memref<!tpu.dma_semaphore, #tpu.memory_space<semaphore_mem>>
        %dma_start3A = tpu.memref_slice %arg13[%mul3A_26] : memref<51200xf32, #tpu.memory_space<vmem_shared>> -> memref<3200xf32, #tpu.memory_space<vmem_shared>>
        %dma_start3A_29 = tpu.memref_slice %arg13[%mul3A_26] : memref<51200xf32, #tpu.memory_space<vmem_shared>> -> memref<3200xf32, #tpu.memory_space<vmem_shared>>
        tpu.enqueue_dma source(%dma_start3A_29 : memref<3200xf32, #tpu.memory_space<vmem_shared>>) target(%arg17 : memref<3200xf32, #tpu.memory_space<vmem>>) target_semaphore(%run_scoped3A : memref<!tpu.dma_semaphore, #tpu.memory_space<semaphore_mem>>)
        %dma_wait3A = tpu.memref_slice %arg13[%mul3A_26] : memref<51200xf32, #tpu.memory_space<vmem_shared>> -> memref<3200xf32, #tpu.memory_space<vmem_shared>>
        %dma_wait3A_30 = tpu.memref_slice %arg13[%mul3A_26] : memref<51200xf32, #tpu.memory_space<vmem_shared>> -> memref<3200xf32, #tpu.memory_space<vmem_shared>>
        tpu.wait_dma2 semaphore(%run_scoped3A : memref<!tpu.dma_semaphore, #tpu.memory_space<semaphore_mem>>) src(%dma_wait3A_30 : memref<3200xf32, #tpu.memory_space<vmem_shared>>) dst(%arg17 : memref<3200xf32, #tpu.memory_space<vmem>>)
        tpu.yield
      }) : () -> ()
      %mul3A_27 = arith.constant 3200 : i32
      %mul3A_28 = arith.muli %arg1, %mul3A_27 : i32
      "tpu.region"() ({
        %run_scoped3A = tpu.sem_alloc : memref<!tpu.dma_semaphore, #tpu.memory_space<semaphore_mem>>
        %dma_start3A = tpu.memref_slice %arg11[%mul3A_28] : memref<51200xf32, #tpu.memory_space<hbm>> -> memref<3200xf32, #tpu.memory_space<hbm>>
        %dma_start3A_29 = tpu.memref_slice %arg11[%mul3A_28] : memref<51200xf32, #tpu.memory_space<hbm>> -> memref<3200xf32, #tpu.memory_space<hbm>>
        tpu.enqueue_dma source(%arg17 : memref<3200xf32, #tpu.memory_space<vmem>>) target(%dma_start3A_29 : memref<3200xf32, #tpu.memory_space<hbm>>) target_semaphore(%run_scoped3A : memref<!tpu.dma_semaphore, #tpu.memory_space<semaphore_mem>>)
        %dma_wait3A = tpu.memref_slice %arg11[%mul3A_28] : memref<51200xf32, #tpu.memory_space<hbm>> -> memref<3200xf32, #tpu.memory_space<hbm>>
        %dma_wait3A_30 = tpu.memref_slice %arg11[%mul3A_28] : memref<51200xf32, #tpu.memory_space<hbm>> -> memref<3200xf32, #tpu.memory_space<hbm>>
        tpu.wait_dma2 semaphore(%run_scoped3A : memref<!tpu.dma_semaphore, #tpu.memory_space<semaphore_mem>>) src(%arg17 : memref<3200xf32, #tpu.memory_space<vmem>>) dst(%dma_wait3A_30 : memref<3200xf32, #tpu.memory_space<hbm>>)
        tpu.yield
      }) : () -> ()
    } else {
    }
    return
  }
}

#map = affine_map<(d0, d1) -> (0, 0)>
module attributes {stable_mosaic.version = 14 : i64} {
  func.func @_bwd_body(%arg0: i32, %arg1: i32, %arg2: memref<51200x32xbf16, #tpu.memory_space<hbm>>, %arg3: memref<6250x128xi32, #tpu.memory_space<hbm>>, %arg4: memref<6250x128xi32, #tpu.memory_space<hbm>>, %arg5: memref<160x32xbf16, #tpu.memory_space<hbm>>, %arg6: memref<51200x32xbf16, #tpu.memory_space<hbm>>, %arg7: memref<51200x32xbf16, #tpu.memory_space<hbm>>, %arg8: memref<51200x32xbf16, #tpu.memory_space<vmem_shared>>, %arg9: memref<25x128xi32, #tpu.memory_space<vmem>>, %arg10: memref<25x128xi32, #tpu.memory_space<vmem>>, %arg11: memref<128x32xbf16, #tpu.memory_space<vmem>>, %arg12: memref<128x32xbf16, #tpu.memory_space<vmem>>, %arg13: memref<160x32xbf16, #tpu.memory_space<vmem>>, %arg14: memref<!tpu.dma_semaphore, #tpu.memory_space<semaphore_mem>>, %arg15: memref<!tpu.dma_semaphore, #tpu.memory_space<semaphore_mem>>, %arg16: memref<!tpu.dma_semaphore, #tpu.memory_space<semaphore_mem>>, %arg17: memref<!tpu.dma_semaphore, #tpu.memory_space<semaphore_mem>>) attributes {dimension_semantics = [#tpu.dimension_semantics<core_parallel>, #tpu.dimension_semantics<subcore_parallel>], iteration_bounds = array<i64: 2, 16>, scalar_prefetch = 0 : i64, scratch_operands = 10 : i64, tpu.core_type = #tpu.core_type<sc_vector_subcore>, window_params = [{transform_indices = #map}, {transform_indices = #map}, {transform_indices = #map}, {transform_indices = #map}, {transform_indices = #map}, {transform_indices = #map}]} {
    "tpu.region"() ({
      %run_scoped3A = tpu.sem_alloc : memref<!tpu.dma_semaphore, #tpu.memory_space<semaphore_mem>>
      tpu.enqueue_dma source(%arg5 : memref<160x32xbf16, #tpu.memory_space<hbm>>) target(%arg13 : memref<160x32xbf16, #tpu.memory_space<vmem>>) target_semaphore(%run_scoped3A : memref<!tpu.dma_semaphore, #tpu.memory_space<semaphore_mem>>)
      tpu.wait_dma2 semaphore(%run_scoped3A : memref<!tpu.dma_semaphore, #tpu.memory_space<semaphore_mem>>) src(%arg5 : memref<160x32xbf16, #tpu.memory_space<hbm>>) dst(%arg13 : memref<160x32xbf16, #tpu.memory_space<vmem>>)
      tpu.yield
    }) : () -> ()
    %scan3A = arith.constant 0 : i32
    %scan3A_0 = arith.constant 0 : i32
    %scan3A_1 = arith.constant 20 : i32
    %scan3A_2 = arith.addi %scan3A_0, %scan3A_1 : i32
    %scan3A_3 = arith.constant 1 : i32
    scf.for %scan3A_20 = %scan3A_0 to %scan3A_2 step %scan3A_3  : i32 {
      %mul3A_21 = arith.constant 3200 : i32
      %mul3A_22 = arith.muli %arg1, %mul3A_21 : i32
      %mul3A_23 = arith.constant 160 : i32
      %mul3A_24 = arith.muli %scan3A_20, %mul3A_23 : i32
      %add3A_25 = arith.addi %mul3A_22, %mul3A_24 : i32
      "tpu.region"() ({
        %run_scoped3A = tpu.sem_alloc : memref<!tpu.dma_semaphore, #tpu.memory_space<semaphore_mem>>
        %dma_start3A = arith.constant 0 : i32
        %dma_start3A_26 = tpu.memref_slice %arg8[%add3A_25, %dma_start3A] : memref<51200x32xbf16, #tpu.memory_space<vmem_shared>> -> memref<160x32xbf16, #tpu.memory_space<vmem_shared>>
        %dma_start3A_27 = arith.constant 0 : i32
        %dma_start3A_28 = tpu.memref_slice %arg8[%add3A_25, %dma_start3A_27] : memref<51200x32xbf16, #tpu.memory_space<vmem_shared>> -> memref<160x32xbf16, #tpu.memory_space<vmem_shared>>
        tpu.enqueue_dma source(%arg13 : memref<160x32xbf16, #tpu.memory_space<vmem>>) target(%dma_start3A_28 : memref<160x32xbf16, #tpu.memory_space<vmem_shared>>) target_semaphore(%run_scoped3A : memref<!tpu.dma_semaphore, #tpu.memory_space<semaphore_mem>>)
        %dma_wait3A = arith.constant 0 : i32
        %dma_wait3A_29 = tpu.memref_slice %arg8[%add3A_25, %dma_wait3A] : memref<51200x32xbf16, #tpu.memory_space<vmem_shared>> -> memref<160x32xbf16, #tpu.memory_space<vmem_shared>>
        %dma_wait3A_30 = arith.constant 0 : i32
        %dma_wait3A_31 = tpu.memref_slice %arg8[%add3A_25, %dma_wait3A_30] : memref<51200x32xbf16, #tpu.memory_space<vmem_shared>> -> memref<160x32xbf16, #tpu.memory_space<vmem_shared>>
        tpu.wait_dma2 semaphore(%run_scoped3A : memref<!tpu.dma_semaphore, #tpu.memory_space<semaphore_mem>>) src(%arg13 : memref<160x32xbf16, #tpu.memory_space<vmem>>) dst(%dma_wait3A_31 : memref<160x32xbf16, #tpu.memory_space<vmem_shared>>)
        tpu.yield
      }) : () -> ()
    }
    %scan3A_4 = arith.constant 20 : i32
    %barrier3A = arith.constant 0 : index
    tpu.barrier barrier_id(%barrier3A)
    %mul3A = arith.constant 16 : i32
    %mul3A_5 = arith.muli %arg0, %mul3A : i32
    %add3A = arith.addi %mul3A_5, %arg1 : i32
    %scan3A_6 = arith.constant 0 : i32
    %scan3A_7 = arith.constant 0 : i32
    %scan3A_8 = arith.constant 8 : i32
    %scan3A_9 = arith.addi %scan3A_7, %scan3A_8 : i32
    %scan3A_10 = arith.constant 1 : i32
    scf.for %scan3A_20 = %scan3A_7 to %scan3A_9 step %scan3A_10  : i32 {
      %mul3A_21 = arith.constant 32 : i32
      %mul3A_22 = arith.muli %mul3A_21, %scan3A_20 : i32
      %add3A_23 = arith.addi %add3A, %mul3A_22 : i32
      %lt3A = arith.constant 250 : i32
      %lt3A_24 = arith.cmpi slt, %add3A_23, %lt3A : i32
      %convert_element_type3A_25 = arith.extui %lt3A_24 : i1 to i32
      %cond3A_26 = arith.constant 0 : i32
      %cond3A_27 = arith.cmpi ne, %convert_element_type3A_25, %cond3A_26 : i32
      scf.if %cond3A_27 {
        %mul3A_28 = arith.constant 25 : i32
        %mul3A_29 = arith.muli %add3A_23, %mul3A_28 : i32
        "tpu.region"() ({
          %run_scoped3A = tpu.sem_alloc : memref<!tpu.dma_semaphore, #tpu.memory_space<semaphore_mem>>
          %dma_start3A_57 = arith.constant 0 : i32
          %dma_start3A_58 = tpu.memref_slice %arg3[%mul3A_29, %dma_start3A_57] : memref<6250x128xi32, #tpu.memory_space<hbm>> -> memref<25x128xi32, #tpu.memory_space<hbm>>
          %dma_start3A_59 = arith.constant 0 : i32
          %dma_start3A_60 = tpu.memref_slice %arg3[%mul3A_29, %dma_start3A_59] : memref<6250x128xi32, #tpu.memory_space<hbm>> -> memref<25x128xi32, #tpu.memory_space<hbm>>
          tpu.enqueue_dma source(%dma_start3A_60 : memref<25x128xi32, #tpu.memory_space<hbm>>) target(%arg9 : memref<25x128xi32, #tpu.memory_space<vmem>>) target_semaphore(%run_scoped3A : memref<!tpu.dma_semaphore, #tpu.memory_space<semaphore_mem>>)
          %dma_wait3A_61 = arith.constant 0 : i32
          %dma_wait3A_62 = tpu.memref_slice %arg3[%mul3A_29, %dma_wait3A_61] : memref<6250x128xi32, #tpu.memory_space<hbm>> -> memref<25x128xi32, #tpu.memory_space<hbm>>
          %dma_wait3A_63 = arith.constant 0 : i32
          %dma_wait3A_64 = tpu.memref_slice %arg3[%mul3A_29, %dma_wait3A_63] : memref<6250x128xi32, #tpu.memory_space<hbm>> -> memref<25x128xi32, #tpu.memory_space<hbm>>
          tpu.wait_dma2 semaphore(%run_scoped3A : memref<!tpu.dma_semaphore, #tpu.memory_space<semaphore_mem>>) src(%dma_wait3A_64 : memref<25x128xi32, #tpu.memory_space<hbm>>) dst(%arg9 : memref<25x128xi32, #tpu.memory_space<vmem>>)
          tpu.yield
        }) : () -> ()
        %mul3A_30 = arith.constant 25 : i32
        %mul3A_31 = arith.muli %add3A_23, %mul3A_30 : i32
        "tpu.region"() ({
          %run_scoped3A = tpu.sem_alloc : memref<!tpu.dma_semaphore, #tpu.memory_space<semaphore_mem>>
          %dma_start3A_57 = arith.constant 0 : i32
          %dma_start3A_58 = tpu.memref_slice %arg4[%mul3A_31, %dma_start3A_57] : memref<6250x128xi32, #tpu.memory_space<hbm>> -> memref<25x128xi32, #tpu.memory_space<hbm>>
          %dma_start3A_59 = arith.constant 0 : i32
          %dma_start3A_60 = tpu.memref_slice %arg4[%mul3A_31, %dma_start3A_59] : memref<6250x128xi32, #tpu.memory_space<hbm>> -> memref<25x128xi32, #tpu.memory_space<hbm>>
          tpu.enqueue_dma source(%dma_start3A_60 : memref<25x128xi32, #tpu.memory_space<hbm>>) target(%arg10 : memref<25x128xi32, #tpu.memory_space<vmem>>) target_semaphore(%run_scoped3A : memref<!tpu.dma_semaphore, #tpu.memory_space<semaphore_mem>>)
          %dma_wait3A_61 = arith.constant 0 : i32
          %dma_wait3A_62 = tpu.memref_slice %arg4[%mul3A_31, %dma_wait3A_61] : memref<6250x128xi32, #tpu.memory_space<hbm>> -> memref<25x128xi32, #tpu.memory_space<hbm>>
          %dma_wait3A_63 = arith.constant 0 : i32
          %dma_wait3A_64 = tpu.memref_slice %arg4[%mul3A_31, %dma_wait3A_63] : memref<6250x128xi32, #tpu.memory_space<hbm>> -> memref<25x128xi32, #tpu.memory_space<hbm>>
          tpu.wait_dma2 semaphore(%run_scoped3A : memref<!tpu.dma_semaphore, #tpu.memory_space<semaphore_mem>>) src(%dma_wait3A_64 : memref<25x128xi32, #tpu.memory_space<hbm>>) dst(%arg10 : memref<25x128xi32, #tpu.memory_space<vmem>>)
          tpu.yield
        }) : () -> ()
        %dma_start3A = arith.constant 0 : i32
        %dma_start3A_32 = arith.constant 0 : i32
        %dma_start3A_33 = tpu.memref_slice %arg9[%dma_start3A, %dma_start3A_32] : memref<25x128xi32, #tpu.memory_space<vmem>> -> memref<1x128xi32, #tpu.memory_space<vmem>>
        %dma_start3A_34 = tpu.memref_squeeze %dma_start3A_33 : memref<1x128xi32, #tpu.memory_space<vmem>> -> memref<128xi32, #tpu.memory_space<vmem>>
        %dma_start3A_35 = arith.constant 0 : i32
        %dma_start3A_36 = arith.constant 0 : i32
        %dma_start3A_37 = tpu.memref_slice %arg2[%dma_start3A_35, %dma_start3A_36] : memref<51200x32xbf16, #tpu.memory_space<hbm>> -> memref<51200x32xbf16, #tpu.memory_space<hbm>>
        tpu.enqueue_indirect_dma source(%dma_start3A_37 : memref<51200x32xbf16, #tpu.memory_space<hbm>>) target(%arg11 : memref<128x32xbf16, #tpu.memory_space<vmem>>) offsets(%dma_start3A_34 : memref<128xi32, #tpu.memory_space<vmem>>) semaphore(%arg14 : memref<!tpu.dma_semaphore, #tpu.memory_space<semaphore_mem>>)
        %scan3A_38 = arith.constant 0 : i32
        %scan3A_39 = arith.constant 0 : i32
        %scan3A_40 = arith.constant 25 : i32
        %scan3A_41 = arith.addi %scan3A_39, %scan3A_40 : i32
        %scan3A_42 = arith.constant 1 : i32
        scf.for %scan3A_57 = %scan3A_39 to %scan3A_41 step %scan3A_42  : i32 {
          %jit3A = arith.constant 2 : i32
          %eq3A_58 = arith.constant 0 : i32
          %eq3A_59 = arith.cmpi eq, %jit3A, %eq3A_58 : i32
          %jit3A_60 = arith.constant 1 : i32
          %select_n3A = arith.select %eq3A_59, %jit3A_60, %jit3A : i32
          %rem3A = arith.remsi %scan3A_57, %select_n3A : i32
          %ne3A = arith.constant 0 : i32
          %ne3A_61 = arith.cmpi ne, %rem3A, %ne3A : i32
          %lt3A_62 = arith.constant 0 : i32
          %lt3A_63 = arith.cmpi slt, %rem3A, %lt3A_62 : i32
          %lt3A_64 = arith.constant 0 : i32
          %lt3A_65 = arith.cmpi slt, %select_n3A, %lt3A_64 : i32
          %ne3A_66 = arith.xori %lt3A_63, %lt3A_65 : i1
          %and3A = arith.andi %ne3A_66, %ne3A_61 : i1
          %add3A_67 = arith.addi %rem3A, %select_n3A : i32
          %select_n3A_68 = arith.select %and3A, %add3A_67, %rem3A : i32
          %eq3A_69 = arith.constant 0 : i32
          %eq3A_70 = arith.cmpi eq, %select_n3A_68, %eq3A_69 : i32
          %convert_element_type3A_71 = arith.extui %eq3A_70 : i1 to i32
          %cond3A_72 = arith.constant 0 : i32
          %cond3A_73 = arith.cmpi ne, %convert_element_type3A_71, %cond3A_72 : i32
          scf.if %cond3A_73 {
            %add3A_95 = arith.constant 1 : i32
            %add3A_96 = arith.addi %scan3A_57, %add3A_95 : i32
            %lt3A_97 = arith.constant 25 : i32
            %lt3A_98 = arith.cmpi slt, %add3A_96, %lt3A_97 : i32
            %convert_element_type3A_99 = arith.extui %lt3A_98 : i1 to i32
            %cond3A_100 = arith.constant 0 : i32
            %cond3A_101 = arith.cmpi ne, %convert_element_type3A_99, %cond3A_100 : i32
            scf.if %cond3A_101 {
              %gt3A = arith.constant 0 : i32
              %gt3A_114 = arith.cmpi sgt, %scan3A_57, %gt3A : i32
              %convert_element_type3A_115 = arith.extui %gt3A_114 : i1 to i32
              %cond3A_116 = arith.constant 0 : i32
              %cond3A_117 = arith.cmpi ne, %convert_element_type3A_115, %cond3A_116 : i32
              scf.if %cond3A_117 {
                %dma_wait3A_126 = arith.constant 0 : i32
                %dma_wait3A_127 = tpu.memref_slice %arg10[%scan3A_57, %dma_wait3A_126] : memref<25x128xi32, #tpu.memory_space<vmem>> -> memref<1x128xi32, #tpu.memory_space<vmem>>
                %dma_wait3A_128 = tpu.memref_squeeze %dma_wait3A_127 : memref<1x128xi32, #tpu.memory_space<vmem>> -> memref<128xi32, #tpu.memory_space<vmem>>
                %dma_wait3A_129 = arith.constant 0 : i32
                %dma_wait3A_130 = arith.constant 0 : i32
                %dma_wait3A_131 = tpu.memref_slice %arg8[%dma_wait3A_129, %dma_wait3A_130] : memref<51200x32xbf16, #tpu.memory_space<vmem_shared>> -> memref<51200x32xbf16, #tpu.memory_space<vmem_shared>>
                tpu.wait_indirect_dma semaphore(%arg17 : memref<!tpu.dma_semaphore, #tpu.memory_space<semaphore_mem>>) src(%arg12 : memref<128x32xbf16, #tpu.memory_space<vmem>>) dst(%dma_wait3A_131 : memref<51200x32xbf16, #tpu.memory_space<vmem_shared>>)
              } else {
              }
              %add3A_118 = arith.constant 1 : i32
              %add3A_119 = arith.addi %scan3A_57, %add3A_118 : i32
              %dma_start3A_120 = arith.constant 0 : i32
              %dma_start3A_121 = tpu.memref_slice %arg9[%add3A_119, %dma_start3A_120] : memref<25x128xi32, #tpu.memory_space<vmem>> -> memref<1x128xi32, #tpu.memory_space<vmem>>
              %dma_start3A_122 = tpu.memref_squeeze %dma_start3A_121 : memref<1x128xi32, #tpu.memory_space<vmem>> -> memref<128xi32, #tpu.memory_space<vmem>>
              %dma_start3A_123 = arith.constant 0 : i32
              %dma_start3A_124 = arith.constant 0 : i32
              %dma_start3A_125 = tpu.memref_slice %arg2[%dma_start3A_123, %dma_start3A_124] : memref<51200x32xbf16, #tpu.memory_space<hbm>> -> memref<51200x32xbf16, #tpu.memory_space<hbm>>
              tpu.enqueue_indirect_dma source(%dma_start3A_125 : memref<51200x32xbf16, #tpu.memory_space<hbm>>) target(%arg12 : memref<128x32xbf16, #tpu.memory_space<vmem>>) offsets(%dma_start3A_122 : memref<128xi32, #tpu.memory_space<vmem>>) semaphore(%arg15 : memref<!tpu.dma_semaphore, #tpu.memory_space<semaphore_mem>>)
            } else {
            }
            %dma_wait3A_102 = arith.constant 0 : i32
            %dma_wait3A_103 = tpu.memref_slice %arg9[%scan3A_57, %dma_wait3A_102] : memref<25x128xi32, #tpu.memory_space<vmem>> -> memref<1x128xi32, #tpu.memory_space<vmem>>
            %dma_wait3A_104 = tpu.memref_squeeze %dma_wait3A_103 : memref<1x128xi32, #tpu.memory_space<vmem>> -> memref<128xi32, #tpu.memory_space<vmem>>
            %dma_wait3A_105 = arith.constant 0 : i32
            %dma_wait3A_106 = arith.constant 0 : i32
            %dma_wait3A_107 = tpu.memref_slice %arg2[%dma_wait3A_105, %dma_wait3A_106] : memref<51200x32xbf16, #tpu.memory_space<hbm>> -> memref<51200x32xbf16, #tpu.memory_space<hbm>>
            tpu.wait_indirect_dma semaphore(%arg14 : memref<!tpu.dma_semaphore, #tpu.memory_space<semaphore_mem>>) src(%dma_wait3A_107 : memref<51200x32xbf16, #tpu.memory_space<hbm>>) dst(%arg11 : memref<128x32xbf16, #tpu.memory_space<vmem>>)
            %dma_start3A_108 = arith.constant 0 : i32
            %dma_start3A_109 = tpu.memref_slice %arg10[%scan3A_57, %dma_start3A_108] : memref<25x128xi32, #tpu.memory_space<vmem>> -> memref<1x128xi32, #tpu.memory_space<vmem>>
            %dma_start3A_110 = tpu.memref_squeeze %dma_start3A_109 : memref<1x128xi32, #tpu.memory_space<vmem>> -> memref<128xi32, #tpu.memory_space<vmem>>
            %dma_start3A_111 = arith.constant 0 : i32
            %dma_start3A_112 = arith.constant 0 : i32
            %dma_start3A_113 = tpu.memref_slice %arg8[%dma_start3A_111, %dma_start3A_112] : memref<51200x32xbf16, #tpu.memory_space<vmem_shared>> -> memref<51200x32xbf16, #tpu.memory_space<vmem_shared>>
            tpu.enqueue_indirect_dma source(%arg11 : memref<128x32xbf16, #tpu.memory_space<vmem>>) target(%dma_start3A_113 : memref<51200x32xbf16, #tpu.memory_space<vmem_shared>>) offsets(%dma_start3A_110 : memref<128xi32, #tpu.memory_space<vmem>>) semaphore(%arg16 : memref<!tpu.dma_semaphore, #tpu.memory_space<semaphore_mem>>) {add = true}
          } else {
          }
          %jit3A_74 = arith.constant 2 : i32
          %eq3A_75 = arith.constant 0 : i32
          %eq3A_76 = arith.cmpi eq, %jit3A_74, %eq3A_75 : i32
          %jit3A_77 = arith.constant 1 : i32
          %select_n3A_78 = arith.select %eq3A_76, %jit3A_77, %jit3A_74 : i32
          %rem3A_79 = arith.remsi %scan3A_57, %select_n3A_78 : i32
          %ne3A_80 = arith.constant 0 : i32
          %ne3A_81 = arith.cmpi ne, %rem3A_79, %ne3A_80 : i32
          %lt3A_82 = arith.constant 0 : i32
          %lt3A_83 = arith.cmpi slt, %rem3A_79, %lt3A_82 : i32
          %lt3A_84 = arith.constant 0 : i32
          %lt3A_85 = arith.cmpi slt, %select_n3A_78, %lt3A_84 : i32
          %ne3A_86 = arith.xori %lt3A_83, %lt3A_85 : i1
          %and3A_87 = arith.andi %ne3A_86, %ne3A_81 : i1
          %add3A_88 = arith.addi %rem3A_79, %select_n3A_78 : i32
          %select_n3A_89 = arith.select %and3A_87, %add3A_88, %rem3A_79 : i32
          %eq3A_90 = arith.constant 1 : i32
          %eq3A_91 = arith.cmpi eq, %select_n3A_89, %eq3A_90 : i32
          %convert_element_type3A_92 = arith.extui %eq3A_91 : i1 to i32
          %cond3A_93 = arith.constant 0 : i32
          %cond3A_94 = arith.cmpi ne, %convert_element_type3A_92, %cond3A_93 : i32
          scf.if %cond3A_94 {
            %add3A_95 = arith.constant 1 : i32
            %add3A_96 = arith.addi %scan3A_57, %add3A_95 : i32
            %lt3A_97 = arith.constant 25 : i32
            %lt3A_98 = arith.cmpi slt, %add3A_96, %lt3A_97 : i32
            %convert_element_type3A_99 = arith.extui %lt3A_98 : i1 to i32
            %cond3A_100 = arith.constant 0 : i32
            %cond3A_101 = arith.cmpi ne, %convert_element_type3A_99, %cond3A_100 : i32
            scf.if %cond3A_101 {
              %dma_wait3A_114 = arith.constant 0 : i32
              %dma_wait3A_115 = tpu.memref_slice %arg10[%scan3A_57, %dma_wait3A_114] : memref<25x128xi32, #tpu.memory_space<vmem>> -> memref<1x128xi32, #tpu.memory_space<vmem>>
              %dma_wait3A_116 = tpu.memref_squeeze %dma_wait3A_115 : memref<1x128xi32, #tpu.memory_space<vmem>> -> memref<128xi32, #tpu.memory_space<vmem>>
              %dma_wait3A_117 = arith.constant 0 : i32
              %dma_wait3A_118 = arith.constant 0 : i32
              %dma_wait3A_119 = tpu.memref_slice %arg8[%dma_wait3A_117, %dma_wait3A_118] : memref<51200x32xbf16, #tpu.memory_space<vmem_shared>> -> memref<51200x32xbf16, #tpu.memory_space<vmem_shared>>
              tpu.wait_indirect_dma semaphore(%arg16 : memref<!tpu.dma_semaphore, #tpu.memory_space<semaphore_mem>>) src(%arg11 : memref<128x32xbf16, #tpu.memory_space<vmem>>) dst(%dma_wait3A_119 : memref<51200x32xbf16, #tpu.memory_space<vmem_shared>>)
              %add3A_120 = arith.constant 1 : i32
              %add3A_121 = arith.addi %scan3A_57, %add3A_120 : i32
              %dma_start3A_122 = arith.constant 0 : i32
              %dma_start3A_123 = tpu.memref_slice %arg9[%add3A_121, %dma_start3A_122] : memref<25x128xi32, #tpu.memory_space<vmem>> -> memref<1x128xi32, #tpu.memory_space<vmem>>
              %dma_start3A_124 = tpu.memref_squeeze %dma_start3A_123 : memref<1x128xi32, #tpu.memory_space<vmem>> -> memref<128xi32, #tpu.memory_space<vmem>>
              %dma_start3A_125 = arith.constant 0 : i32
              %dma_start3A_126 = arith.constant 0 : i32
              %dma_start3A_127 = tpu.memref_slice %arg2[%dma_start3A_125, %dma_start3A_126] : memref<51200x32xbf16, #tpu.memory_space<hbm>> -> memref<51200x32xbf16, #tpu.memory_space<hbm>>
              tpu.enqueue_indirect_dma source(%dma_start3A_127 : memref<51200x32xbf16, #tpu.memory_space<hbm>>) target(%arg11 : memref<128x32xbf16, #tpu.memory_space<vmem>>) offsets(%dma_start3A_124 : memref<128xi32, #tpu.memory_space<vmem>>) semaphore(%arg14 : memref<!tpu.dma_semaphore, #tpu.memory_space<semaphore_mem>>)
            } else {
            }
            %dma_wait3A_102 = arith.constant 0 : i32
            %dma_wait3A_103 = tpu.memref_slice %arg9[%scan3A_57, %dma_wait3A_102] : memref<25x128xi32, #tpu.memory_space<vmem>> -> memref<1x128xi32, #tpu.memory_space<vmem>>
            %dma_wait3A_104 = tpu.memref_squeeze %dma_wait3A_103 : memref<1x128xi32, #tpu.memory_space<vmem>> -> memref<128xi32, #tpu.memory_space<vmem>>
            %dma_wait3A_105 = arith.constant 0 : i32
            %dma_wait3A_106 = arith.constant 0 : i32
            %dma_wait3A_107 = tpu.memref_slice %arg2[%dma_wait3A_105, %dma_wait3A_106] : memref<51200x32xbf16, #tpu.memory_space<hbm>> -> memref<51200x32xbf16, #tpu.memory_space<hbm>>
            tpu.wait_indirect_dma semaphore(%arg15 : memref<!tpu.dma_semaphore, #tpu.memory_space<semaphore_mem>>) src(%dma_wait3A_107 : memref<51200x32xbf16, #tpu.memory_space<hbm>>) dst(%arg12 : memref<128x32xbf16, #tpu.memory_space<vmem>>)
            %dma_start3A_108 = arith.constant 0 : i32
            %dma_start3A_109 = tpu.memref_slice %arg10[%scan3A_57, %dma_start3A_108] : memref<25x128xi32, #tpu.memory_space<vmem>> -> memref<1x128xi32, #tpu.memory_space<vmem>>
            %dma_start3A_110 = tpu.memref_squeeze %dma_start3A_109 : memref<1x128xi32, #tpu.memory_space<vmem>> -> memref<128xi32, #tpu.memory_space<vmem>>
            %dma_start3A_111 = arith.constant 0 : i32
            %dma_start3A_112 = arith.constant 0 : i32
            %dma_start3A_113 = tpu.memref_slice %arg8[%dma_start3A_111, %dma_start3A_112] : memref<51200x32xbf16, #tpu.memory_space<vmem_shared>> -> memref<51200x32xbf16, #tpu.memory_space<vmem_shared>>
            tpu.enqueue_indirect_dma source(%arg12 : memref<128x32xbf16, #tpu.memory_space<vmem>>) target(%dma_start3A_113 : memref<51200x32xbf16, #tpu.memory_space<vmem_shared>>) offsets(%dma_start3A_110 : memref<128xi32, #tpu.memory_space<vmem>>) semaphore(%arg17 : memref<!tpu.dma_semaphore, #tpu.memory_space<semaphore_mem>>) {add = true}
          } else {
          }
        }
        %scan3A_43 = arith.constant 25 : i32
        %dma_wait3A = arith.constant 0 : i32
        %dma_wait3A_44 = arith.constant 0 : i32
        %dma_wait3A_45 = tpu.memref_slice %arg10[%dma_wait3A, %dma_wait3A_44] : memref<25x128xi32, #tpu.memory_space<vmem>> -> memref<1x128xi32, #tpu.memory_space<vmem>>
        %dma_wait3A_46 = tpu.memref_squeeze %dma_wait3A_45 : memref<1x128xi32, #tpu.memory_space<vmem>> -> memref<128xi32, #tpu.memory_space<vmem>>
        %dma_wait3A_47 = arith.constant 0 : i32
        %dma_wait3A_48 = arith.constant 0 : i32
        %dma_wait3A_49 = tpu.memref_slice %arg8[%dma_wait3A_47, %dma_wait3A_48] : memref<51200x32xbf16, #tpu.memory_space<vmem_shared>> -> memref<51200x32xbf16, #tpu.memory_space<vmem_shared>>
        tpu.wait_indirect_dma semaphore(%arg16 : memref<!tpu.dma_semaphore, #tpu.memory_space<semaphore_mem>>) src(%arg11 : memref<128x32xbf16, #tpu.memory_space<vmem>>) dst(%dma_wait3A_49 : memref<51200x32xbf16, #tpu.memory_space<vmem_shared>>)
        %dma_wait3A_50 = arith.constant 0 : i32
        %dma_wait3A_51 = arith.constant 0 : i32
        %dma_wait3A_52 = tpu.memref_slice %arg10[%dma_wait3A_50, %dma_wait3A_51] : memref<25x128xi32, #tpu.memory_space<vmem>> -> memref<1x128xi32, #tpu.memory_space<vmem>>
        %dma_wait3A_53 = tpu.memref_squeeze %dma_wait3A_52 : memref<1x128xi32, #tpu.memory_space<vmem>> -> memref<128xi32, #tpu.memory_space<vmem>>
        %dma_wait3A_54 = arith.constant 0 : i32
        %dma_wait3A_55 = arith.constant 0 : i32
        %dma_wait3A_56 = tpu.memref_slice %arg8[%dma_wait3A_54, %dma_wait3A_55] : memref<51200x32xbf16, #tpu.memory_space<vmem_shared>> -> memref<51200x32xbf16, #tpu.memory_space<vmem_shared>>
        tpu.wait_indirect_dma semaphore(%arg17 : memref<!tpu.dma_semaphore, #tpu.memory_space<semaphore_mem>>) src(%arg12 : memref<128x32xbf16, #tpu.memory_space<vmem>>) dst(%dma_wait3A_56 : memref<51200x32xbf16, #tpu.memory_space<vmem_shared>>)
      } else {
      }
    }
    %scan3A_11 = arith.constant 8 : i32
    %barrier3A_12 = arith.constant 0 : index
    tpu.barrier barrier_id(%barrier3A_12)
    %eq3A = arith.constant 0 : i32
    %eq3A_13 = arith.cmpi eq, %arg0, %eq3A : i32
    %convert_element_type3A = arith.extui %eq3A_13 : i1 to i32
    %cond3A = arith.constant 0 : i32
    %cond3A_14 = arith.cmpi ne, %convert_element_type3A, %cond3A : i32
    scf.if %cond3A_14 {
      %scan3A_20 = arith.constant 0 : i32
      %scan3A_21 = arith.constant 0 : i32
      %scan3A_22 = arith.constant 20 : i32
      %scan3A_23 = arith.addi %scan3A_21, %scan3A_22 : i32
      %scan3A_24 = arith.constant 1 : i32
      scf.for %scan3A_26 = %scan3A_21 to %scan3A_23 step %scan3A_24  : i32 {
        %mul3A_27 = arith.constant 3200 : i32
        %mul3A_28 = arith.muli %arg1, %mul3A_27 : i32
        %mul3A_29 = arith.constant 160 : i32
        %mul3A_30 = arith.muli %scan3A_26, %mul3A_29 : i32
        %add3A_31 = arith.addi %mul3A_28, %mul3A_30 : i32
        "tpu.region"() ({
          %run_scoped3A = tpu.sem_alloc : memref<!tpu.dma_semaphore, #tpu.memory_space<semaphore_mem>>
          %dma_start3A = arith.constant 0 : i32
          %dma_start3A_37 = tpu.memref_slice %arg8[%add3A_31, %dma_start3A] : memref<51200x32xbf16, #tpu.memory_space<vmem_shared>> -> memref<160x32xbf16, #tpu.memory_space<vmem_shared>>
          %dma_start3A_38 = arith.constant 0 : i32
          %dma_start3A_39 = tpu.memref_slice %arg8[%add3A_31, %dma_start3A_38] : memref<51200x32xbf16, #tpu.memory_space<vmem_shared>> -> memref<160x32xbf16, #tpu.memory_space<vmem_shared>>
          tpu.enqueue_dma source(%dma_start3A_39 : memref<160x32xbf16, #tpu.memory_space<vmem_shared>>) target(%arg13 : memref<160x32xbf16, #tpu.memory_space<vmem>>) target_semaphore(%run_scoped3A : memref<!tpu.dma_semaphore, #tpu.memory_space<semaphore_mem>>)
          %dma_wait3A = arith.constant 0 : i32
          %dma_wait3A_40 = tpu.memref_slice %arg8[%add3A_31, %dma_wait3A] : memref<51200x32xbf16, #tpu.memory_space<vmem_shared>> -> memref<160x32xbf16, #tpu.memory_space<vmem_shared>>
          %dma_wait3A_41 = arith.constant 0 : i32
          %dma_wait3A_42 = tpu.memref_slice %arg8[%add3A_31, %dma_wait3A_41] : memref<51200x32xbf16, #tpu.memory_space<vmem_shared>> -> memref<160x32xbf16, #tpu.memory_space<vmem_shared>>
          tpu.wait_dma2 semaphore(%run_scoped3A : memref<!tpu.dma_semaphore, #tpu.memory_space<semaphore_mem>>) src(%dma_wait3A_42 : memref<160x32xbf16, #tpu.memory_space<vmem_shared>>) dst(%arg13 : memref<160x32xbf16, #tpu.memory_space<vmem>>)
          tpu.yield
        }) : () -> ()
        %mul3A_32 = arith.constant 3200 : i32
        %mul3A_33 = arith.muli %arg1, %mul3A_32 : i32
        %mul3A_34 = arith.constant 160 : i32
        %mul3A_35 = arith.muli %scan3A_26, %mul3A_34 : i32
        %add3A_36 = arith.addi %mul3A_33, %mul3A_35 : i32
        "tpu.region"() ({
          %run_scoped3A = tpu.sem_alloc : memref<!tpu.dma_semaphore, #tpu.memory_space<semaphore_mem>>
          %dma_start3A = arith.constant 0 : i32
          %dma_start3A_37 = tpu.memref_slice %arg6[%add3A_36, %dma_start3A] : memref<51200x32xbf16, #tpu.memory_space<hbm>> -> memref<160x32xbf16, #tpu.memory_space<hbm>>
          %dma_start3A_38 = arith.constant 0 : i32
          %dma_start3A_39 = tpu.memref_slice %arg6[%add3A_36, %dma_start3A_38] : memref<51200x32xbf16, #tpu.memory_space<hbm>> -> memref<160x32xbf16, #tpu.memory_space<hbm>>
          tpu.enqueue_dma source(%arg13 : memref<160x32xbf16, #tpu.memory_space<vmem>>) target(%dma_start3A_39 : memref<160x32xbf16, #tpu.memory_space<hbm>>) target_semaphore(%run_scoped3A : memref<!tpu.dma_semaphore, #tpu.memory_space<semaphore_mem>>)
          %dma_wait3A = arith.constant 0 : i32
          %dma_wait3A_40 = tpu.memref_slice %arg6[%add3A_36, %dma_wait3A] : memref<51200x32xbf16, #tpu.memory_space<hbm>> -> memref<160x32xbf16, #tpu.memory_space<hbm>>
          %dma_wait3A_41 = arith.constant 0 : i32
          %dma_wait3A_42 = tpu.memref_slice %arg6[%add3A_36, %dma_wait3A_41] : memref<51200x32xbf16, #tpu.memory_space<hbm>> -> memref<160x32xbf16, #tpu.memory_space<hbm>>
          tpu.wait_dma2 semaphore(%run_scoped3A : memref<!tpu.dma_semaphore, #tpu.memory_space<semaphore_mem>>) src(%arg13 : memref<160x32xbf16, #tpu.memory_space<vmem>>) dst(%dma_wait3A_42 : memref<160x32xbf16, #tpu.memory_space<hbm>>)
          tpu.yield
        }) : () -> ()
      }
      %scan3A_25 = arith.constant 20 : i32
    } else {
    }
    %eq3A_15 = arith.constant 1 : i32
    %eq3A_16 = arith.cmpi eq, %arg0, %eq3A_15 : i32
    %convert_element_type3A_17 = arith.extui %eq3A_16 : i1 to i32
    %cond3A_18 = arith.constant 0 : i32
    %cond3A_19 = arith.cmpi ne, %convert_element_type3A_17, %cond3A_18 : i32
    scf.if %cond3A_19 {
      %scan3A_20 = arith.constant 0 : i32
      %scan3A_21 = arith.constant 0 : i32
      %scan3A_22 = arith.constant 20 : i32
      %scan3A_23 = arith.addi %scan3A_21, %scan3A_22 : i32
      %scan3A_24 = arith.constant 1 : i32
      scf.for %scan3A_26 = %scan3A_21 to %scan3A_23 step %scan3A_24  : i32 {
        %mul3A_27 = arith.constant 3200 : i32
        %mul3A_28 = arith.muli %arg1, %mul3A_27 : i32
        %mul3A_29 = arith.constant 160 : i32
        %mul3A_30 = arith.muli %scan3A_26, %mul3A_29 : i32
        %add3A_31 = arith.addi %mul3A_28, %mul3A_30 : i32
        "tpu.region"() ({
          %run_scoped3A = tpu.sem_alloc : memref<!tpu.dma_semaphore, #tpu.memory_space<semaphore_mem>>
          %dma_start3A = arith.constant 0 : i32
          %dma_start3A_37 = tpu.memref_slice %arg8[%add3A_31, %dma_start3A] : memref<51200x32xbf16, #tpu.memory_space<vmem_shared>> -> memref<160x32xbf16, #tpu.memory_space<vmem_shared>>
          %dma_start3A_38 = arith.constant 0 : i32
          %dma_start3A_39 = tpu.memref_slice %arg8[%add3A_31, %dma_start3A_38] : memref<51200x32xbf16, #tpu.memory_space<vmem_shared>> -> memref<160x32xbf16, #tpu.memory_space<vmem_shared>>
          tpu.enqueue_dma source(%dma_start3A_39 : memref<160x32xbf16, #tpu.memory_space<vmem_shared>>) target(%arg13 : memref<160x32xbf16, #tpu.memory_space<vmem>>) target_semaphore(%run_scoped3A : memref<!tpu.dma_semaphore, #tpu.memory_space<semaphore_mem>>)
          %dma_wait3A = arith.constant 0 : i32
          %dma_wait3A_40 = tpu.memref_slice %arg8[%add3A_31, %dma_wait3A] : memref<51200x32xbf16, #tpu.memory_space<vmem_shared>> -> memref<160x32xbf16, #tpu.memory_space<vmem_shared>>
          %dma_wait3A_41 = arith.constant 0 : i32
          %dma_wait3A_42 = tpu.memref_slice %arg8[%add3A_31, %dma_wait3A_41] : memref<51200x32xbf16, #tpu.memory_space<vmem_shared>> -> memref<160x32xbf16, #tpu.memory_space<vmem_shared>>
          tpu.wait_dma2 semaphore(%run_scoped3A : memref<!tpu.dma_semaphore, #tpu.memory_space<semaphore_mem>>) src(%dma_wait3A_42 : memref<160x32xbf16, #tpu.memory_space<vmem_shared>>) dst(%arg13 : memref<160x32xbf16, #tpu.memory_space<vmem>>)
          tpu.yield
        }) : () -> ()
        %mul3A_32 = arith.constant 3200 : i32
        %mul3A_33 = arith.muli %arg1, %mul3A_32 : i32
        %mul3A_34 = arith.constant 160 : i32
        %mul3A_35 = arith.muli %scan3A_26, %mul3A_34 : i32
        %add3A_36 = arith.addi %mul3A_33, %mul3A_35 : i32
        "tpu.region"() ({
          %run_scoped3A = tpu.sem_alloc : memref<!tpu.dma_semaphore, #tpu.memory_space<semaphore_mem>>
          %dma_start3A = arith.constant 0 : i32
          %dma_start3A_37 = tpu.memref_slice %arg7[%add3A_36, %dma_start3A] : memref<51200x32xbf16, #tpu.memory_space<hbm>> -> memref<160x32xbf16, #tpu.memory_space<hbm>>
          %dma_start3A_38 = arith.constant 0 : i32
          %dma_start3A_39 = tpu.memref_slice %arg7[%add3A_36, %dma_start3A_38] : memref<51200x32xbf16, #tpu.memory_space<hbm>> -> memref<160x32xbf16, #tpu.memory_space<hbm>>
          tpu.enqueue_dma source(%arg13 : memref<160x32xbf16, #tpu.memory_space<vmem>>) target(%dma_start3A_39 : memref<160x32xbf16, #tpu.memory_space<hbm>>) target_semaphore(%run_scoped3A : memref<!tpu.dma_semaphore, #tpu.memory_space<semaphore_mem>>)
          %dma_wait3A = arith.constant 0 : i32
          %dma_wait3A_40 = tpu.memref_slice %arg7[%add3A_36, %dma_wait3A] : memref<51200x32xbf16, #tpu.memory_space<hbm>> -> memref<160x32xbf16, #tpu.memory_space<hbm>>
          %dma_wait3A_41 = arith.constant 0 : i32
          %dma_wait3A_42 = tpu.memref_slice %arg7[%add3A_36, %dma_wait3A_41] : memref<51200x32xbf16, #tpu.memory_space<hbm>> -> memref<160x32xbf16, #tpu.memory_space<hbm>>
          tpu.wait_dma2 semaphore(%run_scoped3A : memref<!tpu.dma_semaphore, #tpu.memory_space<semaphore_mem>>) src(%arg13 : memref<160x32xbf16, #tpu.memory_space<vmem>>) dst(%dma_wait3A_42 : memref<160x32xbf16, #tpu.memory_space<hbm>>)
          tpu.yield
        }) : () -> ()
      }
      %scan3A_25 = arith.constant 20 : i32
    } else {
    }
    return
  }
}

module attributes {stable_mosaic.version = 14 : i64} {
  func.func @_enc0_body(%arg0: i32, %arg1: memref<1000x128xf32, #tpu.memory_space<vmem>>, %arg2: memref<128x32xf32, #tpu.memory_space<vmem>>, %arg3: memref<1x32xf32, #tpu.memory_space<vmem>>, %arg4: memref<32x32xf32, #tpu.memory_space<vmem>>, %arg5: memref<1000x32xbf16, #tpu.memory_space<vmem>>) attributes {dimension_semantics = [#tpu.dimension_semantics<arbitrary>], iteration_bounds = array<i64: 50>, scalar_prefetch = 0 : i64, scratch_operands = 0 : i64, tpu.core_type = #tpu.core_type<tc>, window_params = [{transform_indices = @transform_0, window_bounds = array<i64: 1000, 128>}, {pipeline_mode = #tpu.pipeline_mode<synchronous>, transform_indices = @transform_1, window_bounds = array<i64: 128, 32>}, {pipeline_mode = #tpu.pipeline_mode<synchronous>, transform_indices = @transform_2, window_bounds = array<i64: 1, 32>}, {pipeline_mode = #tpu.pipeline_mode<synchronous>, transform_indices = @transform_3, window_bounds = array<i64: 32, 32>}, {transform_indices = @transform_4, window_bounds = array<i64: 1000, 32>}]} {
    %get3A = arith.constant 0 : index
    %get3A_0 = arith.constant 0 : index
    %get3A_1 = vector.load %arg1[%get3A, %get3A_0] : memref<1000x128xf32, #tpu.memory_space<vmem>>, vector<1000x128xf32>
    %get3A_2 = arith.constant 0 : index
    %get3A_3 = arith.constant 0 : index
    %get3A_4 = vector.load %arg2[%get3A_2, %get3A_3] : memref<128x32xf32, #tpu.memory_space<vmem>>, vector<128x32xf32>
    %dot_general3A = arith.constant dense<0.000000e+00> : vector<1000x32xf32>
    %dot_general3A_5 = tpu.matmul %get3A_1, %get3A_4, %dot_general3A {dimension_numbers = #tpu.dot_dimension_numbers<[1], [0], [0], [1], [0, 0, 1, 1], [], []>, transpose_lhs_hint = false} : vector<1000x128xf32>, vector<128x32xf32>, vector<1000x32xf32> -> vector<1000x32xf32>
    %get3A_6 = arith.constant 0 : index
    %get3A_7 = arith.constant 0 : index
    %get3A_8 = vector.load %arg3[%get3A_6, %get3A_7] : memref<1x32xf32, #tpu.memory_space<vmem>>, vector<1x32xf32>
    %add3A = vector.broadcast %get3A_8 : vector<1x32xf32> to vector<1000x32xf32>
    %add3A_9 = arith.addf %dot_general3A_5, %add3A : vector<1000x32xf32>
    %max3A = arith.constant 0.000000e+00 : f32
    %max3A_10 = vector.broadcast %max3A : f32 to vector<1000x32xf32>
    %max3A_11 = arith.maximumf %add3A_9, %max3A_10 : vector<1000x32xf32>
    %get3A_12 = arith.constant 0 : index
    %get3A_13 = arith.constant 0 : index
    %get3A_14 = vector.load %arg4[%get3A_12, %get3A_13] : memref<32x32xf32, #tpu.memory_space<vmem>>, vector<32x32xf32>
    %dot_general3A_15 = arith.constant dense<0.000000e+00> : vector<1000x32xf32>
    %dot_general3A_16 = tpu.matmul %max3A_11, %get3A_14, %dot_general3A_15 {dimension_numbers = #tpu.dot_dimension_numbers<[1], [0], [0], [1], [0, 0, 1, 1], [], []>, transpose_lhs_hint = false} : vector<1000x32xf32>, vector<32x32xf32>, vector<1000x32xf32> -> vector<1000x32xf32>
    %convert_element_type3A = arith.truncf %dot_general3A_16 : vector<1000x32xf32> to vector<1000x32xbf16>
    %swap3A = arith.constant 0 : index
    %swap3A_17 = arith.constant 0 : index
    %swap3A_18 = vector.load %arg5[%swap3A, %swap3A_17] : memref<1000x32xbf16, #tpu.memory_space<vmem>>, vector<1000x32xbf16>
    tpu.vector_store %arg5[%swap3A, %swap3A_17], %convert_element_type3A {strides = array<i32>} : memref<1000x32xbf16, #tpu.memory_space<vmem>>, vector<1000x32xbf16>,
    return
  }
  func.func @transform_0(%arg0: i32) -> (i32, i32) {
    %c0_i32 = arith.constant 0 : i32
    %c0_i32_0 = arith.constant 0 : i32
    return %arg0, %c0_i32 : i32, i32
  }
  func.func @transform_1(%arg0: i32) -> (i32, i32) {
    %c0_i32 = arith.constant 0 : i32
    %c0_i32_0 = arith.constant 0 : i32
    %c0_i32_1 = arith.constant 0 : i32
    return %c0_i32, %c0_i32_0 : i32, i32
  }
  func.func @transform_2(%arg0: i32) -> (i32, i32) {
    %c0_i32 = arith.constant 0 : i32
    %c0_i32_0 = arith.constant 0 : i32
    %c0_i32_1 = arith.constant 0 : i32
    return %c0_i32, %c0_i32_0 : i32, i32
  }
  func.func @transform_3(%arg0: i32) -> (i32, i32) {
    %c0_i32 = arith.constant 0 : i32
    %c0_i32_0 = arith.constant 0 : i32
    %c0_i32_1 = arith.constant 0 : i32
    return %c0_i32, %c0_i32_0 : i32, i32
  }
  func.func @transform_4(%arg0: i32) -> (i32, i32) {
    %c0_i32 = arith.constant 0 : i32
    %c0_i32_0 = arith.constant 0 : i32
    return %arg0, %c0_i32 : i32, i32
  }
}

module attributes {stable_mosaic.version = 14 : i64} {
  func.func @_scale_body(%arg0: i32, %arg1: memref<2048x32xbf16, #tpu.memory_space<vmem>>, %arg2: memref<2048xf32, #tpu.memory_space<vmem>>, %arg3: memref<2048xf32, #tpu.memory_space<vmem>>, %arg4: memref<2048xf32, #tpu.memory_space<vmem>>, %arg5: memref<1x32xf32, #tpu.memory_space<vmem>>, %arg6: memref<1x32xf32, #tpu.memory_space<vmem>>, %arg7: memref<32x32xf32, #tpu.memory_space<vmem>>, %arg8: memref<2048x32xbf16, #tpu.memory_space<vmem>>, %arg9: memref<2048x32xbf16, #tpu.memory_space<vmem>>) attributes {dimension_semantics = [#tpu.dimension_semantics<arbitrary>], iteration_bounds = array<i64: 25>, scalar_prefetch = 0 : i64, scratch_operands = 0 : i64, tpu.core_type = #tpu.core_type<tc>, window_params = [{transform_indices = @transform_0, window_bounds = array<i64: 2048, 32>}, {transform_indices = @transform_1, window_bounds = array<i64: 2048>}, {transform_indices = @transform_2, window_bounds = array<i64: 2048>}, {transform_indices = @transform_3, window_bounds = array<i64: 2048>}, {pipeline_mode = #tpu.pipeline_mode<synchronous>, transform_indices = @transform_4, window_bounds = array<i64: 1, 32>}, {pipeline_mode = #tpu.pipeline_mode<synchronous>, transform_indices = @transform_5, window_bounds = array<i64: 1, 32>}, {pipeline_mode = #tpu.pipeline_mode<synchronous>, transform_indices = @transform_6, window_bounds = array<i64: 32, 32>}, {transform_indices = @transform_7, window_bounds = array<i64: 2048, 32>}, {transform_indices = @transform_8, window_bounds = array<i64: 2048, 32>}]} {
    %get3A = arith.constant 0 : index
    %get3A_0 = vector.load %arg3[%get3A] : memref<2048xf32, #tpu.memory_space<vmem>>, vector<2048xf32>
    %gt3A = arith.constant 0.000000e+00 : f32
    %gt3A_1 = vector.broadcast %gt3A : f32 to vector<2048xf32>
    %gt3A_2 = arith.cmpf ogt, %get3A_0, %gt3A_1 : vector<2048xf32>
    %max3A = arith.constant 1.000000e+00 : f32
    %max3A_3 = vector.broadcast %max3A : f32 to vector<2048xf32>
    %max3A_4 = arith.maximumf %get3A_0, %max3A_3 : vector<2048xf32>
    %rsqrt3A = math.rsqrt %max3A_4 : vector<2048xf32>
    %jit3A = arith.constant 0.000000e+00 : f32
    %broadcast_in_dim3A = vector.broadcast %jit3A : f32 to vector<2048xf32>
    %select_n3A = arith.select %gt3A_2, %rsqrt3A, %broadcast_in_dim3A : vector<2048xi1>, vector<2048xf32>
    %reshape3A = vector.shape_cast %select_n3A : vector<2048xf32> to vector<2048x1xf32>
    %get3A_5 = arith.constant 0 : index
    %get3A_6 = vector.load %arg4[%get3A_5] : memref<2048xf32, #tpu.memory_space<vmem>>, vector<2048xf32>
    %gt3A_7 = arith.constant 0.000000e+00 : f32
    %gt3A_8 = vector.broadcast %gt3A_7 : f32 to vector<2048xf32>
    %gt3A_9 = arith.cmpf ogt, %get3A_6, %gt3A_8 : vector<2048xf32>
    %max3A_10 = arith.constant 1.000000e+00 : f32
    %max3A_11 = vector.broadcast %max3A_10 : f32 to vector<2048xf32>
    %max3A_12 = arith.maximumf %get3A_6, %max3A_11 : vector<2048xf32>
    %rsqrt3A_13 = math.rsqrt %max3A_12 : vector<2048xf32>
    %jit3A_14 = arith.constant 0.000000e+00 : f32
    %broadcast_in_dim3A_15 = vector.broadcast %jit3A_14 : f32 to vector<2048xf32>
    %select_n3A_16 = arith.select %gt3A_9, %rsqrt3A_13, %broadcast_in_dim3A_15 : vector<2048xi1>, vector<2048xf32>
    %reshape3A_17 = vector.shape_cast %select_n3A_16 : vector<2048xf32> to vector<2048x1xf32>
    %get3A_18 = arith.constant 0 : index
    %get3A_19 = arith.constant 0 : index
    %get3A_20 = vector.load %arg1[%get3A_18, %get3A_19] : memref<2048x32xbf16, #tpu.memory_space<vmem>>, vector<2048x32xbf16>
    %convert_element_type3A = arith.extf %get3A_20 : vector<2048x32xbf16> to vector<2048x32xf32>
    %mul3A = vector.broadcast %reshape3A : vector<2048x1xf32> to vector<2048x32xf32>
    %mul3A_21 = arith.mulf %convert_element_type3A, %mul3A : vector<2048x32xf32>
    %convert_element_type3A_22 = arith.truncf %mul3A_21 : vector<2048x32xf32> to vector<2048x32xbf16>
    %swap3A = arith.constant 0 : index
    %swap3A_23 = arith.constant 0 : index
    %swap3A_24 = vector.load %arg8[%swap3A, %swap3A_23] : memref<2048x32xbf16, #tpu.memory_space<vmem>>, vector<2048x32xbf16>
    tpu.vector_store %arg8[%swap3A, %swap3A_23], %convert_element_type3A_22 {strides = array<i32>} : memref<2048x32xbf16, #tpu.memory_space<vmem>>, vector<2048x32xbf16>,
    %get3A_25 = arith.constant 0 : index
    %get3A_26 = vector.load %arg2[%get3A_25] : memref<2048xf32, #tpu.memory_space<vmem>>, vector<2048xf32>
    %reshape3A_27 = vector.shape_cast %get3A_26 : vector<2048xf32> to vector<2048x1xf32>
    %get3A_28 = arith.constant 0 : index
    %get3A_29 = arith.constant 0 : index
    %get3A_30 = vector.load %arg5[%get3A_28, %get3A_29] : memref<1x32xf32, #tpu.memory_space<vmem>>, vector<1x32xf32>
    %mul3A_31 = vector.broadcast %reshape3A_27 : vector<2048x1xf32> to vector<2048x32xf32>
    %mul3A_32 = vector.broadcast %get3A_30 : vector<1x32xf32> to vector<2048x32xf32>
    %mul3A_33 = arith.mulf %mul3A_31, %mul3A_32 : vector<2048x32xf32>
    %get3A_34 = arith.constant 0 : index
    %get3A_35 = arith.constant 0 : index
    %get3A_36 = vector.load %arg6[%get3A_34, %get3A_35] : memref<1x32xf32, #tpu.memory_space<vmem>>, vector<1x32xf32>
    %add3A = vector.broadcast %get3A_36 : vector<1x32xf32> to vector<2048x32xf32>
    %add3A_37 = arith.addf %mul3A_33, %add3A : vector<2048x32xf32>
    %max3A_38 = arith.constant 0.000000e+00 : f32
    %max3A_39 = vector.broadcast %max3A_38 : f32 to vector<2048x32xf32>
    %max3A_40 = arith.maximumf %add3A_37, %max3A_39 : vector<2048x32xf32>
    %mul3A_41 = vector.broadcast %reshape3A_17 : vector<2048x1xf32> to vector<2048x32xf32>
    %mul3A_42 = arith.mulf %max3A_40, %mul3A_41 : vector<2048x32xf32>
    %get3A_43 = arith.constant 0 : index
    %get3A_44 = arith.constant 0 : index
    %get3A_45 = vector.load %arg7[%get3A_43, %get3A_44] : memref<32x32xf32, #tpu.memory_space<vmem>>, vector<32x32xf32>
    %dot_general3A = arith.constant dense<0.000000e+00> : vector<2048x32xf32>
    %dot_general3A_46 = tpu.matmul %mul3A_42, %get3A_45, %dot_general3A {dimension_numbers = #tpu.dot_dimension_numbers<[1], [0], [0], [1], [0, 0, 1, 1], [], []>, transpose_lhs_hint = false} : vector<2048x32xf32>, vector<32x32xf32>, vector<2048x32xf32> -> vector<2048x32xf32>
    %convert_element_type3A_47 = arith.truncf %dot_general3A_46 : vector<2048x32xf32> to vector<2048x32xbf16>
    %swap3A_48 = arith.constant 0 : index
    %swap3A_49 = arith.constant 0 : index
    %swap3A_50 = vector.load %arg9[%swap3A_48, %swap3A_49] : memref<2048x32xbf16, #tpu.memory_space<vmem>>, vector<2048x32xbf16>
    tpu.vector_store %arg9[%swap3A_48, %swap3A_49], %convert_element_type3A_47 {strides = array<i32>} : memref<2048x32xbf16, #tpu.memory_space<vmem>>, vector<2048x32xbf16>,
    return
  }
  func.func @transform_0(%arg0: i32) -> (i32, i32) {
    %c0_i32 = arith.constant 0 : i32
    %c0_i32_0 = arith.constant 0 : i32
    return %arg0, %c0_i32 : i32, i32
  }
  func.func @transform_1(%arg0: i32) -> i32 {
    %c0_i32 = arith.constant 0 : i32
    return %arg0 : i32
  }
  func.func @transform_2(%arg0: i32) -> i32 {
    %c0_i32 = arith.constant 0 : i32
    return %arg0 : i32
  }
  func.func @transform_3(%arg0: i32) -> i32 {
    %c0_i32 = arith.constant 0 : i32
    return %arg0 : i32
  }
  func.func @transform_4(%arg0: i32) -> (i32, i32) {
    %c0_i32 = arith.constant 0 : i32
    %c0_i32_0 = arith.constant 0 : i32
    %c0_i32_1 = arith.constant 0 : i32
    return %c0_i32, %c0_i32_0 : i32, i32
  }
  func.func @transform_5(%arg0: i32) -> (i32, i32) {
    %c0_i32 = arith.constant 0 : i32
    %c0_i32_0 = arith.constant 0 : i32
    %c0_i32_1 = arith.constant 0 : i32
    return %c0_i32, %c0_i32_0 : i32, i32
  }
  func.func @transform_6(%arg0: i32) -> (i32, i32) {
    %c0_i32 = arith.constant 0 : i32
    %c0_i32_0 = arith.constant 0 : i32
    %c0_i32_1 = arith.constant 0 : i32
    return %c0_i32, %c0_i32_0 : i32, i32
  }
  func.func @transform_7(%arg0: i32) -> (i32, i32) {
    %c0_i32 = arith.constant 0 : i32
    %c0_i32_0 = arith.constant 0 : i32
    return %arg0, %c0_i32 : i32, i32
  }
  func.func @transform_8(%arg0: i32) -> (i32, i32) {
    %c0_i32 = arith.constant 0 : i32
    %c0_i32_0 = arith.constant 0 : i32
    return %arg0, %c0_i32 : i32, i32
  }
}

module attributes {stable_mosaic.version = 14 : i64} {
  func.func @_hc_body(%arg0: i32, %arg1: memref<2048x32xbf16, #tpu.memory_space<vmem>>, %arg2: memref<2048x32xbf16, #tpu.memory_space<vmem>>, %arg3: memref<2048xf32, #tpu.memory_space<vmem>>, %arg4: memref<2048xf32, #tpu.memory_space<vmem>>, %arg5: memref<1x32xf32, #tpu.memory_space<vmem>>, %arg6: memref<32x32xf32, #tpu.memory_space<vmem>>, %arg7: memref<2048x32xbf16, #tpu.memory_space<vmem>>) attributes {dimension_semantics = [#tpu.dimension_semantics<arbitrary>], iteration_bounds = array<i64: 25>, scalar_prefetch = 0 : i64, scratch_operands = 0 : i64, tpu.core_type = #tpu.core_type<tc>, window_params = [{transform_indices = @transform_0, window_bounds = array<i64: 2048, 32>}, {transform_indices = @transform_1, window_bounds = array<i64: 2048, 32>}, {transform_indices = @transform_2, window_bounds = array<i64: 2048>}, {transform_indices = @transform_3, window_bounds = array<i64: 2048>}, {pipeline_mode = #tpu.pipeline_mode<synchronous>, transform_indices = @transform_4, window_bounds = array<i64: 1, 32>}, {pipeline_mode = #tpu.pipeline_mode<synchronous>, transform_indices = @transform_5, window_bounds = array<i64: 32, 32>}, {transform_indices = @transform_6, window_bounds = array<i64: 2048, 32>}]} {
    %get3A = arith.constant 0 : index
    %get3A_0 = vector.load %arg3[%get3A] : memref<2048xf32, #tpu.memory_space<vmem>>, vector<2048xf32>
    %gt3A = arith.constant 0.000000e+00 : f32
    %gt3A_1 = vector.broadcast %gt3A : f32 to vector<2048xf32>
    %gt3A_2 = arith.cmpf ogt, %get3A_0, %gt3A_1 : vector<2048xf32>
    %max3A = arith.constant 1.000000e+00 : f32
    %max3A_3 = vector.broadcast %max3A : f32 to vector<2048xf32>
    %max3A_4 = arith.maximumf %get3A_0, %max3A_3 : vector<2048xf32>
    %rsqrt3A = math.rsqrt %max3A_4 : vector<2048xf32>
    %jit3A = arith.constant 0.000000e+00 : f32
    %broadcast_in_dim3A = vector.broadcast %jit3A : f32 to vector<2048xf32>
    %select_n3A = arith.select %gt3A_2, %rsqrt3A, %broadcast_in_dim3A : vector<2048xi1>, vector<2048xf32>
    %reshape3A = vector.shape_cast %select_n3A : vector<2048xf32> to vector<2048x1xf32>
    %get3A_5 = arith.constant 0 : index
    %get3A_6 = vector.load %arg4[%get3A_5] : memref<2048xf32, #tpu.memory_space<vmem>>, vector<2048xf32>
    %gt3A_7 = arith.constant 0.000000e+00 : f32
    %gt3A_8 = vector.broadcast %gt3A_7 : f32 to vector<2048xf32>
    %gt3A_9 = arith.cmpf ogt, %get3A_6, %gt3A_8 : vector<2048xf32>
    %max3A_10 = arith.constant 1.000000e+00 : f32
    %max3A_11 = vector.broadcast %max3A_10 : f32 to vector<2048xf32>
    %max3A_12 = arith.maximumf %get3A_6, %max3A_11 : vector<2048xf32>
    %rsqrt3A_13 = math.rsqrt %max3A_12 : vector<2048xf32>
    %jit3A_14 = arith.constant 0.000000e+00 : f32
    %broadcast_in_dim3A_15 = vector.broadcast %jit3A_14 : f32 to vector<2048xf32>
    %select_n3A_16 = arith.select %gt3A_9, %rsqrt3A_13, %broadcast_in_dim3A_15 : vector<2048xi1>, vector<2048xf32>
    %reshape3A_17 = vector.shape_cast %select_n3A_16 : vector<2048xf32> to vector<2048x1xf32>
    %get3A_18 = arith.constant 0 : index
    %get3A_19 = arith.constant 0 : index
    %get3A_20 = vector.load %arg1[%get3A_18, %get3A_19] : memref<2048x32xbf16, #tpu.memory_space<vmem>>, vector<2048x32xbf16>
    %convert_element_type3A = arith.extf %get3A_20 : vector<2048x32xbf16> to vector<2048x32xf32>
    %mul3A = vector.broadcast %reshape3A : vector<2048x1xf32> to vector<2048x32xf32>
    %mul3A_21 = arith.mulf %convert_element_type3A, %mul3A : vector<2048x32xf32>
    %get3A_22 = arith.constant 0 : index
    %get3A_23 = arith.constant 0 : index
    %get3A_24 = vector.load %arg2[%get3A_22, %get3A_23] : memref<2048x32xbf16, #tpu.memory_space<vmem>>, vector<2048x32xbf16>
    %convert_element_type3A_25 = arith.extf %get3A_24 : vector<2048x32xbf16> to vector<2048x32xf32>
    %mul3A_26 = vector.broadcast %reshape3A_17 : vector<2048x1xf32> to vector<2048x32xf32>
    %mul3A_27 = arith.mulf %convert_element_type3A_25, %mul3A_26 : vector<2048x32xf32>
    %add3A = arith.addf %mul3A_21, %mul3A_27 : vector<2048x32xf32>
    %get3A_28 = arith.constant 0 : index
    %get3A_29 = arith.constant 0 : index
    %get3A_30 = vector.load %arg5[%get3A_28, %get3A_29] : memref<1x32xf32, #tpu.memory_space<vmem>>, vector<1x32xf32>
    %mul3A_31 = arith.constant 2.000000e+00 : f32
    %mul3A_32 = vector.broadcast %mul3A_31 : f32 to vector<1x32xf32>
    %mul3A_33 = arith.mulf %mul3A_32, %get3A_30 : vector<1x32xf32>
    %add3A_34 = vector.broadcast %mul3A_33 : vector<1x32xf32> to vector<2048x32xf32>
    %add3A_35 = arith.addf %add3A, %add3A_34 : vector<2048x32xf32>
    %max3A_36 = arith.constant 0.000000e+00 : f32
    %max3A_37 = vector.broadcast %max3A_36 : f32 to vector<2048x32xf32>
    %max3A_38 = arith.maximumf %add3A_35, %max3A_37 : vector<2048x32xf32>
    %mul3A_39 = vector.broadcast %reshape3A : vector<2048x1xf32> to vector<2048x32xf32>
    %mul3A_40 = arith.mulf %max3A_38, %mul3A_39 : vector<2048x32xf32>
    %get3A_41 = arith.constant 0 : index
    %get3A_42 = arith.constant 0 : index
    %get3A_43 = vector.load %arg6[%get3A_41, %get3A_42] : memref<32x32xf32, #tpu.memory_space<vmem>>, vector<32x32xf32>
    %dot_general3A = arith.constant dense<0.000000e+00> : vector<2048x32xf32>
    %dot_general3A_44 = tpu.matmul %mul3A_40, %get3A_43, %dot_general3A {dimension_numbers = #tpu.dot_dimension_numbers<[1], [0], [0], [1], [0, 0, 1, 1], [], []>, transpose_lhs_hint = false} : vector<2048x32xf32>, vector<32x32xf32>, vector<2048x32xf32> -> vector<2048x32xf32>
    %convert_element_type3A_45 = arith.truncf %dot_general3A_44 : vector<2048x32xf32> to vector<2048x32xbf16>
    %swap3A = arith.constant 0 : index
    %swap3A_46 = arith.constant 0 : index
    %swap3A_47 = vector.load %arg7[%swap3A, %swap3A_46] : memref<2048x32xbf16, #tpu.memory_space<vmem>>, vector<2048x32xbf16>
    tpu.vector_store %arg7[%swap3A, %swap3A_46], %convert_element_type3A_45 {strides = array<i32>} : memref<2048x32xbf16, #tpu.memory_space<vmem>>, vector<2048x32xbf16>,
    return
  }
  func.func @transform_0(%arg0: i32) -> (i32, i32) {
    %c0_i32 = arith.constant 0 : i32
    %c0_i32_0 = arith.constant 0 : i32
    return %arg0, %c0_i32 : i32, i32
  }
  func.func @transform_1(%arg0: i32) -> (i32, i32) {
    %c0_i32 = arith.constant 0 : i32
    %c0_i32_0 = arith.constant 0 : i32
    return %arg0, %c0_i32 : i32, i32
  }
  func.func @transform_2(%arg0: i32) -> i32 {
    %c0_i32 = arith.constant 0 : i32
    return %arg0 : i32
  }
  func.func @transform_3(%arg0: i32) -> i32 {
    %c0_i32 = arith.constant 0 : i32
    return %arg0 : i32
  }
  func.func @transform_4(%arg0: i32) -> (i32, i32) {
    %c0_i32 = arith.constant 0 : i32
    %c0_i32_0 = arith.constant 0 : i32
    %c0_i32_1 = arith.constant 0 : i32
    return %c0_i32, %c0_i32_0 : i32, i32
  }
  func.func @transform_5(%arg0: i32) -> (i32, i32) {
    %c0_i32 = arith.constant 0 : i32
    %c0_i32_0 = arith.constant 0 : i32
    %c0_i32_1 = arith.constant 0 : i32
    return %c0_i32, %c0_i32_0 : i32, i32
  }
  func.func @transform_6(%arg0: i32) -> (i32, i32) {
    %c0_i32 = arith.constant 0 : i32
    %c0_i32_0 = arith.constant 0 : i32
    return %arg0, %c0_i32 : i32, i32
  }
}

module attributes {stable_mosaic.version = 14 : i64} {
  func.func @_out_body(%arg0: i32, %arg1: memref<2048x32xbf16, #tpu.memory_space<vmem>>, %arg2: memref<2048x32xbf16, #tpu.memory_space<vmem>>, %arg3: memref<2048xf32, #tpu.memory_space<vmem>>, %arg4: memref<1x32xf32, #tpu.memory_space<vmem>>, %arg5: memref<32x32xf32, #tpu.memory_space<vmem>>, %arg6: memref<1x32xf32, #tpu.memory_space<vmem>>, %arg7: memref<32x32xf32, #tpu.memory_space<vmem>>, %arg8: memref<1x32xf32, #tpu.memory_space<vmem>>, %arg9: memref<1x32xf32, #tpu.memory_space<vmem>>) attributes {dimension_semantics = [#tpu.dimension_semantics<arbitrary>], iteration_bounds = array<i64: 25>, scalar_prefetch = 0 : i64, scratch_operands = 0 : i64, tpu.core_type = #tpu.core_type<tc>, window_params = [{transform_indices = @transform_0, window_bounds = array<i64: 2048, 32>}, {transform_indices = @transform_1, window_bounds = array<i64: 2048, 32>}, {transform_indices = @transform_2, window_bounds = array<i64: 2048>}, {pipeline_mode = #tpu.pipeline_mode<synchronous>, transform_indices = @transform_3, window_bounds = array<i64: 1, 32>}, {pipeline_mode = #tpu.pipeline_mode<synchronous>, transform_indices = @transform_4, window_bounds = array<i64: 32, 32>}, {pipeline_mode = #tpu.pipeline_mode<synchronous>, transform_indices = @transform_5, window_bounds = array<i64: 1, 32>}, {pipeline_mode = #tpu.pipeline_mode<synchronous>, transform_indices = @transform_6, window_bounds = array<i64: 32, 32>}, {pipeline_mode = #tpu.pipeline_mode<synchronous>, transform_indices = @transform_7, window_bounds = array<i64: 1, 32>}, {pipeline_mode = #tpu.pipeline_mode<synchronous>, transform_indices = @transform_8, window_bounds = array<i64: 1, 32>}]} {
    %get3A = arith.constant 0 : index
    %get3A_0 = vector.load %arg3[%get3A] : memref<2048xf32, #tpu.memory_space<vmem>>, vector<2048xf32>
    %gt3A = arith.constant 0.000000e+00 : f32
    %gt3A_1 = vector.broadcast %gt3A : f32 to vector<2048xf32>
    %gt3A_2 = arith.cmpf ogt, %get3A_0, %gt3A_1 : vector<2048xf32>
    %max3A = arith.constant 1.000000e+00 : f32
    %max3A_3 = vector.broadcast %max3A : f32 to vector<2048xf32>
    %max3A_4 = arith.maximumf %get3A_0, %max3A_3 : vector<2048xf32>
    %rsqrt3A = math.rsqrt %max3A_4 : vector<2048xf32>
    %jit3A = arith.constant 0.000000e+00 : f32
    %broadcast_in_dim3A = vector.broadcast %jit3A : f32 to vector<2048xf32>
    %select_n3A = arith.select %gt3A_2, %rsqrt3A, %broadcast_in_dim3A : vector<2048xi1>, vector<2048xf32>
    %reshape3A = vector.shape_cast %select_n3A : vector<2048xf32> to vector<2048x1xf32>
    %get3A_5 = arith.constant 0 : index
    %get3A_6 = arith.constant 0 : index
    %get3A_7 = vector.load %arg1[%get3A_5, %get3A_6] : memref<2048x32xbf16, #tpu.memory_space<vmem>>, vector<2048x32xbf16>
    %convert_element_type3A = arith.extf %get3A_7 : vector<2048x32xbf16> to vector<2048x32xf32>
    %get3A_8 = arith.constant 0 : index
    %get3A_9 = arith.constant 0 : index
    %get3A_10 = vector.load %arg2[%get3A_8, %get3A_9] : memref<2048x32xbf16, #tpu.memory_space<vmem>>, vector<2048x32xbf16>
    %convert_element_type3A_11 = arith.extf %get3A_10 : vector<2048x32xbf16> to vector<2048x32xf32>
    %add3A = arith.addf %convert_element_type3A, %convert_element_type3A_11 : vector<2048x32xf32>
    %mul3A = vector.broadcast %reshape3A : vector<2048x1xf32> to vector<2048x32xf32>
    %mul3A_12 = arith.mulf %add3A, %mul3A : vector<2048x32xf32>
    %get3A_13 = arith.constant 0 : index
    %get3A_14 = arith.constant 0 : index
    %get3A_15 = vector.load %arg4[%get3A_13, %get3A_14] : memref<1x32xf32, #tpu.memory_space<vmem>>, vector<1x32xf32>
    %add3A_16 = vector.broadcast %get3A_15 : vector<1x32xf32> to vector<2048x32xf32>
    %add3A_17 = arith.addf %mul3A_12, %add3A_16 : vector<2048x32xf32>
    %max3A_18 = arith.constant 0.000000e+00 : f32
    %max3A_19 = vector.broadcast %max3A_18 : f32 to vector<2048x32xf32>
    %max3A_20 = arith.maximumf %add3A_17, %max3A_19 : vector<2048x32xf32>
    %get3A_21 = arith.constant 0 : index
    %get3A_22 = arith.constant 0 : index
    %get3A_23 = vector.load %arg5[%get3A_21, %get3A_22] : memref<32x32xf32, #tpu.memory_space<vmem>>, vector<32x32xf32>
    %dot_general3A = arith.constant dense<0.000000e+00> : vector<2048x32xf32>
    %dot_general3A_24 = tpu.matmul %max3A_20, %get3A_23, %dot_general3A {dimension_numbers = #tpu.dot_dimension_numbers<[1], [0], [0], [1], [0, 0, 1, 1], [], []>, transpose_lhs_hint = false} : vector<2048x32xf32>, vector<32x32xf32>, vector<2048x32xf32> -> vector<2048x32xf32>
    %get3A_25 = arith.constant 0 : index
    %get3A_26 = arith.constant 0 : index
    %get3A_27 = vector.load %arg6[%get3A_25, %get3A_26] : memref<1x32xf32, #tpu.memory_space<vmem>>, vector<1x32xf32>
    %add3A_28 = vector.broadcast %get3A_27 : vector<1x32xf32> to vector<2048x32xf32>
    %add3A_29 = arith.addf %dot_general3A_24, %add3A_28 : vector<2048x32xf32>
    %max3A_30 = arith.constant 0.000000e+00 : f32
    %max3A_31 = vector.broadcast %max3A_30 : f32 to vector<2048x32xf32>
    %max3A_32 = arith.maximumf %add3A_29, %max3A_31 : vector<2048x32xf32>
    %get3A_33 = arith.constant 0 : index
    %get3A_34 = arith.constant 0 : index
    %get3A_35 = vector.load %arg7[%get3A_33, %get3A_34] : memref<32x32xf32, #tpu.memory_space<vmem>>, vector<32x32xf32>
    %dot_general3A_36 = arith.constant dense<0.000000e+00> : vector<2048x32xf32>
    %dot_general3A_37 = tpu.matmul %max3A_32, %get3A_35, %dot_general3A_36 {dimension_numbers = #tpu.dot_dimension_numbers<[1], [0], [0], [1], [0, 0, 1, 1], [], []>, transpose_lhs_hint = false} : vector<2048x32xf32>, vector<32x32xf32>, vector<2048x32xf32> -> vector<2048x32xf32>
    %get3A_38 = arith.constant 0 : index
    %get3A_39 = arith.constant 0 : index
    %get3A_40 = vector.load %arg8[%get3A_38, %get3A_39] : memref<1x32xf32, #tpu.memory_space<vmem>>, vector<1x32xf32>
    %add3A_41 = vector.broadcast %get3A_40 : vector<1x32xf32> to vector<2048x32xf32>
    %add3A_42 = arith.addf %dot_general3A_37, %add3A_41 : vector<2048x32xf32>
    %max3A_43 = arith.constant 0.000000e+00 : f32
    %max3A_44 = vector.broadcast %max3A_43 : f32 to vector<2048x32xf32>
    %max3A_45 = arith.maximumf %add3A_42, %max3A_44 : vector<2048x32xf32>
    %mul3A_46 = arith.constant 2048 : i32
    %mul3A_47 = arith.muli %arg0, %mul3A_46 : i32
    %iota3A = tpu.iota {dimensions = array<i32: 0>} : vector<2048x1xi32>
    %add3A_48 = vector.broadcast %mul3A_47 : i32 to vector<2048x1xi32>
    %add3A_49 = arith.addi %add3A_48, %iota3A : vector<2048x1xi32>
    %lt3A = arith.constant 50000 : i32
    %lt3A_50 = vector.broadcast %lt3A : i32 to vector<2048x1xi32>
    %lt3A_51 = arith.cmpi slt, %add3A_49, %lt3A_50 : vector<2048x1xi32>
    %jit3A_52 = arith.constant 0.000000e+00 : f32
    %broadcast_in_dim3A_53 = vector.shape_cast %lt3A_51 : vector<2048x1xi1> to vector<2048x1xi1>
    %broadcast_in_dim3A_54 = vector.broadcast %broadcast_in_dim3A_53 : vector<2048x1xi1> to vector<2048x32xi1>
    %broadcast_in_dim3A_55 = vector.broadcast %jit3A_52 : f32 to vector<2048x32xf32>
    %select_n3A_56 = arith.select %broadcast_in_dim3A_54, %max3A_45, %broadcast_in_dim3A_55 : vector<2048x32xi1>, vector<2048x32xf32>
    %reduce_sum3A = arith.constant dense<0.000000e+00> : vector<32xf32>
    %reduce_sum3A_57 = vector.multi_reduction <add>, %select_n3A_56, %reduce_sum3A [0] : vector<2048x32xf32> to vector<32xf32>
    %broadcast_in_dim3A_58 = vector.shape_cast %reduce_sum3A_57 : vector<32xf32> to vector<1x32xf32>
    %eq3A = arith.constant 0 : i32
    %eq3A_59 = arith.cmpi eq, %arg0, %eq3A : i32
    %convert_element_type3A_60 = arith.extui %eq3A_59 : i1 to i32
    %cond3A = arith.constant 0 : i32
    %cond3A_61 = arith.cmpi ne, %convert_element_type3A_60, %cond3A : i32
    scf.if %cond3A_61 {
      %broadcast_in_dim3A_68 = arith.constant 0.000000e+00 : f32
      %broadcast_in_dim3A_69 = vector.broadcast %broadcast_in_dim3A_68 : f32 to vector<1x32xf32>
      %swap3A_70 = arith.constant 0 : index
      %swap3A_71 = arith.constant 0 : index
      %swap3A_72 = vector.load %arg9[%swap3A_70, %swap3A_71] : memref<1x32xf32, #tpu.memory_space<vmem>>, vector<1x32xf32>
      tpu.vector_store %arg9[%swap3A_70, %swap3A_71], %broadcast_in_dim3A_69 {strides = array<i32>} : memref<1x32xf32, #tpu.memory_space<vmem>>, vector<1x32xf32>,
    } else {
    }
    %get3A_62 = arith.constant 0 : index
    %get3A_63 = arith.constant 0 : index
    %get3A_64 = vector.load %arg9[%get3A_62, %get3A_63] : memref<1x32xf32, #tpu.memory_space<vmem>>, vector<1x32xf32>
    %add3A_65 = arith.addf %get3A_64, %broadcast_in_dim3A_58 : vector<1x32xf32>
    %swap3A = arith.constant 0 : index
    %swap3A_66 = arith.constant 0 : index
    %swap3A_67 = vector.load %arg9[%swap3A, %swap3A_66] : memref<1x32xf32, #tpu.memory_space<vmem>>, vector<1x32xf32>
    tpu.vector_store %arg9[%swap3A, %swap3A_66], %add3A_65 {strides = array<i32>} : memref<1x32xf32, #tpu.memory_space<vmem>>, vector<1x32xf32>,
    return
  }
  func.func @transform_0(%arg0: i32) -> (i32, i32) {
    %c0_i32 = arith.constant 0 : i32
    %c0_i32_0 = arith.constant 0 : i32
    return %arg0, %c0_i32 : i32, i32
  }
  func.func @transform_1(%arg0: i32) -> (i32, i32) {
    %c0_i32 = arith.constant 0 : i32
    %c0_i32_0 = arith.constant 0 : i32
    return %arg0, %c0_i32 : i32, i32
  }
  func.func @transform_2(%arg0: i32) -> i32 {
    %c0_i32 = arith.constant 0 : i32
    return %arg0 : i32
  }
  func.func @transform_3(%arg0: i32) -> (i32, i32) {
    %c0_i32 = arith.constant 0 : i32
    %c0_i32_0 = arith.constant 0 : i32
    %c0_i32_1 = arith.constant 0 : i32
    return %c0_i32, %c0_i32_0 : i32, i32
  }
  func.func @transform_4(%arg0: i32) -> (i32, i32) {
    %c0_i32 = arith.constant 0 : i32
    %c0_i32_0 = arith.constant 0 : i32
    %c0_i32_1 = arith.constant 0 : i32
    return %c0_i32, %c0_i32_0 : i32, i32
  }
  func.func @transform_5(%arg0: i32) -> (i32, i32) {
    %c0_i32 = arith.constant 0 : i32
    %c0_i32_0 = arith.constant 0 : i32
    %c0_i32_1 = arith.constant 0 : i32
    return %c0_i32, %c0_i32_0 : i32, i32
  }
  func.func @transform_6(%arg0: i32) -> (i32, i32) {
    %c0_i32 = arith.constant 0 : i32
    %c0_i32_0 = arith.constant 0 : i32
    %c0_i32_1 = arith.constant 0 : i32
    return %c0_i32, %c0_i32_0 : i32, i32
  }
  func.func @transform_7(%arg0: i32) -> (i32, i32) {
    %c0_i32 = arith.constant 0 : i32
    %c0_i32_0 = arith.constant 0 : i32
    %c0_i32_1 = arith.constant 0 : i32
    return %c0_i32, %c0_i32_0 : i32, i32
  }
  func.func @transform_8(%arg0: i32) -> (i32, i32) {
    %c0_i32 = arith.constant 0 : i32
    %c0_i32_0 = arith.constant 0 : i32
    %c0_i32_1 = arith.constant 0 : i32
    return %c0_i32, %c0_i32_0 : i32, i32
  }
}

</mosaic_0001>

<sc_bundles>
// kernel: kernel.12.cloned.1.call-start
scs
__scs_entry_jumppad:
0x0: {  	(pc) =	sbr.rel $0x88, $3  }
0x1: {  	(tag) =	ssettag $0x0;
	lr =	simm.s32 $0x1  }
0x2: {  	[smem:$0x3F91] =	sst lr;
	_ =	strace $0xD0000000  }
0x3: {  	_ = 	snop  }
0x4: {  	_ = 	snop  }
0x5: {  	_ = 	snop  }
0x6: {  	_ = 	snop  }
0x7: {  	_ = 	snop  }
__scs_overlays_trampoline_lowered:
0x8: {  	[smem:$0x3FA0] =	sst s0  }
0x9: {  	[smem:$0x3FA1] =	sst s1  }
0xa: {  	[smem:$0x3FA2] =	sst s2  }
0xb: {  	[smem:$0x3FA3] =	sst s3  }
0xc: {  	[smem:$0x3FA4] =	sst s4  }
0xd: {  	[smem:$0x3FA5] =	sst s5  }
0xe: {  	[smem:$0x3FA6] =	sst s6  }
0xf: {  	[smem:$0x3FA7] =	sst s7  }
0x10: {  	[smem:$0x3FA8] =	sst s8  }
0x11: {  	[smem:$0x3FA9] =	sst s9;
	s0 =	simm.s32 @!p0 $0x0  }
0x12: {  	s1 =	sld [smem:$0x3F8F];
	s0 =	simm.s32 @p0 $0x1  }
0x13: {  	[smem:$0x3FAA] =	sst s0;
	s0 =	simm.s32 @!p1 $0x0  }
0x14: {  	s2 =	sld [smem:$0x3F8E];
	s0 =	simm.s32 @p1 $0x1  }
0x15: {  	[smem:$0x3FAB] =	sst s0;
	s0 =	simm.s32 @!p2 $0x0  }
0x16: {  	s3 =	sld [smem:$0x3FDB];
	s0 =	simm.s32 @p2 $0x1  }
0x17: {  	s4 =	simm.s32 $0x1BF5;
	[smem:$0x3FAD] =	sst s0  }
0x18: {  	s0 =	sld [smem:$0x3F90];
	_ =	swait.ge [sflag:s4], $0x0  }
0x19: {  	s7 =	sld [smem:$0x3F91]  }
0x1a: {  	s8 =	sadd.s32 $0xFFFFE003, lr  }
0x1b: {  	s9 =	sadd.s32 $0xFFFFFEF7, lr;
	s5 =	simm.s32 $0xFFFFFFFF;
	p2 =	slt.u32 s8, $0xFFFFF086  }
0x1c: {  	p1 =	slt.u32 s9, $0xF7A;
	s5 =	simm.s32 @!p2 $0x0  }
0x1d: {  	s5 =	simm.s32 @p1 $0x1;
	p0 =	seq.s32 s7, s2  }
0x1e: {  	s7 =	smul.u32 @!p0 $0xF7A, s2;
	p2 =	seq.s32 @!p0 s5, $0x0  }
0x1f: {  	s9 =	smul.u32 $0xF7A, s1;
	s8 =	simm.s32 @!p0 $0x1BF5;
	p2 =	por !p2, p0  }
0x20: {  	[sflag:s8] =	ssyncset.s32 @!p0 $0xFFFFF086;
	s6 =	sadd.s32 @!p0 s3, s7;
	s7 =	simm.s32 @!p0 $0x108  }
0x21: {  	s3 =	sadd.s32 s3, s9;
	s6 =	sadd.s32 @!p0 $0x88, s6;
	s7 =	simm.s32 @p2 $0x1082  }
0x22: {  	[simem:s7], [sflag:s8] =	dma.local @!p0 [hbm:s6], $0xF7A  }
0x23: {  	s9 =	sor.u32 $0xD0000000, s2;
	s6 =	simm.s32 $0x108;
	_ =	swait.ge @!p0 [sflag:s8], $0x0  }
0x24: {  	s3 =	sadd.s32 $0x88, s3;
	s6 =	simm.s32 @!p1 $0x1082;
	[sflag:s4] =	ssyncset.s32 $0xFFFFF086  }
0x25: {  	[simem:s6], [sflag:s4] =	dma.local [hbm:s3], $0xF7A  }
0x26: {  	[smem:$0x3F91] =	sst s1;
	(tag) =	ssettag s2;
	_ =	strace s9  }
0x27: {  	s1 =	sld [smem:$0x3FA1]  }
0x28: {  	s2 =	sld [smem:$0x3FA2]  }
0x29: {  	s4 =	sld [smem:$0x3FA4]  }
0x2a: {  	p0 =	seq.s32 s5, $0x0;
	s5 =	sld [smem:$0x3FA5]  }
0x2b: {  	s6 =	sld [smem:$0x3FA6]  }
0x2c: {  	s7 =	sld [smem:$0x3FA7]  }
0x2d: {  	s3 =	simm.s32 $0x108;
	s8 =	sld [smem:$0x3FA8]  }
0x2e: {  	s3 =	simm.s32 @!p0 $0x1082;
	s9 =	sld [smem:$0x3FA9]  }
0x2f: {  	lr =	sadd.s32 s0, s3;
	s0 =	sld [smem:$0x3FA0]  }
0x30: {  	s3 =	sld [smem:$0x3FA3]  }
0x31: {  	[smem:$0x3FAC] =	sst s10  }
0x32: {  	s10 =	sld [smem:$0x3FAA];
	_ =	sdelay $0x3  }
0x33: {  	p0 =	seq.s32 s10, $0x1;
	s10 =	sld [smem:$0x3FAC];
	_ =	sdelay $0x3  }
0x34: {  	[smem:$0x3FAC] =	sst s10  }
0x35: {  	s10 =	sld [smem:$0x3FAB];
	_ =	sdelay $0x3  }
0x36: {  	p1 =	seq.s32 s10, $0x1;
	s10 =	sld [smem:$0x3FAC];
	_ =	sdelay $0x3  }
0x37: {  	[smem:$0x3FAC] =	sst s10  }
0x38: {  	s10 =	sld [smem:$0x3FAD]  }
0x39: {  	_ = 	snop;
	(pc) =	sbr.ind lr, $3  }
0x3a: {  	_ = 	snop  }
0x3b: {  	_ = 	snop  }
0x3c: {  	p2 =	seq.s32 s10, $0x1;
	s10 =	sld [smem:$0x3FAC]  }
0x3d: {  	_ =	shalt  }
0x3e: {  	_ =	shalt  }
0x3f: {  	_ =	shalt  }
0x40: {  	_ =	shalt  }
0x41: {  	_ =	shalt  }
0x42: {  	_ =	shalt  }
0x43: {  	_ =	shalt  }
0x44: {  	_ =	shalt  }
0x45: {  	_ =	shalt  }
0x46: {  	_ =	shalt  }
0x47: {  	_ =	shalt  }
0x48: {  	_ =	shalt  }
0x49: {  	_ =	shalt  }
0x4a: {  	_ =	shalt  }
0x4b: {  	_ =	shalt  }
0x4c: {  	_ =	shalt  }
0x4d: {  	_ =	shalt  }
0x4e: {  	_ =	shalt  }
0x4f: {  	_ =	shalt  }
0x50: {  	_ =	shalt  }
0x51: {  	_ =	shalt  }
0x52: {  	_ =	shalt  }
0x53: {  	_ =	shalt  }
0x54: {  	_ =	shalt  }
0x55: {  	_ =	shalt  }
0x56: {  	_ =	shalt  }
0x57: {  	_ =	shalt  }
0x58: {  	_ =	shalt  }
0x59: {  	_ =	shalt  }
0x5a: {  	_ =	shalt  }
0x5b: {  	_ =	shalt  }
0x5c: {  	_ =	shalt  }
0x5d: {  	_ =	shalt  }
0x5e: {  	_ =	shalt  }
0x5f: {  	_ =	shalt  }
0x60: {  	_ =	shalt  }
0x61: {  	_ =	shalt  }
0x62: {  	_ =	shalt  }
0x63: {  	_ =	shalt  }
0x64: {  	_ =	shalt  }
0x65: {  	_ =	shalt  }
0x66: {  	_ =	shalt  }
0x67: {  	_ =	shalt  }
0x68: {  	_ =	shalt  }
0x69: {  	_ =	shalt  }
0x6a: {  	_ =	shalt  }
0x6b: {  	_ =	shalt  }
0x6c: {  	_ =	shalt  }
0x6d: {  	_ =	shalt  }
0x6e: {  	_ =	shalt  }
0x6f: {  	_ =	shalt  }
0x70: {  	_ =	shalt  }
0x71: {  	_ =	shalt  }
0x72: {  	_ =	shalt  }
0x73: {  	_ =	shalt  }
0x74: {  	_ =	shalt  }
0x75: {  	_ =	shalt  }
0x76: {  	_ =	shalt  }
0x77: {  	_ =	shalt  }
0x78: {  	_ =	shalt  }
0x79: {  	_ =	shalt  }
0x7a: {  	_ =	shalt  }
0x7b: {  	_ =	shalt  }
0x7c: {  	_ =	shalt  }
0x7d: {  	_ =	shalt  }
0x7e: {  	_ =	shalt  }
0x7f: {  	_ =	shalt  }
0x80: {  	_ =	shalt  }
0x81: {  	_ =	shalt  }
0x82: {  	_ =	shalt  }
0x83: {  	_ =	shalt  }
0x84: {  	_ =	shalt  }
0x85: {  	_ =	shalt  }
0x86: {  	_ =	shalt  }
0x87: {  	_ =	shalt  }
.Lfunc_end0:
.L_simem_size_0:
called_computation.1_lowered:
.L_overlay_start_0:
0x88: {  	s2 =	sld [smem:$0x3FD9]  }
0x89: {  	s3 =	sld [smem:$0x3FFE];
	_ =	sdelay $0x1  }
0x8a: {  	s1 =	srdreg.scid  }
0x8b: {  	s0 =	sand.u32 $0x1, s1  }
0x8c: {  	s16 =	sshll.u32 s0, $0xA;
	s2 =	sadd.s32 s3, s2  }
0x8d: {  	s2 =	sadd.s32 s2, s16  }
0x8e: {  	[smem:$0x3FB8] =	sst s2  }
0x8f: {  	_ = 	snop  }
0x90: {  	(tm) =	ssettm $0x1  }
0x91: {  	s17 =	sld [smem:$0x3FFB];
	_ =	sdelay $0x3  }
0x92: {  	_ =	strace s17  }
0x93: {  	s2 =	sld [smem:$0x3FFC];
	_ =	sdelay $0x3  }
0x94: {  	_ =	strace s2  }
0x95: {  	s2 =	sld [smem:$0x3FFD];
	_ =	sdelay $0x3  }
0x96: {  	_ =	strace s2  }
0x97: {  	_ =	strace $0x8FFFFFFF  }
0x98: {  	s18 =	sld [smem:$0x3FDB];
	_ =	sdelay $0x1  }
0x99: {  	s19 =	simm.s32 $_scs_section_size  }
0x9a: {  	s4 =	simm.s32 $_size__tile_overlayer_lowered;
	s5 =	simm.s32 $_tile_overlayer_lowered  }
0x9b: {  	s22 =	simm.s32 $0x1BFF;
	s21 =	sshll.u32 s5, $0x1;
	s2 =	sadd.s32 s19, s18  }
0x9c: {  	s6 =	simm.s32 $0x0;
	s20 =	sshll.u32 s4, $0x1;
	s4 =	sadd.s32 s21, s2  }
0x9d: {  	[timem:s6], [sflag:s22] =	dma.local [hbm:s4], s20  }
0x9e: {  	_ =	swait.ge [sflag:s22], s20  }
0x9f: {  	s3 =	ssub.s32 $0x0, s20;
	[sflag:s22] =	ssyncset.done $0x0  }
0xa0: {  	[sflag:s22] =	ssyncadd.s32 s3;
	_ =	sdelay $0x1  }
0xa1: {  	s23 =	simm.s32 $0x1B8B  }
0xa2: {  	_ =	swait.ge [sflag:s23], $0x1  }
0xa3: {  	[sflag:s23] =	ssyncset.done $0x0  }
0xa4: {  	s25 =	simm.s32 $0x1B8E;
	s24 =	sld [smem:$0x3FFE];
	[sflag:s23] =	ssyncadd.s32 $0xFFFFFFFF  }
0xa5: {  	s26 =	simm.s32 $execute0_lowered;
	[smem:$0x3FD2] =	sst s25  }
0xa6: {  	s4 =	sshll.u32 s26, $0x1;
	_ =	strace $0x80000049;
	[dreg:$0x1] =	wrdreg $0xFFFFFFFF  }
0xa7: {  	s28 =	simm.s32 $_size_execute0_lowered;
	s2 =	sadd.s32 s2, s4;
	[dreg:$0x0] =	wrdreg $0x0  }
0xa8: {  	s4 =	sshll.u32 s28, $0x1;
	[dreg:$0x2] =	wrdreg s2  }
0xa9: {  	[dreg:$0x3] =	wrdreg s4  }
0xaa: {  	[dreg:$0x4] =	wrdreg $0xC0  }
0xab: {  	_ =	task [dreg:s6], $0x5FFFF  }
0xac: {  	[dreg:$0x1] =	wrdreg $0xFFFFFFFF  }
0xad: {  	[dreg:$0x0] =	wrdreg $0x60  }
0xae: {  	[dreg:$0x2] =	wrdreg s24  }
0xaf: {  	[dreg:$0x3] =	wrdreg $0x0  }
0xb0: {  	[dreg:$0x4] =	wrdreg $0x9  }
0xb1: {  	_ =	task.clear_ibuf [dreg:s6], $0x5FFFF;
	_ =	strace $0x90000049  }
0xb2: {  	s29 =	simm.s32 $0x9;
	_ =	strace $0x8000004B  }
0xb3: {  	_ =	swait.ge [sflag:s29], $0x1  }
0xb4: {  	[sflag:s29] =	ssyncadd.s32 $0xFFFFFFFF  }
0xb5: {  	_ =	strace $0x9000004B  }
0xb6: {  	_ =	sfence  }
0xb7: {  	s30 =	sld [smem:$0x0];
	_ =	sdelay $0x2  }
0xb8: {  	s31 =	sshll.u32 s1, $0xD;
	s1 =	sshrl.u32 s1, $0x2  }
0xb9: {  	s3 =	sand.u32 $0x4000, s31;
	s1 =	sadd.s32 s1, s30  }
0xba: {  	s0 =	sor.u32 s3, s0;
	s1 =	sshll.u32 s1, $0x11  }
0xbb: {  	s0 =	sor.u32 s1, s0  }
0xbc: {  	s0 =	sadd.s32 $0x8F2B, s0  }
0xbd: {  	[sflag:s0] =	ssyncadd.remote.s32 $0x1  }
0xbe: {  	_ =	sfence.sel $0xFFFF  }
0xbf: {  	[dreg:$0x0] =	wrdreg $0xFFFFFFFF;
	(pc) =	sbr.abs _section_cstart, $3  }
0xc0: {  	[dreg:$0x1] =	wrdreg $0xFFFFFFFF  }
0xc1: {  	_ =	task.clear_ibuf [dreg:s6], $0x2FFFF;
	_ =	strace $0x9FFFFFFF  }
0xc2: {  	(tm) =	ssettm $0x7FFFFFFF  }
0xc3: {  	_ =	shalt  }
tec
execute0_lowered:
.L_overlay_start_1:
0x0: {  	(tag) =	ssettag $0x1  }
0x1: {  	s0 =	rddreg [dreg:$0x0]  }
0x2: {  	s1 =	rddreg [dreg:$0x1];
	s2 =	simm.s32 $0x0  }
0x3: {  	s3 =	stileid.u32;
	s8 =	srdreg.scid;
	s15 =	simm.s32 $0xF100  }
0x4: {  	s16 =	simm.s32 $0x5;
	s18 =	simm.s32 $0xD480;
	s19 =	simm.s32 $0x80  }
0x5: {  	s20 =	simm.s32 $0xE100;
	s21 =	simm.s32 $0x3;
	s22 =	simm.s32 $0x2  }
0x6: {  	s23 =	simm.s32 $0xE900;
	s24 =	simm.s32 $0x1;
	s25 =	simm.s32 $0xE080  }
0x7: {  	s26 =	simm.s32 $0x4;
	s28 =	simm.s32 $0x0;
	[smem:$0x7FF] =	sst s2  }
0x8: {  	s4 =	sadd.s32 $0x84800, s0;
	s5 =	sadd.s32 $0x6B800, s0;
	s6 =	sadd.s32 $0x1B400, s0  }
0x9: {  	s7 =	sadd.s32 $0x2C00, s0;
	s10 =	smul.u32 $0x1900, s3;
	s17 =	sand.u32 $0x1, s8  }
0xa: {  	s8 =	sadd.s32 $0x4C400, s0;
	s12 =	smul.u32 $0x32000, s3;
	s9 =	sadd.s32 $0x33C00, s0  }
.Ltmp0:
0xb: {  	s13 =	sadd.s32 $0x6B600, s0;
	_ =	strace $0x8000004A;
	(pc) =	sbr.rel .LBB2_1-.Ltmp0, $4  }
0xc: {  	s11 =	ssub.s32 $0x2, s17;
	[dreg:$0x3] =	wrdreg s13;
	p0 =	sne.s32 s17, $0x0  }
0xd: {  	s17 =	simm.s32 $0xC800;
	s30 =	sshrl.u32 s11, $0x1;
	s12 =	sshrl.u32 s12, $0x2  }
0xe: {  	s0 =	sadd.s32 s10, s0;
	s31 =	ssub.s32 s11, s30;
	s12 =	sadd.s32 s12, s1  }
0xf: {  	s13 =	sadd.s32 $0x9D800, s0;
	s14 =	sadd.s32 $0xB6800, s0;
	s11 =	smax.u32 s31, $0x1  }
.LBB2_33:
0x10: {  	[sflag:s16] =	ssyncadd.s32 $0xFFFFF600  }
.LBB2_34:
0x11: {  	s28 =	sadd.s32 $0x1, s28  }
0x12: {  	p1 =	sne.s32 s28, s11  }
.Ltmp1:
0x13: {  	_ = 	snop;
	(pc) =	sbr.rel @!p1 .LBB2_35-.Ltmp1, $1  }
0x14: {  	_ =	sdelay $0x3  }
.LBB2_1:
0x15: {  	s0 =	rddreg [dreg:$0x3]  }
0x16: {  	[tilespmem:s15], [sflag:$0x5] =	stream.linear.gather [hbm4b:s0+s2], $0xA00, $0x38;
	[tilespmem:$0xFB00] =	vst v63  }
0x17: {  	_ =	swait.ge [sflag:s16], $0xA00  }
0x18: {  	[sflag:s16] =	ssyncset.done $0x0  }
0x19: {  	s31 =	sadd.s32 $0x0, s12;
	[sflag:s16] =	ssyncadd.s32 $0xFFFFF600  }
0x1a: {  	[spmem:s31] =	stream.linear.scatter [tilespmem:s15], [sflag:$0x5], $0xA00, $0x38;
	[tilespmem:$0xFB00] =	vst v63  }
0x1b: {  	s0 =	simm.s32 $0x2800;
	_ =	swait.ge [sflag:s16], $0xA00  }
.LBB2_2:
0x1c: {  	s10 =	sshra.s32 s0, $0x2;
	[sflag:s16] =	ssyncset.done $0x0;
	p1 =	sne.s32 s0, $0x2F800  }
.Ltmp2:
0x1d: {  	s10 =	sadd.s32 s10, s12;
	[sflag:s16] =	ssyncadd.s32 $0xFFFFF600;
	(pc) =	sbr.rel @p1 .LBB2_2-.Ltmp2, $3  }
0x1e: {  	[spmem:s10] =	stream.linear.scatter [tilespmem:s15], [sflag:$0x5], $0xA00, $0x38;
	[tilespmem:$0xFB00] =	vst v63  }
0x1f: {  	s0 =	sadd.s32 $0x2800, s0;
	_ =	sdelay $0x1  }
0x20: {  	_ =	swait.ge [sflag:s16], $0xA00  }
.Ltmp3:
0x21: {  	(pc) =	sbr.rel @p0 .LBB2_19-.Ltmp3, $4  }
.Ltmp4:
0x22: {  	[sflag:s16] =	ssyncset.done $0x0;
	(pc) =	sbr.rel @!p0 .LBB2_4-.Ltmp4, $4  }
0x23: {  	[sflag:s16] =	ssyncadd.s32 $0xFFFFF600  }
0x24: {  	[bflag:$0x0] =	sbarrier.arrive $0xFFFF  }
0x25: {  	s29 =	simm.s32 $0x0  }
0x26: {  	_ = 	snop  }
.LBB2_14:
0x27: {  	_ =	swait.ge [sflag:s24], $0x800  }
0x28: {  	[sflag:s24] =	ssyncset.done $0x0  }
0x29: {  	[sflag:s24] =	ssyncadd.s32 $0xFFFFF800  }
0x2a: {  	[spmem:s1] =	stream.indirect.scatter.add.bf16 [tilespmem:s20], [sflag:$0x3], $0x10, s25, s19, $0xb8;
	[tilespmem:$0xFB00] =	vst v63  }
0x2b: {  	_ =	swait.ge [sflag:s21], $0x800  }
0x2c: {  	[sflag:s21] =	ssyncset.done $0x0  }
0x2d: {  	[sflag:s21] =	ssyncadd.s32 $0xFFFFF800  }
0x2e: {  	_ =	swait.ge [sflag:s26], $0x800  }
0x2f: {  	[sflag:s26] =	ssyncset.done $0x0  }
0x30: {  	[sflag:s26] =	ssyncadd.s32 $0xFFFFF800  }
.LBB2_15:
0x31: {  	s29 =	sadd.s32 $0x1, s29  }
0x32: {  	p1 =	seq.s32 s29, $0x10  }
.Ltmp5:
0x33: {  	_ = 	snop;
	(pc) =	sbr.rel @p1 .LBB2_16-.Ltmp5, $1  }
0x34: {  	_ =	sdelay $0x3  }
.LBB2_4:
0x35: {  	s0 =	sshll.u32 s29, $0x4  }
0x36: {  	s0 =	sor.u32 s3, s0  }
0x37: {  	p1 =	sgt.u32 s0, $0xF9  }
.Ltmp6:
0x38: {  	_ = 	snop;
	(pc) =	sbr.rel @p1 .LBB2_15-.Ltmp6, $1  }
0x39: {  	_ =	sdelay $0x3  }
0x3a: {  	s0 =	smul.u32 $0x190, s0;
	_ =	sdelay $0x1  }
0x3b: {  	s30 =	simm.s32 $0x0;
	s10 =	sadd.s32 s6, s0  }
0x3c: {  	[tilespmem:s17], [sflag:$0x5] =	stream.linear.gather [hbm4b:s10+s30], $0xC80, $0x38;
	[tilespmem:$0xFB00] =	vst v63  }
0x3d: {  	_ =	swait.ge [sflag:s16], $0xC80  }
0x3e: {  	[sflag:s16] =	ssyncset.done $0x0  }
0x3f: {  	s0 =	sadd.s32 s7, s0;
	[sflag:s16] =	ssyncadd.s32 $0xFFFFF380  }
0x40: {  	[tilespmem:s18], [sflag:$0x5] =	stream.linear.gather [hbm4b:s0+s30], $0xC80, $0x38;
	[tilespmem:$0xFB00] =	vst v63  }
.Ltmp7:
0x41: {  	_ = 	snop;
	(pc) =	sbr.rel .LBB2_6-.Ltmp7, $4  }
0x42: {  	_ =	swait.ge [sflag:s16], $0xC80  }
0x43: {  	[sflag:s16] =	ssyncset.done $0x0  }
0x44: {  	s31 =	simm.s32 $0x0;
	[sflag:s16] =	ssyncadd.s32 $0xFFFFF380  }
0x45: {  	[tilespmem:s20], [sflag:$0x1] =	stream.indirect.gather [hbm4b:s4+s19], $0x10, s17, s19, $0xb8;
	[tilespmem:$0xFB00] =	vst v63  }
.LBB2_12:
0x46: {  	_ =	swait.ge [sflag:s21], $0x800  }
0x47: {  	s0 =	sshra.s32 s30, $0x2;
	[sflag:s21] =	ssyncset.done $0x0  }
0x48: {  	s10 =	sadd.s32 $0xC880, s0;
	[sflag:s21] =	ssyncadd.s32 $0xFFFFF800  }
0x49: {  	[tilespmem:s20], [sflag:$0x1] =	stream.indirect.gather [hbm4b:s4+s19], $0x10, s10, s19, $0xb8;
	[tilespmem:$0xFB00] =	vst v63  }
0x4a: {  	_ =	swait.ge [sflag:s22], $0x800  }
0x4b: {  	[sflag:s22] =	ssyncset.done $0x0  }
0x4c: {  	s0 =	sadd.s32 $0xD480, s0;
	[sflag:s22] =	ssyncadd.s32 $0xFFFFF800  }
0x4d: {  	[spmem:s1] =	stream.indirect.scatter.add.bf16 [tilespmem:s23], [sflag:$0x4], $0x10, s0, s19, $0xb8;
	[tilespmem:$0xFB00] =	vst v63  }
.LBB2_13:
0x4e: {  	s31 =	sadd.s32 $0x1, s31  }
0x4f: {  	p1 =	sne.s32 s31, $0x18  }
.Ltmp8:
0x50: {  	_ = 	snop;
	(pc) =	sbr.rel @!p1 .LBB2_14-.Ltmp8, $2  }
0x51: {  	_ =	sdelay $0x2  }
0x52: {  	s30 =	sadd.s32 $0x200, s30  }
.LBB2_6:
0x53: {  	s0 =	sand.u32 $0x1, s31  }
0x54: {  	p1 =	seq.s32 s0, $0x1  }
.Ltmp9:
0x55: {  	_ = 	snop;
	(pc) =	sbr.rel @p1 .LBB2_12-.Ltmp9, $1  }
0x56: {  	_ =	sdelay $0x3  }
0x57: {  	p1 =	seq.s32 s31, $0x0  }
.Ltmp10:
0x58: {  	_ = 	snop;
	(pc) =	sbr.rel @p1 .LBB2_10-.Ltmp10, $1  }
0x59: {  	_ =	sdelay $0x3  }
0x5a: {  	p1 =	seq.s32 s31, $0x18  }
.Ltmp11:
0x5b: {  	_ = 	snop;
	(pc) =	sbr.rel @p1 .LBB2_11-.Ltmp11, $2  }
0x5c: {  	_ =	sdelay $0x2  }
0x5d: {  	s10 =	simm.s32 $0x3000  }
0x5e: {  	_ =	swait.ge [sflag:s26], $0x800  }
0x5f: {  	[sflag:s26] =	ssyncset.done $0x0  }
0x60: {  	[sflag:s26] =	ssyncadd.s32 $0xFFFFF800  }
.LBB2_10:
0x61: {  	s10 =	sshra.s32 s30, $0x2  }
0x62: {  	s10 =	sadd.s32 $0xC880, s10  }
0x63: {  	[tilespmem:s23], [sflag:$0x2] =	stream.indirect.gather [hbm4b:s4+s19], $0x10, s10, s19, $0xb8;
	[tilespmem:$0xFB00] =	vst v63  }
0x64: {  	s10 =	smov.u32 s30  }
.LBB2_11:
0x65: {  	p1 =	seq.s32 s0, $0x0  }
.Ltmp12:
0x66: {  	_ = 	snop;
	(pc) =	sbr.rel @p1 .LBB2_13-.Ltmp12, $4  }
.Ltmp13:
0x67: {  	_ =	swait.ge [sflag:s24], $0x800;
	(pc) =	sbr.rel @!p1 .LBB2_12-.Ltmp13, $4  }
0x68: {  	s10 =	sshra.s32 s10, $0x2;
	[sflag:s24] =	ssyncset.done $0x0  }
0x69: {  	s10 =	sadd.s32 $0xD480, s10;
	[sflag:s24] =	ssyncadd.s32 $0xFFFFF800  }
0x6a: {  	[spmem:s1] =	stream.indirect.scatter.add.bf16 [tilespmem:s20], [sflag:$0x3], $0x10, s10, s19, $0xb8;
	[tilespmem:$0xFB00] =	vst v63  }
0x6b: {  	_ = 	snop  }
.LBB2_29:
0x6c: {  	_ =	swait.ge [sflag:s24], $0x800  }
0x6d: {  	[sflag:s24] =	ssyncset.done $0x0  }
0x6e: {  	[sflag:s24] =	ssyncadd.s32 $0xFFFFF800  }
0x6f: {  	[spmem:s1] =	stream.indirect.scatter.add.bf16 [tilespmem:s20], [sflag:$0x3], $0x10, s25, s19, $0xb8;
	[tilespmem:$0xFB00] =	vst v63  }
0x70: {  	_ =	swait.ge [sflag:s21], $0x800  }
0x71: {  	[sflag:s21] =	ssyncset.done $0x0  }
0x72: {  	[sflag:s21] =	ssyncadd.s32 $0xFFFFF800  }
0x73: {  	_ =	swait.ge [sflag:s26], $0x800  }
0x74: {  	[sflag:s26] =	ssyncset.done $0x0  }
0x75: {  	[sflag:s26] =	ssyncadd.s32 $0xFFFFF800  }
.LBB2_30:
0x76: {  	s29 =	sadd.s32 $0x1, s29  }
0x77: {  	p1 =	seq.s32 s29, $0x10  }
.Ltmp14:
0x78: {  	_ = 	snop;
	(pc) =	sbr.rel @p1 .LBB2_31-.Ltmp14, $1  }
0x79: {  	_ =	sdelay $0x3  }
.LBB2_19:
0x7a: {  	s0 =	sshll.u32 s29, $0x4  }
0x7b: {  	s0 =	sor.u32 s3, s0  }
0x7c: {  	p1 =	sgt.u32 s0, $0xF9  }
.Ltmp15:
0x7d: {  	_ = 	snop;
	(pc) =	sbr.rel @p1 .LBB2_30-.Ltmp15, $1  }
0x7e: {  	_ =	sdelay $0x3  }
0x7f: {  	s0 =	smul.u32 $0x190, s0;
	_ =	sdelay $0x1  }
0x80: {  	s30 =	simm.s32 $0x0;
	s10 =	sadd.s32 s8, s0  }
0x81: {  	[tilespmem:s17], [sflag:$0x5] =	stream.linear.gather [hbm4b:s10+s30], $0xC80, $0x38;
	[tilespmem:$0xFB00] =	vst v63  }
0x82: {  	_ =	swait.ge [sflag:s16], $0xC80  }
0x83: {  	[sflag:s16] =	ssyncset.done $0x0  }
0x84: {  	s0 =	sadd.s32 s9, s0;
	[sflag:s16] =	ssyncadd.s32 $0xFFFFF380  }
0x85: {  	[tilespmem:s18], [sflag:$0x5] =	stream.linear.gather [hbm4b:s0+s30], $0xC80, $0x38;
	[tilespmem:$0xFB00] =	vst v63  }
.Ltmp16:
0x86: {  	_ = 	snop;
	(pc) =	sbr.rel .LBB2_21-.Ltmp16, $4  }
0x87: {  	_ =	swait.ge [sflag:s16], $0xC80  }
0x88: {  	[sflag:s16] =	ssyncset.done $0x0  }
0x89: {  	s31 =	simm.s32 $0x0;
	[sflag:s16] =	ssyncadd.s32 $0xFFFFF380  }
0x8a: {  	[tilespmem:s20], [sflag:$0x1] =	stream.indirect.gather [hbm4b:s5+s19], $0x10, s17, s19, $0xb8;
	[tilespmem:$0xFB00] =	vst v63  }
.LBB2_27:
0x8b: {  	_ =	swait.ge [sflag:s21], $0x800  }
0x8c: {  	s0 =	sshra.s32 s30, $0x2;
	[sflag:s21] =	ssyncset.done $0x0  }
0x8d: {  	s10 =	sadd.s32 $0xC880, s0;
	[sflag:s21] =	ssyncadd.s32 $0xFFFFF800  }
0x8e: {  	[tilespmem:s20], [sflag:$0x1] =	stream.indirect.gather [hbm4b:s5+s19], $0x10, s10, s19, $0xb8;
	[tilespmem:$0xFB00] =	vst v63  }
0x8f: {  	_ =	swait.ge [sflag:s22], $0x800  }
0x90: {  	[sflag:s22] =	ssyncset.done $0x0  }
0x91: {  	s0 =	sadd.s32 $0xD480, s0;
	[sflag:s22] =	ssyncadd.s32 $0xFFFFF800  }
0x92: {  	[spmem:s1] =	stream.indirect.scatter.add.bf16 [tilespmem:s23], [sflag:$0x4], $0x10, s0, s19, $0xb8;
	[tilespmem:$0xFB00] =	vst v63  }
.LBB2_28:
0x93: {  	s31 =	sadd.s32 $0x1, s31  }
0x94: {  	p1 =	sne.s32 s31, $0x18  }
.Ltmp17:
0x95: {  	_ = 	snop;
	(pc) =	sbr.rel @!p1 .LBB2_29-.Ltmp17, $2  }
0x96: {  	_ =	sdelay $0x2  }
0x97: {  	s30 =	sadd.s32 $0x200, s30  }
.LBB2_21:
0x98: {  	s0 =	sand.u32 $0x1, s31  }
0x99: {  	p1 =	seq.s32 s0, $0x1  }
.Ltmp18:
0x9a: {  	_ = 	snop;
	(pc) =	sbr.rel @p1 .LBB2_27-.Ltmp18, $1  }
0x9b: {  	_ =	sdelay $0x3  }
0x9c: {  	p1 =	seq.s32 s31, $0x0  }
.Ltmp19:
0x9d: {  	_ = 	snop;
	(pc) =	sbr.rel @p1 .LBB2_25-.Ltmp19, $1  }
0x9e: {  	_ =	sdelay $0x3  }
0x9f: {  	p1 =	seq.s32 s31, $0x18  }
.Ltmp20:
0xa0: {  	_ = 	snop;
	(pc) =	sbr.rel @p1 .LBB2_26-.Ltmp20, $2  }
0xa1: {  	_ =	sdelay $0x2  }
0xa2: {  	s10 =	simm.s32 $0x3000  }
0xa3: {  	_ =	swait.ge [sflag:s26], $0x800  }
0xa4: {  	[sflag:s26] =	ssyncset.done $0x0  }
0xa5: {  	[sflag:s26] =	ssyncadd.s32 $0xFFFFF800  }
.LBB2_25:
0xa6: {  	s10 =	sshra.s32 s30, $0x2  }
0xa7: {  	s10 =	sadd.s32 $0xC880, s10  }
0xa8: {  	[tilespmem:s23], [sflag:$0x2] =	stream.indirect.gather [hbm4b:s5+s19], $0x10, s10, s19, $0xb8;
	[tilespmem:$0xFB00] =	vst v63  }
0xa9: {  	s10 =	smov.u32 s30  }
.LBB2_26:
0xaa: {  	p1 =	seq.s32 s0, $0x0  }
.Ltmp21:
0xab: {  	_ = 	snop;
	(pc) =	sbr.rel @p1 .LBB2_28-.Ltmp21, $4  }
.Ltmp22:
0xac: {  	_ =	swait.ge [sflag:s24], $0x800;
	(pc) =	sbr.rel @!p1 .LBB2_27-.Ltmp22, $4  }
0xad: {  	s10 =	sshra.s32 s10, $0x2;
	[sflag:s24] =	ssyncset.done $0x0  }
0xae: {  	s10 =	sadd.s32 $0xD480, s10;
	[sflag:s24] =	ssyncadd.s32 $0xFFFFF800  }
0xaf: {  	[spmem:s1] =	stream.indirect.scatter.add.bf16 [tilespmem:s20], [sflag:$0x3], $0x10, s10, s19, $0xb8;
	[tilespmem:$0xFB00] =	vst v63  }
0xb0: {  	_ = 	snop  }
.LBB2_16:
0xb1: {  	[bflag:$0x0] =	sbarrier.arrive $0xFFFF  }
0xb2: {  	[tilespmem:s15], [sflag:$0x5] =	stream.linear.gather [spmem:s12], $0xA00, $0x38;
	[tilespmem:$0xFB00] =	vst v63  }
0xb3: {  	_ =	swait.ge [sflag:s16], $0xA00  }
0xb4: {  	[sflag:s16] =	ssyncset.done $0x0  }
0xb5: {  	s0 =	sadd.s32 $0x0, s14;
	[sflag:s16] =	ssyncadd.s32 $0xFFFFF600  }
0xb6: {  	[hbm4b:s0+s2] =	stream.linear.scatter [tilespmem:s15], [sflag:$0x5], $0xA00, $0x38;
	[tilespmem:$0xFB00] =	vst v63  }
0xb7: {  	_ =	swait.ge [sflag:s16], $0xA00  }
0xb8: {  	s29 =	smov.u32 s12;
	s0 =	simm.s32 $0x140;
	[sflag:s16] =	ssyncset.done $0x0  }
.LBB2_17:
0xb9: {  	p1 =	seq.s32 s0, $0x17C0;
	[sflag:s16] =	ssyncadd.s32 $0xFFFFF600;
	s29 =	sadd.s32 $0xA00, s29  }
0xba: {  	[tilespmem:s15], [sflag:$0x5] =	stream.linear.gather [spmem:s29], $0xA00, $0x38;
	[tilespmem:$0xFB00] =	vst v63  }
0xbb: {  	s10 =	smov.u32 s0;
	s0 =	sadd.s32 $0x140, s0;
	_ =	swait.ge [sflag:s16], $0xA00  }
.Ltmp23:
0xbc: {  	[sflag:s16] =	ssyncset.done $0x0;
	(pc) =	sbr.rel @!p1 .LBB2_17-.Ltmp23, $4  }
0xbd: {  	s10 =	sadd.s32 s10, s14;
	[sflag:s16] =	ssyncadd.s32 $0xFFFFF600  }
0xbe: {  	[hbm4b:s10+s2] =	stream.linear.scatter [tilespmem:s15], [sflag:$0x5], $0xA00, $0x38;
	[tilespmem:$0xFB00] =	vst v63  }
0xbf: {  	_ =	swait.ge [sflag:s16], $0xA00  }
0xc0: {  	[sflag:s16] =	ssyncset.done $0x0  }
.Ltmp24:
0xc1: {  	(pc) =	sbr.rel .LBB2_34-.Ltmp24, $2  }
0xc2: {  	_ =	sdelay $0x2  }
0xc3: {  	[sflag:s16] =	ssyncadd.s32 $0xFFFFF600  }
.LBB2_31:
0xc4: {  	[bflag:$0x0] =	sbarrier.arrive $0xFFFF  }
0xc5: {  	[tilespmem:s15], [sflag:$0x5] =	stream.linear.gather [spmem:s12], $0xA00, $0x38;
	[tilespmem:$0xFB00] =	vst v63  }
0xc6: {  	_ =	swait.ge [sflag:s16], $0xA00  }
0xc7: {  	[sflag:s16] =	ssyncset.done $0x0  }
0xc8: {  	s0 =	sadd.s32 $0x0, s13;
	[sflag:s16] =	ssyncadd.s32 $0xFFFFF600  }
0xc9: {  	[hbm4b:s0+s2] =	stream.linear.scatter [tilespmem:s15], [sflag:$0x5], $0xA00, $0x38;
	[tilespmem:$0xFB00] =	vst v63  }
0xca: {  	_ =	swait.ge [sflag:s16], $0xA00  }
0xcb: {  	s29 =	smov.u32 s12;
	s0 =	simm.s32 $0x140;
	[sflag:s16] =	ssyncset.done $0x0  }
.LBB2_32:
0xcc: {  	p1 =	sne.s32 s0, $0x17C0;
	[sflag:s16] =	ssyncadd.s32 $0xFFFFF600;
	s29 =	sadd.s32 $0xA00, s29  }
0xcd: {  	[tilespmem:s15], [sflag:$0x5] =	stream.linear.gather [spmem:s29], $0xA00, $0x38;
	[tilespmem:$0xFB00] =	vst v63  }
0xce: {  	s10 =	smov.u32 s0;
	s0 =	sadd.s32 $0x140, s0;
	_ =	swait.ge [sflag:s16], $0xA00  }
.Ltmp25:
0xcf: {  	[sflag:s16] =	ssyncset.done $0x0;
	(pc) =	sbr.rel @p1 .LBB2_32-.Ltmp25, $4  }
0xd0: {  	s10 =	sadd.s32 s10, s13;
	[sflag:s16] =	ssyncadd.s32 $0xFFFFF600  }
0xd1: {  	[hbm4b:s10+s2] =	stream.linear.scatter [tilespmem:s15], [sflag:$0x5], $0xA00, $0x38;
	[tilespmem:$0xFB00] =	vst v63  }
0xd2: {  	_ =	swait.ge [sflag:s16], $0xA00  }
0xd3: {  	[sflag:s16] =	ssyncset.done $0x0  }
.Ltmp26:
0xd4: {  	_ = 	snop;
	(pc) =	sbr.rel .LBB2_33-.Ltmp26, $1  }
0xd5: {  	_ =	sdelay $0x3  }
.LBB2_35:
0xd6: {  	_ =	sfence.sel $0x180000  }
0xd7: {  	[bflag:$0x0] =	sbarrier.arrive $0xFFFF  }
0xd8: {  	_ =	strace $0x9000004A  }
0xd9: {  	[bflag:$0x2] =	sbarrier.arrive $0xFFFF  }
0xda: {  	p0 =	sne.s32 s3, $0x0;
	s0 =	rddreg [dreg:$0x2]  }
0xdb: {  	s0 =	sadd.s32 @!p0 $0x100000, s0  }
0xdc: {  	[sflag:s0] =	ssyncadd.tile.s32 @!p0 $0x1;
	_ =	shalt  }
.Lfunc_end2:
_tile_overlayer_lowered:
.L_overlay_start_2:
0xdd: {  	(tag) =	ssettag $0x2  }
0xde: {  	s0 =	rddreg [dreg:$0x0];
	s2 =	stileid.u32  }
0xdf: {  	s1 =	rddreg [dreg:$0x1];
	p0 =	sne.s32 s2, $0x0  }
0xe0: {  	s3 =	rddreg [dreg:$0x2];
	[bflag:$0x3] =	sbarrier.arrive $0xFFFF;
	s2 =	simm.s32 @!p0 $0x1C05  }
0xe1: {  	[timem:s3], [sflag:s2] =	dma.local @!p0 [hbm:s0], s1  }
0xe2: {  	s0 =	simm.s32 @!p0 $0x5  }
0xe3: {  	_ =	swait.ge @!p0 [sflag:s0], s1  }
0xe4: {  	s1 =	ssub.s32 @!p0 $0x0, s1;
	[sflag:s0] =	ssyncset.done @!p0 $0x0  }
0xe5: {  	[sflag:s0] =	ssyncadd.s32 @!p0 s1  }
0xe6: {  	[bflag:$0x3] =	sbarrier.arrive $0xFFFF  }
0xe7: {  	_ =	shalt  }

// kernel: kernel.15.cloned.1.call-start
scs
__scs_entry_jumppad:
0x0: {  	(pc) =	sbr.rel $0x88, $3  }
0x1: {  	(tag) =	ssettag $0x0;
	lr =	simm.s32 $0x1  }
0x2: {  	[smem:$0x3F91] =	sst lr;
	_ =	strace $0xD0000000  }
0x3: {  	_ = 	snop  }
0x4: {  	_ = 	snop  }
0x5: {  	_ = 	snop  }
0x6: {  	_ = 	snop  }
0x7: {  	_ = 	snop  }
__scs_overlays_trampoline_lowered:
0x8: {  	[smem:$0x3FA0] =	sst s0  }
0x9: {  	[smem:$0x3FA1] =	sst s1  }
0xa: {  	[smem:$0x3FA2] =	sst s2  }
0xb: {  	[smem:$0x3FA3] =	sst s3  }
0xc: {  	[smem:$0x3FA4] =	sst s4  }
0xd: {  	[smem:$0x3FA5] =	sst s5  }
0xe: {  	[smem:$0x3FA6] =	sst s6  }
0xf: {  	[smem:$0x3FA7] =	sst s7  }
0x10: {  	[smem:$0x3FA8] =	sst s8  }
0x11: {  	[smem:$0x3FA9] =	sst s9;
	s0 =	simm.s32 @!p0 $0x0  }
0x12: {  	s1 =	sld [smem:$0x3F8F];
	s0 =	simm.s32 @p0 $0x1  }
0x13: {  	[smem:$0x3FAA] =	sst s0;
	s0 =	simm.s32 @!p1 $0x0  }
0x14: {  	s2 =	sld [smem:$0x3F8E];
	s0 =	simm.s32 @p1 $0x1  }
0x15: {  	[smem:$0x3FAB] =	sst s0;
	s0 =	simm.s32 @!p2 $0x0  }
0x16: {  	s3 =	sld [smem:$0x3FDB];
	s0 =	simm.s32 @p2 $0x1  }
0x17: {  	s4 =	simm.s32 $0x1BF5;
	[smem:$0x3FAD] =	sst s0  }
0x18: {  	s0 =	sld [smem:$0x3F90];
	_ =	swait.ge [sflag:s4], $0x0  }
0x19: {  	s7 =	sld [smem:$0x3F91]  }
0x1a: {  	s8 =	sadd.s32 $0xFFFFE003, lr  }
0x1b: {  	s9 =	sadd.s32 $0xFFFFFEF7, lr;
	s5 =	simm.s32 $0xFFFFFFFF;
	p2 =	slt.u32 s8, $0xFFFFF086  }
0x1c: {  	p1 =	slt.u32 s9, $0xF7A;
	s5 =	simm.s32 @!p2 $0x0  }
0x1d: {  	s5 =	simm.s32 @p1 $0x1;
	p0 =	seq.s32 s7, s2  }
0x1e: {  	s7 =	smul.u32 @!p0 $0xF7A, s2;
	p2 =	seq.s32 @!p0 s5, $0x0  }
0x1f: {  	s9 =	smul.u32 $0xF7A, s1;
	s8 =	simm.s32 @!p0 $0x1BF5;
	p2 =	por !p2, p0  }
0x20: {  	[sflag:s8] =	ssyncset.s32 @!p0 $0xFFFFF086;
	s6 =	sadd.s32 @!p0 s3, s7;
	s7 =	simm.s32 @!p0 $0x108  }
0x21: {  	s3 =	sadd.s32 s3, s9;
	s6 =	sadd.s32 @!p0 $0x88, s6;
	s7 =	simm.s32 @p2 $0x1082  }
0x22: {  	[simem:s7], [sflag:s8] =	dma.local @!p0 [hbm:s6], $0xF7A  }
0x23: {  	s9 =	sor.u32 $0xD0000000, s2;
	s6 =	simm.s32 $0x108;
	_ =	swait.ge @!p0 [sflag:s8], $0x0  }
0x24: {  	s3 =	sadd.s32 $0x88, s3;
	s6 =	simm.s32 @!p1 $0x1082;
	[sflag:s4] =	ssyncset.s32 $0xFFFFF086  }
0x25: {  	[simem:s6], [sflag:s4] =	dma.local [hbm:s3], $0xF7A  }
0x26: {  	[smem:$0x3F91] =	sst s1;
	(tag) =	ssettag s2;
	_ =	strace s9  }
0x27: {  	s1 =	sld [smem:$0x3FA1]  }
0x28: {  	s2 =	sld [smem:$0x3FA2]  }
0x29: {  	s4 =	sld [smem:$0x3FA4]  }
0x2a: {  	p0 =	seq.s32 s5, $0x0;
	s5 =	sld [smem:$0x3FA5]  }
0x2b: {  	s6 =	sld [smem:$0x3FA6]  }
0x2c: {  	s7 =	sld [smem:$0x3FA7]  }
0x2d: {  	s3 =	simm.s32 $0x108;
	s8 =	sld [smem:$0x3FA8]  }
0x2e: {  	s3 =	simm.s32 @!p0 $0x1082;
	s9 =	sld [smem:$0x3FA9]  }
0x2f: {  	lr =	sadd.s32 s0, s3;
	s0 =	sld [smem:$0x3FA0]  }
0x30: {  	s3 =	sld [smem:$0x3FA3]  }
0x31: {  	[smem:$0x3FAC] =	sst s10  }
0x32: {  	s10 =	sld [smem:$0x3FAA];
	_ =	sdelay $0x3  }
0x33: {  	p0 =	seq.s32 s10, $0x1;
	s10 =	sld [smem:$0x3FAC];
	_ =	sdelay $0x3  }
0x34: {  	[smem:$0x3FAC] =	sst s10  }
0x35: {  	s10 =	sld [smem:$0x3FAB];
	_ =	sdelay $0x3  }
0x36: {  	p1 =	seq.s32 s10, $0x1;
	s10 =	sld [smem:$0x3FAC];
	_ =	sdelay $0x3  }
0x37: {  	[smem:$0x3FAC] =	sst s10  }
0x38: {  	s10 =	sld [smem:$0x3FAD]  }
0x39: {  	_ = 	snop;
	(pc) =	sbr.ind lr, $3  }
0x3a: {  	_ = 	snop  }
0x3b: {  	_ = 	snop  }
0x3c: {  	p2 =	seq.s32 s10, $0x1;
	s10 =	sld [smem:$0x3FAC]  }
0x3d: {  	_ =	shalt  }
0x3e: {  	_ =	shalt  }
0x3f: {  	_ =	shalt  }
0x40: {  	_ =	shalt  }
0x41: {  	_ =	shalt  }
0x42: {  	_ =	shalt  }
0x43: {  	_ =	shalt  }
0x44: {  	_ =	shalt  }
0x45: {  	_ =	shalt  }
0x46: {  	_ =	shalt  }
0x47: {  	_ =	shalt  }
0x48: {  	_ =	shalt  }
0x49: {  	_ =	shalt  }
0x4a: {  	_ =	shalt  }
0x4b: {  	_ =	shalt  }
0x4c: {  	_ =	shalt  }
0x4d: {  	_ =	shalt  }
0x4e: {  	_ =	shalt  }
0x4f: {  	_ =	shalt  }
0x50: {  	_ =	shalt  }
0x51: {  	_ =	shalt  }
0x52: {  	_ =	shalt  }
0x53: {  	_ =	shalt  }
0x54: {  	_ =	shalt  }
0x55: {  	_ =	shalt  }
0x56: {  	_ =	shalt  }
0x57: {  	_ =	shalt  }
0x58: {  	_ =	shalt  }
0x59: {  	_ =	shalt  }
0x5a: {  	_ =	shalt  }
0x5b: {  	_ =	shalt  }
0x5c: {  	_ =	shalt  }
0x5d: {  	_ =	shalt  }
0x5e: {  	_ =	shalt  }
0x5f: {  	_ =	shalt  }
0x60: {  	_ =	shalt  }
0x61: {  	_ =	shalt  }
0x62: {  	_ =	shalt  }
0x63: {  	_ =	shalt  }
0x64: {  	_ =	shalt  }
0x65: {  	_ =	shalt  }
0x66: {  	_ =	shalt  }
0x67: {  	_ =	shalt  }
0x68: {  	_ =	shalt  }
0x69: {  	_ =	shalt  }
0x6a: {  	_ =	shalt  }
0x6b: {  	_ =	shalt  }
0x6c: {  	_ =	shalt  }
0x6d: {  	_ =	shalt  }
0x6e: {  	_ =	shalt  }
0x6f: {  	_ =	shalt  }
0x70: {  	_ =	shalt  }
0x71: {  	_ =	shalt  }
0x72: {  	_ =	shalt  }
0x73: {  	_ =	shalt  }
0x74: {  	_ =	shalt  }
0x75: {  	_ =	shalt  }
0x76: {  	_ =	shalt  }
0x77: {  	_ =	shalt  }
0x78: {  	_ =	shalt  }
0x79: {  	_ =	shalt  }
0x7a: {  	_ =	shalt  }
0x7b: {  	_ =	shalt  }
0x7c: {  	_ =	shalt  }
0x7d: {  	_ =	shalt  }
0x7e: {  	_ =	shalt  }
0x7f: {  	_ =	shalt  }
0x80: {  	_ =	shalt  }
0x81: {  	_ =	shalt  }
0x82: {  	_ =	shalt  }
0x83: {  	_ =	shalt  }
0x84: {  	_ =	shalt  }
0x85: {  	_ =	shalt  }
0x86: {  	_ =	shalt  }
0x87: {  	_ =	shalt  }
.Lfunc_end0:
.L_simem_size_0:
called_computation.2_lowered:
.L_overlay_start_0:
0x88: {  	s2 =	sld [smem:$0x3FD9]  }
0x89: {  	s3 =	sld [smem:$0x3FFE];
	_ =	sdelay $0x1  }
0x8a: {  	s1 =	srdreg.scid  }
0x8b: {  	s0 =	sand.u32 $0x1, s1  }
0x8c: {  	s16 =	sshll.u32 s0, $0xA;
	s2 =	sadd.s32 s3, s2  }
0x8d: {  	s2 =	sadd.s32 s2, s16  }
0x8e: {  	[smem:$0x3FB8] =	sst s2  }
0x8f: {  	_ = 	snop  }
0x90: {  	(tm) =	ssettm $0x1  }
0x91: {  	s17 =	sld [smem:$0x3FFB];
	_ =	sdelay $0x3  }
0x92: {  	_ =	strace s17  }
0x93: {  	s2 =	sld [smem:$0x3FFC];
	_ =	sdelay $0x3  }
0x94: {  	_ =	strace s2  }
0x95: {  	s2 =	sld [smem:$0x3FFD];
	_ =	sdelay $0x3  }
0x96: {  	_ =	strace s2  }
0x97: {  	_ =	strace $0x8FFFFFFF  }
0x98: {  	s18 =	sld [smem:$0x3FDB];
	_ =	sdelay $0x1  }
0x99: {  	s19 =	simm.s32 $_scs_section_size  }
0x9a: {  	s4 =	simm.s32 $_size__tile_overlayer_lowered;
	s5 =	simm.s32 $_tile_overlayer_lowered  }
0x9b: {  	s22 =	simm.s32 $0x1BFF;
	s21 =	sshll.u32 s5, $0x1;
	s2 =	sadd.s32 s19, s18  }
0x9c: {  	s6 =	simm.s32 $0x0;
	s20 =	sshll.u32 s4, $0x1;
	s4 =	sadd.s32 s21, s2  }
0x9d: {  	[timem:s6], [sflag:s22] =	dma.local [hbm:s4], s20  }
0x9e: {  	_ =	swait.ge [sflag:s22], s20  }
0x9f: {  	s3 =	ssub.s32 $0x0, s20;
	[sflag:s22] =	ssyncset.done $0x0  }
0xa0: {  	[sflag:s22] =	ssyncadd.s32 s3;
	_ =	sdelay $0x1  }
0xa1: {  	s23 =	simm.s32 $0x1B8B  }
0xa2: {  	_ =	swait.ge [sflag:s23], $0x1  }
0xa3: {  	[sflag:s23] =	ssyncset.done $0x0  }
0xa4: {  	s25 =	simm.s32 $0x1B8E;
	s24 =	sld [smem:$0x3FFE];
	[sflag:s23] =	ssyncadd.s32 $0xFFFFFFFF  }
0xa5: {  	s26 =	simm.s32 $execute0_lowered;
	[smem:$0x3FD2] =	sst s25  }
0xa6: {  	s4 =	sshll.u32 s26, $0x1;
	_ =	strace $0x8000004C;
	[dreg:$0x1] =	wrdreg $0xFFFFFFFF  }
0xa7: {  	s28 =	simm.s32 $_size_execute0_lowered;
	s2 =	sadd.s32 s2, s4;
	[dreg:$0x0] =	wrdreg $0x0  }
0xa8: {  	s4 =	sshll.u32 s28, $0x1;
	[dreg:$0x2] =	wrdreg s2  }
0xa9: {  	[dreg:$0x3] =	wrdreg s4  }
0xaa: {  	[dreg:$0x4] =	wrdreg $0xC0  }
0xab: {  	_ =	task [dreg:s6], $0x5FFFF  }
0xac: {  	[dreg:$0x1] =	wrdreg $0xFFFFFFFF  }
0xad: {  	[dreg:$0x0] =	wrdreg $0x60  }
0xae: {  	[dreg:$0x2] =	wrdreg s24  }
0xaf: {  	[dreg:$0x3] =	wrdreg $0x0  }
0xb0: {  	[dreg:$0x4] =	wrdreg $0x9  }
0xb1: {  	_ =	task.clear_ibuf [dreg:s6], $0x5FFFF;
	_ =	strace $0x9000004C  }
0xb2: {  	s29 =	simm.s32 $0x9;
	_ =	strace $0x8000004E  }
0xb3: {  	_ =	swait.ge [sflag:s29], $0x1  }
0xb4: {  	[sflag:s29] =	ssyncadd.s32 $0xFFFFFFFF  }
0xb5: {  	_ =	strace $0x9000004E  }
0xb6: {  	_ =	sfence  }
0xb7: {  	s30 =	sld [smem:$0x0];
	_ =	sdelay $0x2  }
0xb8: {  	s31 =	sshll.u32 s1, $0xD;
	s1 =	sshrl.u32 s1, $0x2  }
0xb9: {  	s3 =	sand.u32 $0x4000, s31;
	s1 =	sadd.s32 s1, s30  }
0xba: {  	s0 =	sor.u32 s3, s0;
	s1 =	sshll.u32 s1, $0x11  }
0xbb: {  	s0 =	sor.u32 s1, s0  }
0xbc: {  	s0 =	sadd.s32 $0x8F2B, s0  }
0xbd: {  	[sflag:s0] =	ssyncadd.remote.s32 $0x1  }
0xbe: {  	_ =	sfence.sel $0xFFFF  }
0xbf: {  	[dreg:$0x0] =	wrdreg $0xFFFFFFFF;
	(pc) =	sbr.abs _section_cstart, $3  }
0xc0: {  	[dreg:$0x1] =	wrdreg $0xFFFFFFFF  }
0xc1: {  	_ =	task.clear_ibuf [dreg:s6], $0x2FFFF;
	_ =	strace $0x9FFFFFFF  }
0xc2: {  	(tm) =	ssettm $0x7FFFFFFF  }
0xc3: {  	_ =	shalt  }
tec
execute0_lowered:
.L_overlay_start_1:
0x0: {  	(tag) =	ssettag $0x1  }
0x1: {  	s8 =	rddreg [dreg:$0x0]  }
0x2: {  	s1 =	rddreg [dreg:$0x1]  }
0x3: {  	s0 =	rddreg [dreg:$0x2];
	s3 =	simm.s32 $0x0  }
0x4: {  	s2 =	stileid.u32;
	s6 =	srdreg.scid;
	s14 =	simm.s32 $0x5  }
0x5: {  	s15 =	simm.s32 $0xC800;
	s16 =	simm.s32 $0xD480;
	s17 =	simm.s32 $0x80  }
0x6: {  	s18 =	simm.s32 $0xE100;
	s19 =	simm.s32 $0x3;
	s20 =	simm.s32 $0x2  }
0x7: {  	s21 =	simm.s32 $0xE900;
	s22 =	simm.s32 $0x1;
	s23 =	simm.s32 $0xE080  }
0x8: {  	s24 =	simm.s32 $0x4;
	s25 =	simm.s32 $0x0;
	[smem:$0x7FF] =	sst s3  }
0x9: {  	s4 =	sadd.s32 $0x33C00, s8;
	s5 =	sadd.s32 $0x2C00, s8;
	s9 =	smul.u32 $0x1900, s2  }
0xa: {  	s10 =	sand.u32 $0x1, s6;
	s6 =	sadd.s32 $0x1B400, s8;
	s12 =	smul.u32 $0x32000, s2  }
.Ltmp0:
0xb: {  	s7 =	sadd.s32 $0x6B600, s8;
	_ =	strace $0x8000004D;
	(pc) =	sbr.rel .LBB2_1-.Ltmp0, $4  }
0xc: {  	s11 =	ssub.s32 $0x2, s10;
	p0 =	seq.s32 s10, $0x1;
	s13 =	sadd.s32 s9, s8  }
0xd: {  	s29 =	sshrl.u32 s11, $0x1;
	s8 =	sshll.u32 s10, $0x4;
	s31 =	sshrl.u32 s12, $0x2  }
0xe: {  	s30 =	ssub.s32 s11, s29;
	s10 =	sadd.s32 s31, s1;
	s11 =	sadd.s32 $0x6B800, s13  }
0xf: {  	s12 =	sadd.s32 $0x4CC00, s13;
	s13 =	simm.s32 $0xF100;
	s9 =	smax.u32 s30, $0x1  }
.LBB2_19:
0x10: {  	[sflag:s14] =	ssyncadd.s32 $0xFFFFF600  }
.LBB2_23:
0x11: {  	s25 =	sadd.s32 $0x1, s25  }
0x12: {  	p1 =	sne.s32 s25, s9  }
.Ltmp1:
0x13: {  	_ = 	snop;
	(pc) =	sbr.rel @!p1 .LBB2_24-.Ltmp1, $1  }
0x14: {  	_ =	sdelay $0x3  }
.LBB2_1:
0x15: {  	[tilespmem:s13], [sflag:$0x5] =	stream.linear.gather [hbm4b:s7+s3], $0xA00, $0x38;
	[tilespmem:$0xFB00] =	vst v63  }
0x16: {  	_ =	swait.ge [sflag:s14], $0xA00  }
0x17: {  	[sflag:s14] =	ssyncset.done $0x0  }
0x18: {  	s26 =	sadd.s32 $0x0, s10;
	[sflag:s14] =	ssyncadd.s32 $0xFFFFF600  }
0x19: {  	[spmem:s26] =	stream.linear.scatter [tilespmem:s13], [sflag:$0x5], $0xA00, $0x38;
	[tilespmem:$0xFB00] =	vst v63  }
0x1a: {  	s26 =	simm.s32 $0x2800;
	_ =	swait.ge [sflag:s14], $0xA00  }
.LBB2_2:
0x1b: {  	s28 =	sshra.s32 s26, $0x2;
	[sflag:s14] =	ssyncset.done $0x0;
	p1 =	sne.s32 s26, $0x2F800  }
.Ltmp2:
0x1c: {  	s28 =	sadd.s32 s28, s10;
	[sflag:s14] =	ssyncadd.s32 $0xFFFFF600;
	(pc) =	sbr.rel @p1 .LBB2_2-.Ltmp2, $3  }
0x1d: {  	[spmem:s28] =	stream.linear.scatter [tilespmem:s13], [sflag:$0x5], $0xA00, $0x38;
	[tilespmem:$0xFB00] =	vst v63  }
0x1e: {  	s26 =	sadd.s32 $0x2800, s26;
	_ =	sdelay $0x1  }
0x1f: {  	_ =	swait.ge [sflag:s14], $0xA00  }
.Ltmp3:
0x20: {  	(pc) =	sbr.rel .LBB2_4-.Ltmp3, $4  }
0x21: {  	[sflag:s14] =	ssyncset.done $0x0  }
0x22: {  	[sflag:s14] =	ssyncadd.s32 $0xFFFFF600  }
0x23: {  	[bflag:$0x0] =	sbarrier.arrive $0xFFFF  }
0x24: {  	s26 =	simm.s32 $0x0  }
.LBB2_14:
0x25: {  	_ =	swait.ge [sflag:s22], $0x800  }
0x26: {  	[sflag:s22] =	ssyncset.done $0x0  }
0x27: {  	[sflag:s22] =	ssyncadd.s32 $0xFFFFF800  }
0x28: {  	[spmem:s1] =	stream.indirect.scatter.add.bf16 [tilespmem:s18], [sflag:$0x3], $0x10, s23, s17, $0xb8;
	[tilespmem:$0xFB00] =	vst v63  }
0x29: {  	_ =	swait.ge [sflag:s19], $0x800  }
0x2a: {  	[sflag:s19] =	ssyncset.done $0x0  }
0x2b: {  	[sflag:s19] =	ssyncadd.s32 $0xFFFFF800  }
0x2c: {  	_ =	swait.ge [sflag:s24], $0x800  }
0x2d: {  	[sflag:s24] =	ssyncset.done $0x0  }
0x2e: {  	[sflag:s24] =	ssyncadd.s32 $0xFFFFF800  }
.LBB2_15:
0x2f: {  	s26 =	sadd.s32 $0x1, s26  }
0x30: {  	p1 =	sne.s32 s26, $0x8  }
.Ltmp4:
0x31: {  	_ = 	snop;
	(pc) =	sbr.rel @!p1 .LBB2_16-.Ltmp4, $1  }
0x32: {  	_ =	sdelay $0x3  }
.LBB2_4:
0x33: {  	s28 =	sshll.u32 s26, $0x5  }
0x34: {  	s28 =	sor.u32 s28, s8  }
0x35: {  	s28 =	sor.u32 s2, s28  }
0x36: {  	p1 =	sgt.u32 s28, $0xF9  }
.Ltmp5:
0x37: {  	_ = 	snop;
	(pc) =	sbr.rel @p1 .LBB2_15-.Ltmp5, $1  }
0x38: {  	_ =	sdelay $0x3  }
0x39: {  	s29 =	smul.u32 $0x190, s28;
	_ =	sdelay $0x1  }
0x3a: {  	s28 =	simm.s32 $0x0;
	s30 =	sadd.s32 s5, s29  }
0x3b: {  	[tilespmem:s15], [sflag:$0x5] =	stream.linear.gather [hbm4b:s30+s28], $0xC80, $0x38;
	[tilespmem:$0xFB00] =	vst v63  }
0x3c: {  	_ =	swait.ge [sflag:s14], $0xC80  }
0x3d: {  	[sflag:s14] =	ssyncset.done $0x0  }
0x3e: {  	s29 =	sadd.s32 s6, s29;
	[sflag:s14] =	ssyncadd.s32 $0xFFFFF380  }
0x3f: {  	[tilespmem:s16], [sflag:$0x5] =	stream.linear.gather [hbm4b:s29+s28], $0xC80, $0x38;
	[tilespmem:$0xFB00] =	vst v63  }
.Ltmp6:
0x40: {  	_ = 	snop;
	(pc) =	sbr.rel .LBB2_6-.Ltmp6, $4  }
0x41: {  	_ =	swait.ge [sflag:s14], $0xC80  }
0x42: {  	[sflag:s14] =	ssyncset.done $0x0  }
0x43: {  	s29 =	simm.s32 $0x0;
	[sflag:s14] =	ssyncadd.s32 $0xFFFFF380  }
0x44: {  	[tilespmem:s18], [sflag:$0x1] =	stream.indirect.gather [hbm4b:s4+s17], $0x10, s15, s17, $0xb8;
	[tilespmem:$0xFB00] =	vst v63  }
.LBB2_12:
0x45: {  	_ =	swait.ge [sflag:s19], $0x800  }
0x46: {  	s30 =	sshra.s32 s28, $0x2;
	[sflag:s19] =	ssyncset.done $0x0  }
0x47: {  	s31 =	sadd.s32 $0xC880, s30;
	[sflag:s19] =	ssyncadd.s32 $0xFFFFF800  }
0x48: {  	[tilespmem:s18], [sflag:$0x1] =	stream.indirect.gather [hbm4b:s4+s17], $0x10, s31, s17, $0xb8;
	[tilespmem:$0xFB00] =	vst v63  }
0x49: {  	_ =	swait.ge [sflag:s20], $0x800  }
0x4a: {  	[sflag:s20] =	ssyncset.done $0x0  }
0x4b: {  	s30 =	sadd.s32 $0xD480, s30;
	[sflag:s20] =	ssyncadd.s32 $0xFFFFF800  }
0x4c: {  	[spmem:s1] =	stream.indirect.scatter.add.bf16 [tilespmem:s21], [sflag:$0x4], $0x10, s30, s17, $0xb8;
	[tilespmem:$0xFB00] =	vst v63  }
.LBB2_13:
0x4d: {  	s29 =	sadd.s32 $0x1, s29  }
0x4e: {  	p1 =	sne.s32 s29, $0x18  }
.Ltmp7:
0x4f: {  	_ = 	snop;
	(pc) =	sbr.rel @!p1 .LBB2_14-.Ltmp7, $2  }
0x50: {  	_ =	sdelay $0x2  }
0x51: {  	s28 =	sadd.s32 $0x200, s28  }
.LBB2_6:
0x52: {  	s30 =	sand.u32 $0x1, s29  }
0x53: {  	p1 =	seq.s32 s30, $0x1  }
.Ltmp8:
0x54: {  	_ = 	snop;
	(pc) =	sbr.rel @p1 .LBB2_12-.Ltmp8, $1  }
0x55: {  	_ =	sdelay $0x3  }
0x56: {  	p1 =	seq.s32 s29, $0x0  }
.Ltmp9:
0x57: {  	_ = 	snop;
	(pc) =	sbr.rel @p1 .LBB2_10-.Ltmp9, $1  }
0x58: {  	_ =	sdelay $0x3  }
0x59: {  	p1 =	seq.s32 s29, $0x18  }
.Ltmp10:
0x5a: {  	_ = 	snop;
	(pc) =	sbr.rel @p1 .LBB2_11-.Ltmp10, $2  }
0x5b: {  	_ =	sdelay $0x2  }
0x5c: {  	s31 =	simm.s32 $0x3000  }
0x5d: {  	_ =	swait.ge [sflag:s24], $0x800  }
0x5e: {  	[sflag:s24] =	ssyncset.done $0x0  }
0x5f: {  	[sflag:s24] =	ssyncadd.s32 $0xFFFFF800  }
.LBB2_10:
0x60: {  	s31 =	sshra.s32 s28, $0x2  }
0x61: {  	s31 =	sadd.s32 $0xC880, s31  }
0x62: {  	[tilespmem:s21], [sflag:$0x2] =	stream.indirect.gather [hbm4b:s4+s17], $0x10, s31, s17, $0xb8;
	[tilespmem:$0xFB00] =	vst v63  }
0x63: {  	s31 =	smov.u32 s28  }
.LBB2_11:
0x64: {  	p1 =	seq.s32 s30, $0x0  }
.Ltmp11:
0x65: {  	_ = 	snop;
	(pc) =	sbr.rel @p1 .LBB2_13-.Ltmp11, $4  }
.Ltmp12:
0x66: {  	_ =	swait.ge [sflag:s22], $0x800;
	(pc) =	sbr.rel @!p1 .LBB2_12-.Ltmp12, $4  }
0x67: {  	s31 =	sshra.s32 s31, $0x2;
	[sflag:s22] =	ssyncset.done $0x0  }
0x68: {  	s31 =	sadd.s32 $0xD480, s31;
	[sflag:s22] =	ssyncadd.s32 $0xFFFFF800  }
0x69: {  	[spmem:s1] =	stream.indirect.scatter.add.bf16 [tilespmem:s18], [sflag:$0x3], $0x10, s31, s17, $0xb8;
	[tilespmem:$0xFB00] =	vst v63  }
0x6a: {  	_ = 	snop  }
.LBB2_16:
.Ltmp13:
0x6b: {  	(pc) =	sbr.rel @!p0 .LBB2_17-.Ltmp13, $2  }
0x6c: {  	_ =	sdelay $0x1  }
0x6d: {  	[bflag:$0x0] =	sbarrier.arrive $0xFFFF;
	_ =	sdelay $0x1  }
0x6e: {  	[tilespmem:s13], [sflag:$0x5] =	stream.linear.gather [spmem:s10], $0xA00, $0x38;
	[tilespmem:$0xFB00] =	vst v63  }
0x6f: {  	_ =	swait.ge [sflag:s14], $0xA00  }
0x70: {  	[sflag:s14] =	ssyncset.done $0x0  }
0x71: {  	s26 =	sadd.s32 $0x0, s12;
	[sflag:s14] =	ssyncadd.s32 $0xFFFFF600  }
0x72: {  	[hbm4b:s26+s3] =	stream.linear.scatter [tilespmem:s13], [sflag:$0x5], $0xA00, $0x38;
	[tilespmem:$0xFB00] =	vst v63  }
0x73: {  	_ =	swait.ge [sflag:s14], $0xA00  }
0x74: {  	s28 =	smov.u32 s10;
	s26 =	simm.s32 $0x140;
	[sflag:s14] =	ssyncset.done $0x0  }
.LBB2_21:
0x75: {  	p1 =	sne.s32 s26, $0x17C0;
	[sflag:s14] =	ssyncadd.s32 $0xFFFFF600;
	s28 =	sadd.s32 $0xA00, s28  }
0x76: {  	[tilespmem:s13], [sflag:$0x5] =	stream.linear.gather [spmem:s28], $0xA00, $0x38;
	[tilespmem:$0xFB00] =	vst v63  }
0x77: {  	s29 =	smov.u32 s26;
	s26 =	sadd.s32 $0x140, s26;
	_ =	swait.ge [sflag:s14], $0xA00  }
.Ltmp14:
0x78: {  	[sflag:s14] =	ssyncset.done $0x0;
	(pc) =	sbr.rel @p1 .LBB2_21-.Ltmp14, $4  }
0x79: {  	s29 =	sadd.s32 s29, s12;
	[sflag:s14] =	ssyncadd.s32 $0xFFFFF600  }
0x7a: {  	[hbm4b:s29+s3] =	stream.linear.scatter [tilespmem:s13], [sflag:$0x5], $0xA00, $0x38;
	[tilespmem:$0xFB00] =	vst v63  }
0x7b: {  	_ =	swait.ge [sflag:s14], $0xA00  }
0x7c: {  	[sflag:s14] =	ssyncset.done $0x0  }
.Ltmp15:
0x7d: {  	(pc) =	sbr.rel .LBB2_23-.Ltmp15, $2  }
0x7e: {  	_ =	sdelay $0x2  }
0x7f: {  	[sflag:s14] =	ssyncadd.s32 $0xFFFFF600  }
.LBB2_17:
0x80: {  	[tilespmem:s13], [sflag:$0x5] =	stream.linear.gather [spmem:s10], $0xA00, $0x38;
	[tilespmem:$0xFB00] =	vst v63  }
0x81: {  	_ =	swait.ge [sflag:s14], $0xA00  }
0x82: {  	[sflag:s14] =	ssyncset.done $0x0  }
0x83: {  	s26 =	sadd.s32 $0x0, s11;
	[sflag:s14] =	ssyncadd.s32 $0xFFFFF600  }
0x84: {  	[hbm4b:s26+s3] =	stream.linear.scatter [tilespmem:s13], [sflag:$0x5], $0xA00, $0x38;
	[tilespmem:$0xFB00] =	vst v63  }
0x85: {  	_ =	swait.ge [sflag:s14], $0xA00  }
0x86: {  	s28 =	smov.u32 s10;
	s26 =	simm.s32 $0x140;
	[sflag:s14] =	ssyncset.done $0x0  }
.LBB2_18:
0x87: {  	p1 =	seq.s32 s26, $0x17C0;
	[sflag:s14] =	ssyncadd.s32 $0xFFFFF600;
	s28 =	sadd.s32 $0xA00, s28  }
0x88: {  	[tilespmem:s13], [sflag:$0x5] =	stream.linear.gather [spmem:s28], $0xA00, $0x38;
	[tilespmem:$0xFB00] =	vst v63  }
0x89: {  	s29 =	smov.u32 s26;
	s26 =	sadd.s32 $0x140, s26;
	_ =	swait.ge [sflag:s14], $0xA00  }
.Ltmp16:
0x8a: {  	[sflag:s14] =	ssyncset.done $0x0;
	(pc) =	sbr.rel @!p1 .LBB2_18-.Ltmp16, $4  }
0x8b: {  	s29 =	sadd.s32 s29, s11;
	[sflag:s14] =	ssyncadd.s32 $0xFFFFF600  }
0x8c: {  	[hbm4b:s29+s3] =	stream.linear.scatter [tilespmem:s13], [sflag:$0x5], $0xA00, $0x38;
	[tilespmem:$0xFB00] =	vst v63  }
0x8d: {  	_ =	swait.ge [sflag:s14], $0xA00  }
0x8e: {  	[sflag:s14] =	ssyncset.done $0x0  }
.Ltmp17:
0x8f: {  	_ = 	snop;
	(pc) =	sbr.rel .LBB2_19-.Ltmp17, $1  }
0x90: {  	_ =	sdelay $0x3  }
.LBB2_24:
0x91: {  	_ =	sfence.sel $0x180000  }
0x92: {  	[bflag:$0x0] =	sbarrier.arrive $0xFFFF  }
0x93: {  	p0 =	sne.s32 s2, $0x0;
	_ =	strace $0x9000004D  }
0x94: {  	s0 =	sadd.s32 @!p0 $0x100000, s0;
	[bflag:$0x2] =	sbarrier.arrive $0xFFFF  }
0x95: {  	[sflag:s0] =	ssyncadd.tile.s32 @!p0 $0x1;
	_ =	shalt  }
.Lfunc_end2:
_tile_overlayer_lowered:
.L_overlay_start_2:
0x96: {  	(tag) =	ssettag $0x2  }
0x97: {  	s0 =	rddreg [dreg:$0x0];
	s2 =	stileid.u32  }
0x98: {  	s1 =	rddreg [dreg:$0x1];
	p0 =	sne.s32 s2, $0x0  }
0x99: {  	s3 =	rddreg [dreg:$0x2];
	[bflag:$0x3] =	sbarrier.arrive $0xFFFF;
	s2 =	simm.s32 @!p0 $0x1C05  }
0x9a: {  	[timem:s3], [sflag:s2] =	dma.local @!p0 [hbm:s0], s1  }
0x9b: {  	s0 =	simm.s32 @!p0 $0x5  }
0x9c: {  	_ =	swait.ge @!p0 [sflag:s0], s1  }
0x9d: {  	s1 =	ssub.s32 @!p0 $0x0, s1;
	[sflag:s0] =	ssyncset.done @!p0 $0x0  }
0x9e: {  	[sflag:s0] =	ssyncadd.s32 @!p0 s1  }
0x9f: {  	[bflag:$0x3] =	sbarrier.arrive $0xFFFF  }
0xa0: {  	_ =	shalt  }

// kernel: kernel.9.cloned.1.call-start
scs
__scs_entry_jumppad:
0x0: {  	(pc) =	sbr.rel $0x88, $3  }
0x1: {  	(tag) =	ssettag $0x0;
	lr =	simm.s32 $0x1  }
0x2: {  	[smem:$0x3F91] =	sst lr;
	_ =	strace $0xD0000000  }
0x3: {  	_ = 	snop  }
0x4: {  	_ = 	snop  }
0x5: {  	_ = 	snop  }
0x6: {  	_ = 	snop  }
0x7: {  	_ = 	snop  }
__scs_overlays_trampoline_lowered:
0x8: {  	[smem:$0x3FA0] =	sst s0  }
0x9: {  	[smem:$0x3FA1] =	sst s1  }
0xa: {  	[smem:$0x3FA2] =	sst s2  }
0xb: {  	[smem:$0x3FA3] =	sst s3  }
0xc: {  	[smem:$0x3FA4] =	sst s4  }
0xd: {  	[smem:$0x3FA5] =	sst s5  }
0xe: {  	[smem:$0x3FA6] =	sst s6  }
0xf: {  	[smem:$0x3FA7] =	sst s7  }
0x10: {  	[smem:$0x3FA8] =	sst s8  }
0x11: {  	[smem:$0x3FA9] =	sst s9;
	s0 =	simm.s32 @!p0 $0x0  }
0x12: {  	s1 =	sld [smem:$0x3F8F];
	s0 =	simm.s32 @p0 $0x1  }
0x13: {  	[smem:$0x3FAA] =	sst s0;
	s0 =	simm.s32 @!p1 $0x0  }
0x14: {  	s2 =	sld [smem:$0x3F8E];
	s0 =	simm.s32 @p1 $0x1  }
0x15: {  	[smem:$0x3FAB] =	sst s0;
	s0 =	simm.s32 @!p2 $0x0  }
0x16: {  	s3 =	sld [smem:$0x3FDB];
	s0 =	simm.s32 @p2 $0x1  }
0x17: {  	s4 =	simm.s32 $0x1BF5;
	[smem:$0x3FAD] =	sst s0  }
0x18: {  	s0 =	sld [smem:$0x3F90];
	_ =	swait.ge [sflag:s4], $0x0  }
0x19: {  	s7 =	sld [smem:$0x3F91]  }
0x1a: {  	s8 =	sadd.s32 $0xFFFFE003, lr  }
0x1b: {  	s9 =	sadd.s32 $0xFFFFFEF7, lr;
	s5 =	simm.s32 $0xFFFFFFFF;
	p2 =	slt.u32 s8, $0xFFFFF086  }
0x1c: {  	p1 =	slt.u32 s9, $0xF7A;
	s5 =	simm.s32 @!p2 $0x0  }
0x1d: {  	s5 =	simm.s32 @p1 $0x1;
	p0 =	seq.s32 s7, s2  }
0x1e: {  	s7 =	smul.u32 @!p0 $0xF7A, s2;
	p2 =	seq.s32 @!p0 s5, $0x0  }
0x1f: {  	s9 =	smul.u32 $0xF7A, s1;
	s8 =	simm.s32 @!p0 $0x1BF5;
	p2 =	por !p2, p0  }
0x20: {  	[sflag:s8] =	ssyncset.s32 @!p0 $0xFFFFF086;
	s6 =	sadd.s32 @!p0 s3, s7;
	s7 =	simm.s32 @!p0 $0x108  }
0x21: {  	s3 =	sadd.s32 s3, s9;
	s6 =	sadd.s32 @!p0 $0x88, s6;
	s7 =	simm.s32 @p2 $0x1082  }
0x22: {  	[simem:s7], [sflag:s8] =	dma.local @!p0 [hbm:s6], $0xF7A  }
0x23: {  	s9 =	sor.u32 $0xD0000000, s2;
	s6 =	simm.s32 $0x108;
	_ =	swait.ge @!p0 [sflag:s8], $0x0  }
0x24: {  	s3 =	sadd.s32 $0x88, s3;
	s6 =	simm.s32 @!p1 $0x1082;
	[sflag:s4] =	ssyncset.s32 $0xFFFFF086  }
0x25: {  	[simem:s6], [sflag:s4] =	dma.local [hbm:s3], $0xF7A  }
0x26: {  	[smem:$0x3F91] =	sst s1;
	(tag) =	ssettag s2;
	_ =	strace s9  }
0x27: {  	s1 =	sld [smem:$0x3FA1]  }
0x28: {  	s2 =	sld [smem:$0x3FA2]  }
0x29: {  	s4 =	sld [smem:$0x3FA4]  }
0x2a: {  	p0 =	seq.s32 s5, $0x0;
	s5 =	sld [smem:$0x3FA5]  }
0x2b: {  	s6 =	sld [smem:$0x3FA6]  }
0x2c: {  	s7 =	sld [smem:$0x3FA7]  }
0x2d: {  	s3 =	simm.s32 $0x108;
	s8 =	sld [smem:$0x3FA8]  }
0x2e: {  	s3 =	simm.s32 @!p0 $0x1082;
	s9 =	sld [smem:$0x3FA9]  }
0x2f: {  	lr =	sadd.s32 s0, s3;
	s0 =	sld [smem:$0x3FA0]  }
0x30: {  	s3 =	sld [smem:$0x3FA3]  }
0x31: {  	[smem:$0x3FAC] =	sst s10  }
0x32: {  	s10 =	sld [smem:$0x3FAA];
	_ =	sdelay $0x3  }
0x33: {  	p0 =	seq.s32 s10, $0x1;
	s10 =	sld [smem:$0x3FAC];
	_ =	sdelay $0x3  }
0x34: {  	[smem:$0x3FAC] =	sst s10  }
0x35: {  	s10 =	sld [smem:$0x3FAB];
	_ =	sdelay $0x3  }
0x36: {  	p1 =	seq.s32 s10, $0x1;
	s10 =	sld [smem:$0x3FAC];
	_ =	sdelay $0x3  }
0x37: {  	[smem:$0x3FAC] =	sst s10  }
0x38: {  	s10 =	sld [smem:$0x3FAD]  }
0x39: {  	_ = 	snop;
	(pc) =	sbr.ind lr, $3  }
0x3a: {  	_ = 	snop  }
0x3b: {  	_ = 	snop  }
0x3c: {  	p2 =	seq.s32 s10, $0x1;
	s10 =	sld [smem:$0x3FAC]  }
0x3d: {  	_ =	shalt  }
0x3e: {  	_ =	shalt  }
0x3f: {  	_ =	shalt  }
0x40: {  	_ =	shalt  }
0x41: {  	_ =	shalt  }
0x42: {  	_ =	shalt  }
0x43: {  	_ =	shalt  }
0x44: {  	_ =	shalt  }
0x45: {  	_ =	shalt  }
0x46: {  	_ =	shalt  }
0x47: {  	_ =	shalt  }
0x48: {  	_ =	shalt  }
0x49: {  	_ =	shalt  }
0x4a: {  	_ =	shalt  }
0x4b: {  	_ =	shalt  }
0x4c: {  	_ =	shalt  }
0x4d: {  	_ =	shalt  }
0x4e: {  	_ =	shalt  }
0x4f: {  	_ =	shalt  }
0x50: {  	_ =	shalt  }
0x51: {  	_ =	shalt  }
0x52: {  	_ =	shalt  }
0x53: {  	_ =	shalt  }
0x54: {  	_ =	shalt  }
0x55: {  	_ =	shalt  }
0x56: {  	_ =	shalt  }
0x57: {  	_ =	shalt  }
0x58: {  	_ =	shalt  }
0x59: {  	_ =	shalt  }
0x5a: {  	_ =	shalt  }
0x5b: {  	_ =	shalt  }
0x5c: {  	_ =	shalt  }
0x5d: {  	_ =	shalt  }
0x5e: {  	_ =	shalt  }
0x5f: {  	_ =	shalt  }
0x60: {  	_ =	shalt  }
0x61: {  	_ =	shalt  }
0x62: {  	_ =	shalt  }
0x63: {  	_ =	shalt  }
0x64: {  	_ =	shalt  }
0x65: {  	_ =	shalt  }
0x66: {  	_ =	shalt  }
0x67: {  	_ =	shalt  }
0x68: {  	_ =	shalt  }
0x69: {  	_ =	shalt  }
0x6a: {  	_ =	shalt  }
0x6b: {  	_ =	shalt  }
0x6c: {  	_ =	shalt  }
0x6d: {  	_ =	shalt  }
0x6e: {  	_ =	shalt  }
0x6f: {  	_ =	shalt  }
0x70: {  	_ =	shalt  }
0x71: {  	_ =	shalt  }
0x72: {  	_ =	shalt  }
0x73: {  	_ =	shalt  }
0x74: {  	_ =	shalt  }
0x75: {  	_ =	shalt  }
0x76: {  	_ =	shalt  }
0x77: {  	_ =	shalt  }
0x78: {  	_ =	shalt  }
0x79: {  	_ =	shalt  }
0x7a: {  	_ =	shalt  }
0x7b: {  	_ =	shalt  }
0x7c: {  	_ =	shalt  }
0x7d: {  	_ =	shalt  }
0x7e: {  	_ =	shalt  }
0x7f: {  	_ =	shalt  }
0x80: {  	_ =	shalt  }
0x81: {  	_ =	shalt  }
0x82: {  	_ =	shalt  }
0x83: {  	_ =	shalt  }
0x84: {  	_ =	shalt  }
0x85: {  	_ =	shalt  }
0x86: {  	_ =	shalt  }
0x87: {  	_ =	shalt  }
.Lfunc_end0:
.L_simem_size_0:
called_computation_lowered:
.L_overlay_start_0:
0x88: {  	s2 =	sld [smem:$0x3FD9]  }
0x89: {  	s3 =	sld [smem:$0x3FFE];
	_ =	sdelay $0x1  }
0x8a: {  	s1 =	srdreg.scid  }
0x8b: {  	s0 =	sand.u32 $0x1, s1  }
0x8c: {  	s17 =	sshll.u32 s0, $0xA;
	s2 =	sadd.s32 s3, s2  }
0x8d: {  	s2 =	sadd.s32 s2, s17  }
0x8e: {  	[smem:$0x3FB8] =	sst s2  }
0x8f: {  	_ = 	snop  }
0x90: {  	s2 =	sld [smem:$0x3FD0];
	(tm) =	ssettm $0x1  }
0x91: {  	s18 =	sld [smem:$0x3FFB];
	_ =	sdelay $0x3  }
0x92: {  	_ =	strace s18  }
0x93: {  	s3 =	sld [smem:$0x3FFC];
	_ =	sdelay $0x3  }
0x94: {  	_ =	strace s3  }
0x95: {  	s3 =	sld [smem:$0x3FFD];
	_ =	sdelay $0x3  }
0x96: {  	_ =	strace s3  }
0x97: {  	_ =	strace $0x8FFFFFFF  }
0x98: {  	s19 =	sld [smem:$0x3FDB];
	_ =	sdelay $0x1  }
0x99: {  	s4 =	simm.s32 $_scs_section_size  }
0x9a: {  	s5 =	simm.s32 $_size__tile_overlayer_lowered;
	s6 =	simm.s32 $_tile_overlayer_lowered  }
0x9b: {  	s22 =	simm.s32 $0x1BFF;
	s21 =	sshll.u32 s6, $0x1;
	s3 =	sadd.s32 s4, s19  }
0x9c: {  	s7 =	simm.s32 $0x0;
	s20 =	sshll.u32 s5, $0x1;
	s5 =	sadd.s32 s21, s3  }
0x9d: {  	[timem:s7], [sflag:s22] =	dma.local [hbm:s5], s20  }
0x9e: {  	_ =	swait.ge [sflag:s22], s20  }
0x9f: {  	s4 =	ssub.s32 $0x0, s20;
	[sflag:s22] =	ssyncset.done $0x0  }
0xa0: {  	[sflag:s22] =	ssyncadd.s32 s4;
	_ =	sdelay $0x1  }
0xa1: {  	s23 =	simm.s32 $0x1B8B  }
0xa2: {  	_ =	swait.ge [sflag:s23], $0x1  }
0xa3: {  	[sflag:s23] =	ssyncset.done $0x0  }
0xa4: {  	s25 =	simm.s32 $0x1B8E;
	s24 =	sld [smem:$0x3FFE];
	[sflag:s23] =	ssyncadd.s32 $0xFFFFFFFF  }
0xa5: {  	s26 =	simm.s32 $execute0_lowered;
	[smem:$0x3FD2] =	sst s25  }
0xa6: {  	s5 =	sshll.u32 s26, $0x1;
	_ =	strace $0x80000046;
	[dreg:$0x1] =	wrdreg $0xFFFFFFFF  }
0xa7: {  	s28 =	simm.s32 $_size_execute0_lowered;
	s3 =	sadd.s32 s3, s5;
	[dreg:$0x0] =	wrdreg $0x0  }
0xa8: {  	s5 =	sshll.u32 s28, $0x1;
	[dreg:$0x2] =	wrdreg s3  }
0xa9: {  	[dreg:$0x3] =	wrdreg s5  }
0xaa: {  	[dreg:$0x4] =	wrdreg $0xC0  }
0xab: {  	_ =	task [dreg:s7], $0x5FFFF  }
0xac: {  	[dreg:$0x1] =	wrdreg $0xFFFFFFFF  }
0xad: {  	[dreg:$0x0] =	wrdreg $0x60  }
0xae: {  	[dreg:$0x2] =	wrdreg s24  }
0xaf: {  	[dreg:$0x3] =	wrdreg s2  }
0xb0: {  	[dreg:$0x4] =	wrdreg $0x0  }
0xb1: {  	[dreg:$0x5] =	wrdreg $0xC800  }
0xb2: {  	[dreg:$0x6] =	wrdreg $0x9  }
0xb3: {  	_ =	task.clear_ibuf [dreg:s7], $0x7FFFF;
	_ =	strace $0x90000046  }
0xb4: {  	s29 =	simm.s32 $0x9;
	_ =	strace $0x80000048  }
0xb5: {  	_ =	swait.ge [sflag:s29], $0x1  }
0xb6: {  	[sflag:s29] =	ssyncadd.s32 $0xFFFFFFFF  }
0xb7: {  	_ =	strace $0x90000048  }
0xb8: {  	_ =	sfence  }
0xb9: {  	s30 =	sld [smem:$0x0];
	_ =	sdelay $0x2  }
0xba: {  	s31 =	sshll.u32 s1, $0xD;
	s1 =	sshrl.u32 s1, $0x2  }
0xbb: {  	s3 =	sand.u32 $0x4000, s31;
	s1 =	sadd.s32 s1, s30  }
0xbc: {  	s0 =	sor.u32 s3, s0;
	s1 =	sshll.u32 s1, $0x11  }
0xbd: {  	s0 =	sor.u32 s1, s0  }
0xbe: {  	s0 =	sadd.s32 $0x8F2B, s0  }
0xbf: {  	[sflag:s0] =	ssyncadd.remote.s32 $0x1  }
0xc0: {  	_ =	sfence.sel $0xFFFF  }
0xc1: {  	[dreg:$0x0] =	wrdreg $0xFFFFFFFF;
	(pc) =	sbr.abs _section_cstart, $3  }
0xc2: {  	[dreg:$0x1] =	wrdreg $0xFFFFFFFF  }
0xc3: {  	_ =	task.clear_ibuf [dreg:s7], $0x2FFFF;
	_ =	strace $0x9FFFFFFF  }
0xc4: {  	(tm) =	ssettm $0x7FFFFFFF  }
0xc5: {  	_ =	shalt  }
tec
execute0_lowered:
.L_overlay_start_1:
0x0: {  	(tag) =	ssettag $0x1  }
0x1: {  	s14 =	rddreg [dreg:$0x0]  }
0x2: {  	s1 =	rddreg [dreg:$0x1]  }
0x3: {  	s2 =	rddreg [dreg:$0x2]  }
0x4: {  	s3 =	rddreg [dreg:$0x3]  }
0x5: {  	s0 =	rddreg [dreg:$0x4]  }
0x6: {  	s4 =	simm.s32 $0x0;
	s11 =	srdreg.scid;
	s7 =	stileid.u32  }
0x7: {  	s20 =	simm.s32 $0x2;
	s21 =	simm.s32 $0x3200;
	s22 =	simm.s32 $0x1900  }
0x8: {  	s23 =	simm.s32 $0x2580;
	s24 =	simm.s32 $0x80;
	s25 =	simm.s32 $0x1  }
0x9: {  	s26 =	simm.s32 $0x0;
	[smem:$0x7FF] =	sst s4;
	s5 =	sadd.s32 $0x1B400, s14  }
0xa: {  	s6 =	sadd.s32 $0x2C00, s14;
	s8 =	sadd.s32 $0x4C400, s14;
	s9 =	sadd.s32 $0x33C00, s14  }
0xb: {  	s10 =	sadd.s32 $0x64C00, s14;
	s19 =	sand.u32 $0x1, s11;
	s17 =	smul.u32 $0xC80, s7  }
.Ltmp0:
0xc: {  	s11 =	sadd.s32 $0x69C00, s14;
	s12 =	sadd.s32 $0x66800, s14;
	(pc) =	sbr.rel .LBB2_1-.Ltmp0, $4  }
0xd: {  	s13 =	sadd.s32 $0x64E00, s14;
	s14 =	sadd.s32 $0x68200, s14;
	s15 =	ssub.s32 $0x2, s19  }
0xe: {  	_ =	strace $0x80000047;
	p0 =	sne.s32 s19, $0x0;
	s16 =	sshrl.u32 s15, $0x1  }
0xf: {  	s19 =	simm.s32 $0x3280;
	s18 =	ssub.s32 s15, s16;
	s15 =	sadd.s32 s17, s2  }
0x10: {  	s16 =	sadd.s32 s17, s3;
	s17 =	sshrl.u32 s17, $0x3;
	s18 =	smax.u32 s18, $0x1  }
.LBB2_17:
0x11: {  	s29 =	smov.u32 s13;
	s28 =	smov.u32 s14  }
.LBB2_18:
0x12: {  	[bflag:$0x0] =	sbarrier.arrive $0xFFFF  }
0x13: {  	[tilespmem:s19], [sflag:$0x2] =	stream.linear.gather [spmem:s15], $0xC80, $0x38;
	[tilespmem:$0x3F00] =	vst v63  }
0x14: {  	_ =	swait.ge [sflag:s20], $0xC80  }
0x15: {  	[sflag:s20] =	ssyncset.done $0x0  }
0x16: {  	s29 =	sadd.s32 s29, s17;
	[sflag:s20] =	ssyncadd.s32 $0xFFFFF380  }
0x17: {  	[hbm4b:s29+s4] =	stream.linear.scatter [tilespmem:s19], [sflag:$0x2], $0xC80, $0x38;
	[tilespmem:$0x3F00] =	vst v63  }
0x18: {  	_ =	swait.ge [sflag:s20], $0xC80  }
0x19: {  	[sflag:s20] =	ssyncset.done $0x0  }
0x1a: {  	[sflag:s20] =	ssyncadd.s32 $0xFFFFF380  }
0x1b: {  	[tilespmem:s19], [sflag:$0x2] =	stream.linear.gather [spmem:s16], $0xC80, $0x38;
	[tilespmem:$0x3F00] =	vst v63  }
0x1c: {  	s26 =	sadd.s32 $0x1, s26;
	_ =	swait.ge [sflag:s20], $0xC80  }
0x1d: {  	p1 =	sne.s32 s26, s18;
	[sflag:s20] =	ssyncset.done $0x0  }
.Ltmp1:
0x1e: {  	s28 =	sadd.s32 s28, s17;
	[sflag:s20] =	ssyncadd.s32 $0xFFFFF380;
	(pc) =	sbr.rel @!p1 .LBB2_19-.Ltmp1, $4  }
0x1f: {  	[hbm4b:s28+s4] =	stream.linear.scatter [tilespmem:s19], [sflag:$0x2], $0xC80, $0x38;
	[tilespmem:$0x3F00] =	vst v63  }
0x20: {  	_ =	swait.ge [sflag:s20], $0xC80  }
0x21: {  	[sflag:s20] =	ssyncset.done $0x0  }
0x22: {  	[sflag:s20] =	ssyncadd.s32 $0xFFFFF380  }
.LBB2_1:
0x23: {  	[tilespmem:s19], [sflag:$0x2] =	stream.linear.gather [hbm4b:s10+s4], $0xC80, $0x38;
	[tilespmem:$0x3F00] =	vst v63  }
0x24: {  	_ =	swait.ge [sflag:s20], $0xC80  }
0x25: {  	[sflag:s20] =	ssyncset.done $0x0  }
0x26: {  	[sflag:s20] =	ssyncadd.s32 $0xFFFFF380  }
0x27: {  	[spmem:s15] =	stream.linear.scatter [tilespmem:s19], [sflag:$0x2], $0xC80, $0x38;
	[tilespmem:$0x3F00] =	vst v63  }
0x28: {  	_ =	swait.ge [sflag:s20], $0xC80  }
0x29: {  	[sflag:s20] =	ssyncset.done $0x0  }
0x2a: {  	[sflag:s20] =	ssyncadd.s32 $0xFFFFF380  }
0x2b: {  	[spmem:s16] =	stream.linear.scatter [tilespmem:s19], [sflag:$0x2], $0xC80, $0x38;
	[tilespmem:$0x3F00] =	vst v63  }
0x2c: {  	_ =	swait.ge [sflag:s20], $0xC80  }
0x2d: {  	[sflag:s20] =	ssyncset.done $0x0  }
0x2e: {  	[sflag:s20] =	ssyncadd.s32 $0xFFFFF380  }
0x2f: {  	[tilespmem:s21], [sflag:$0x2] =	stream.linear.gather [hbm4b:s1+s4], $0x80, $0x38;
	[tilespmem:$0x3F00] =	vst v63  }
.Ltmp2:
0x30: {  	_ =	swait.ge [sflag:s20], $0x80;
	(pc) =	sbr.rel @p0 .LBB2_10-.Ltmp2, $4  }
.Ltmp3:
0x31: {  	[sflag:s20] =	ssyncset.done $0x0;
	(pc) =	sbr.rel @!p0 .LBB2_2-.Ltmp3, $4  }
0x32: {  	[sflag:s20] =	ssyncadd.s32 $0xFFFFFF80  }
0x33: {  	[bflag:$0x0] =	sbarrier.arrive $0xFFFF  }
0x34: {  	s28 =	simm.s32 $0x0;
	s29 =	simm.s32 $0x0  }
0x35: {  	_ = 	snop  }
.LBB2_8:
0x36: {  	s28 =	sadd.s32 $0x1, s28  }
0x37: {  	p1 =	seq.s32 s28, $0x10  }
.Ltmp4:
0x38: {  	_ = 	snop;
	(pc) =	sbr.rel @p1 .LBB2_9-.Ltmp4, $1  }
0x39: {  	_ =	sdelay $0x3  }
.LBB2_2:
0x3a: {  	s29 =	sshll.u32 s28, $0x4  }
0x3b: {  	s29 =	sor.u32 s7, s29  }
0x3c: {  	p1 =	sgt.u32 s29, $0xF9  }
.Ltmp5:
0x3d: {  	_ = 	snop;
	(pc) =	sbr.rel @p1 .LBB2_8-.Ltmp5, $1  }
0x3e: {  	_ =	sdelay $0x3  }
0x3f: {  	s29 =	smul.u32 $0x190, s29;
	_ =	sdelay $0x1  }
0x40: {  	s31 =	simm.s32 $0x0;
	s30 =	sadd.s32 s5, s29  }
0x41: {  	[tilespmem:s22], [sflag:$0x2] =	stream.linear.gather [hbm4b:s30+s31], $0xC80, $0x38;
	[tilespmem:$0x3F00] =	vst v63  }
0x42: {  	_ =	swait.ge [sflag:s20], $0xC80  }
0x43: {  	[sflag:s20] =	ssyncset.done $0x0  }
0x44: {  	s29 =	sadd.s32 s6, s29;
	[sflag:s20] =	ssyncadd.s32 $0xFFFFF380  }
0x45: {  	[tilespmem:s23], [sflag:$0x2] =	stream.linear.gather [hbm4b:s29+s31], $0xC80, $0x38;
	[tilespmem:$0x3F00] =	vst v63  }
0x46: {  	_ =	swait.ge [sflag:s20], $0xC80  }
0x47: {  	[sflag:s20] =	ssyncset.done $0x0  }
0x48: {  	s29 =	simm.s32 $0x1900;
	[sflag:s20] =	ssyncadd.s32 $0xFFFFF380  }
0x49: {  	[spmem:s2] =	stream.indirect.scatter.add.f32 [tilespmem:s21], [sflag:$0x1], $0x1, s29, s24, $0xb8;
	[tilespmem:$0x3F00] =	vst v63  }
0x4a: {  	s30 =	simm.s32 $0x2580;
	s29 =	simm.s32 $0x200  }
.LBB2_4:
0x4b: {  	[spmem:s3] =	stream.indirect.scatter.add.f32 [tilespmem:s21], [sflag:$0x1], $0x1, s30, s24, $0xb8;
	[tilespmem:$0x3F00] =	vst v63  }
0x4c: {  	s30 =	smov.u32 s29;
	p1 =	sne.s32 s29, $0x3000  }
.Ltmp6:
0x4d: {  	s29 =	sadd.s32 $0x200, s29;
	(pc) =	sbr.rel @p1 .LBB2_4-.Ltmp6, $4  }
0x4e: {  	s30 =	sshra.s32 s30, $0x2  }
0x4f: {  	s31 =	sadd.s32 $0x1900, s30  }
0x50: {  	[spmem:s2] =	stream.indirect.scatter.add.f32 [tilespmem:s21], [sflag:$0x1], $0x1, s31, s24, $0xb8;
	[tilespmem:$0x3F00] =	vst v63  }
0x51: {  	s30 =	sadd.s32 $0x2580, s30  }
0x52: {  	[spmem:s3] =	stream.indirect.scatter.add.f32 [tilespmem:s21], [sflag:$0x1], $0x1, s30, s24, $0xb8;
	[tilespmem:$0x3F00] =	vst v63  }
0x53: {  	_ =	swait.ge [sflag:s25], $0x80  }
0x54: {  	[sflag:s25] =	ssyncset.done $0x0  }
0x55: {  	[sflag:s25] =	ssyncadd.s32 $0xFFFFFF80  }
0x56: {  	_ =	swait.ge [sflag:s25], $0x80  }
0x57: {  	s29 =	simm.s32 $0x18;
	[sflag:s25] =	ssyncset.done $0x0  }
.LBB2_6:
0x58: {  	p1 =	sne.s32 s29, $0x1;
	s29 =	sadd.s32 $0xFFFFFFFF, s29;
	[sflag:s25] =	ssyncadd.s32 $0xFFFFFF80  }
.Ltmp7:
0x59: {  	_ =	swait.ge [sflag:s25], $0x80;
	(pc) =	sbr.rel @p1 .LBB2_6-.Ltmp7, $4  }
0x5a: {  	[sflag:s25] =	ssyncset.done $0x0  }
0x5b: {  	[sflag:s25] =	ssyncadd.s32 $0xFFFFFF80  }
0x5c: {  	_ =	swait.ge [sflag:s25], $0x80  }
0x5d: {  	[sflag:s25] =	ssyncset.done $0x0  }
.Ltmp8:
0x5e: {  	(pc) =	sbr.rel .LBB2_8-.Ltmp8, $2  }
0x5f: {  	_ =	sdelay $0x2  }
0x60: {  	[sflag:s25] =	ssyncadd.s32 $0xFFFFFF80  }
.LBB2_15:
0x61: {  	[sflag:s25] =	ssyncadd.s32 $0xFFFFFF80  }
.LBB2_16:
0x62: {  	s29 =	sadd.s32 $0x1, s29  }
0x63: {  	p1 =	sne.s32 s29, $0x10  }
.Ltmp9:
0x64: {  	_ = 	snop;
	(pc) =	sbr.rel @!p1 .LBB2_17-.Ltmp9, $1  }
0x65: {  	_ =	sdelay $0x3  }
.LBB2_10:
0x66: {  	s28 =	sshll.u32 s29, $0x4  }
0x67: {  	s28 =	sor.u32 s7, s28  }
0x68: {  	p1 =	sgt.u32 s28, $0xF9  }
.Ltmp10:
0x69: {  	_ = 	snop;
	(pc) =	sbr.rel @p1 .LBB2_16-.Ltmp10, $1  }
0x6a: {  	_ =	sdelay $0x3  }
0x6b: {  	s28 =	smul.u32 $0x190, s28;
	_ =	sdelay $0x1  }
0x6c: {  	s31 =	simm.s32 $0x0;
	s30 =	sadd.s32 s8, s28  }
0x6d: {  	[tilespmem:s22], [sflag:$0x2] =	stream.linear.gather [hbm4b:s30+s31], $0xC80, $0x38;
	[tilespmem:$0x3F00] =	vst v63  }
0x6e: {  	_ =	swait.ge [sflag:s20], $0xC80  }
0x6f: {  	[sflag:s20] =	ssyncset.done $0x0  }
0x70: {  	s28 =	sadd.s32 s9, s28;
	[sflag:s20] =	ssyncadd.s32 $0xFFFFF380  }
0x71: {  	[tilespmem:s23], [sflag:$0x2] =	stream.linear.gather [hbm4b:s28+s31], $0xC80, $0x38;
	[tilespmem:$0x3F00] =	vst v63  }
0x72: {  	_ =	swait.ge [sflag:s20], $0xC80  }
0x73: {  	[sflag:s20] =	ssyncset.done $0x0  }
0x74: {  	s28 =	simm.s32 $0x1900;
	[sflag:s20] =	ssyncadd.s32 $0xFFFFF380  }
0x75: {  	[spmem:s2] =	stream.indirect.scatter.add.f32 [tilespmem:s21], [sflag:$0x1], $0x1, s28, s24, $0xb8;
	[tilespmem:$0x3F00] =	vst v63  }
0x76: {  	s30 =	simm.s32 $0x2580;
	s28 =	simm.s32 $0x200  }
.LBB2_12:
0x77: {  	[spmem:s3] =	stream.indirect.scatter.add.f32 [tilespmem:s21], [sflag:$0x1], $0x1, s30, s24, $0xb8;
	[tilespmem:$0x3F00] =	vst v63  }
0x78: {  	s30 =	smov.u32 s28;
	p1 =	sne.s32 s28, $0x3000  }
.Ltmp11:
0x79: {  	s28 =	sadd.s32 $0x200, s28;
	(pc) =	sbr.rel @p1 .LBB2_12-.Ltmp11, $4  }
0x7a: {  	s30 =	sshra.s32 s30, $0x2  }
0x7b: {  	s31 =	sadd.s32 $0x1900, s30  }
0x7c: {  	[spmem:s2] =	stream.indirect.scatter.add.f32 [tilespmem:s21], [sflag:$0x1], $0x1, s31, s24, $0xb8;
	[tilespmem:$0x3F00] =	vst v63  }
0x7d: {  	s30 =	sadd.s32 $0x2580, s30  }
0x7e: {  	[spmem:s3] =	stream.indirect.scatter.add.f32 [tilespmem:s21], [sflag:$0x1], $0x1, s30, s24, $0xb8;
	[tilespmem:$0x3F00] =	vst v63  }
0x7f: {  	_ =	swait.ge [sflag:s25], $0x80  }
0x80: {  	[sflag:s25] =	ssyncset.done $0x0  }
0x81: {  	[sflag:s25] =	ssyncadd.s32 $0xFFFFFF80  }
0x82: {  	_ =	swait.ge [sflag:s25], $0x80  }
0x83: {  	s28 =	simm.s32 $0x18;
	[sflag:s25] =	ssyncset.done $0x0  }
.LBB2_14:
0x84: {  	p1 =	sne.s32 s28, $0x1;
	s28 =	sadd.s32 $0xFFFFFFFF, s28;
	[sflag:s25] =	ssyncadd.s32 $0xFFFFFF80  }
.Ltmp12:
0x85: {  	_ =	swait.ge [sflag:s25], $0x80;
	(pc) =	sbr.rel @p1 .LBB2_14-.Ltmp12, $4  }
0x86: {  	[sflag:s25] =	ssyncset.done $0x0  }
0x87: {  	[sflag:s25] =	ssyncadd.s32 $0xFFFFFF80  }
0x88: {  	_ =	swait.ge [sflag:s25], $0x80  }
0x89: {  	[sflag:s25] =	ssyncset.done $0x0  }
.Ltmp13:
0x8a: {  	_ = 	snop;
	(pc) =	sbr.rel .LBB2_15-.Ltmp13, $1  }
0x8b: {  	_ =	sdelay $0x3  }
.LBB2_9:
.Ltmp14:
0x8c: {  	(pc) =	sbr.rel .LBB2_18-.Ltmp14, $2  }
0x8d: {  	_ =	sdelay $0x2  }
0x8e: {  	s29 =	smov.u32 s11;
	s28 =	smov.u32 s12  }
.LBB2_19:
0x8f: {  	_ =	sfence.sel $0x180000  }
0x90: {  	[bflag:$0x0] =	sbarrier.arrive $0xFFFF  }
0x91: {  	p0 =	sne.s32 s7, $0x0;
	_ =	strace $0x90000047  }
0x92: {  	s0 =	sadd.s32 @!p0 $0x100000, s0;
	[bflag:$0x2] =	sbarrier.arrive $0xFFFF  }
0x93: {  	[sflag:s0] =	ssyncadd.tile.s32 @!p0 $0x1;
	_ =	shalt  }
.Lfunc_end2:
_tile_overlayer_lowered:
.L_overlay_start_2:
0x94: {  	(tag) =	ssettag $0x2  }
0x95: {  	s0 =	rddreg [dreg:$0x0];
	s2 =	stileid.u32  }
0x96: {  	s1 =	rddreg [dreg:$0x1];
	p0 =	sne.s32 s2, $0x0  }
0x97: {  	s3 =	rddreg [dreg:$0x2];
	[bflag:$0x3] =	sbarrier.arrive $0xFFFF;
	s2 =	simm.s32 @!p0 $0x1C02  }
0x98: {  	[timem:s3], [sflag:s2] =	dma.local @!p0 [hbm:s0], s1  }
0x99: {  	s0 =	simm.s32 @!p0 $0x2  }
0x9a: {  	_ =	swait.ge @!p0 [sflag:s0], s1  }
0x9b: {  	s1 =	ssub.s32 @!p0 $0x0, s1;
	[sflag:s0] =	ssyncset.done @!p0 $0x0  }
0x9c: {  	[sflag:s0] =	ssyncadd.s32 @!p0 s1  }
0x9d: {  	[bflag:$0x3] =	sbarrier.arrive $0xFFFF  }
0x9e: {  	_ =	shalt  }

</sc_bundles>
